<compile_context>
chip_gen: v7x
topology: tpu7x:2x2x1
jax: 0.10.2.dev20260603
libtpu: 0.0.44.dev20260713+nightly
codegen_flags: <defaults>
</compile_context>

<pallas_src>
import functools

import jax
import jax.numpy as jnp
from jax.experimental import pallas as pl
from jax.experimental.pallas import tpu as pltpu
from jax.experimental.pallas import tpu_sc as plsc

N = 10000
D = 128
E = 320000
K_HOPS = 2
NC = 2
NS = 16
NW = NC * NS
EPW_RAW = E // NW
C = 200
HOP_C = 200
EPW = EPW_RAW
NCHUNK_HOP = EPW // HOP_C
NCHUNK = EPW // C
N_PAD = 10016
DUMP = N
ROWS_PER_SUB = 1000
DEG_W = 128
DEG_R = N_PAD * DEG_W // 128


def _vector_mesh():
    return plsc.VectorSubcoreMesh(core_axis_name="c", subcore_axis_name="s")


def _deg_sc(dstp, zeros_nd, ones_cw):

    @functools.partial(
        pl.kernel,
        out_type=jax.ShapeDtypeStruct((NC, N, DEG_W), jnp.float32),
        mesh=_vector_mesh(),
        scratch_types=[
            pltpu.VMEM((C,), jnp.int32),
            pltpu.VMEM((C,), jnp.int32),
            pltpu.VMEM((C, DEG_W), jnp.float32),
            pltpu.VMEM_SHARED((N_PAD, DEG_W), jnp.float32),
            pltpu.SemaphoreType.DMA,
            pltpu.SemaphoreType.DMA,
        ],
    )
    def k(dst_hbm, z_hbm, ones_hbm, out_hbm, didx0, didx1, ones_v, acc, sem0, sem1):
        didx = (didx0, didx1)
        cid = jax.lax.axis_index("c")
        sid = jax.lax.axis_index("s")
        base0 = (cid * NS + sid) * EPW
        sems = (sem0, sem1)

        didx_d = {}

        def issue_idx(c):
            s = c & 1
            didx_d[c] = pltpu.async_copy(
                dst_hbm.at[pl.ds(base0 + c * C, C)], didx[s], sems[s]
            )

        issue_idx(0)
        if NCHUNK > 1:
            issue_idx(1)
        pltpu.sync_copy(ones_hbm, ones_v)

        @pl.when(sid < 10)
        def _():
            r = sid * ROWS_PER_SUB
            pltpu.sync_copy(
                z_hbm.at[pl.ds(r, ROWS_PER_SUB)], acc.at[pl.ds(r, ROWS_PER_SUB)]
            )

        @pl.when(sid == 10)
        def _():
            pltpu.sync_copy(
                z_hbm.at[pl.ds(N, N_PAD - N)], acc.at[pl.ds(N, N_PAD - N)]
            )

        plsc.subcore_barrier()

        for c in range(NCHUNK):
            s = c & 1
            didx_d[c].wait()
            pltpu.sync_copy(ones_v, acc.at[didx[s]], add=True)
            if c + 2 < NCHUNK:
                issue_idx(c + 2)

        plsc.subcore_barrier()

        @pl.when(sid < 10)
        def _():
            r = sid * ROWS_PER_SUB
            pltpu.sync_copy(
                acc.at[pl.ds(r, ROWS_PER_SUB)],
                out_hbm.at[cid, pl.ds(r, ROWS_PER_SUB)],
            )

    return k(dstp, zeros_nd, ones_cw)


def _hop_sc(h, srcp, dstp, zeros_nd):

    @functools.partial(
        pl.kernel,
        out_type=jax.ShapeDtypeStruct((NC, N, D), jnp.float32),
        mesh=_vector_mesh(),
        scratch_types=[
            pltpu.VMEM((HOP_C,), jnp.int32),
            pltpu.VMEM((HOP_C,), jnp.int32),
            pltpu.VMEM((HOP_C, D), jnp.float32),
            pltpu.VMEM_SHARED((N_PAD, D), jnp.float32),
            pltpu.SemaphoreType.DMA,
        ],
    )
    def k(h_hbm, src_hbm, dst_hbm, z_hbm, out_hbm,
          sidx, didx, rows, acc, sem):
        cid = jax.lax.axis_index("c")
        sid = jax.lax.axis_index("s")
        base0 = (cid * NS + sid) * EPW

        @pl.when(sid < 10)
        def _():
            r = sid * ROWS_PER_SUB
            pltpu.sync_copy(
                z_hbm.at[pl.ds(r, ROWS_PER_SUB)], acc.at[pl.ds(r, ROWS_PER_SUB)]
            )

        @pl.when(sid == 10)
        def _():
            pltpu.sync_copy(
                z_hbm.at[pl.ds(N, N_PAD - N)], acc.at[pl.ds(N, N_PAD - N)]
            )

        plsc.subcore_barrier()

        @pl.loop(0, NCHUNK_HOP)
        def _(c):
            b = base0 + c * HOP_C
            pltpu.sync_copy(src_hbm.at[pl.ds(b, HOP_C)], sidx)
            pltpu.async_copy(h_hbm.at[sidx], rows, sem).wait()
            pltpu.sync_copy(dst_hbm.at[pl.ds(b, HOP_C)], didx)
            pltpu.sync_copy(rows, acc.at[didx], add=True)

        plsc.subcore_barrier()

        @pl.when(sid < 10)
        def _():
            r = sid * ROWS_PER_SUB
            pltpu.sync_copy(
                acc.at[pl.ds(r, ROWS_PER_SUB)],
                out_hbm.at[cid, pl.ds(r, ROWS_PER_SUB)],
            )

    return k(h, srcp, dstp, zeros_nd)


def _prep_tc(node_feat, degp):

    def body(nf_ref, degp_ref, hs_ref, dn_ref):
        deg = degp_ref[0, :, 0:1] + degp_ref[1, :, 0:1]
        dn = jnp.where(deg > 0, jax.lax.rsqrt(jnp.maximum(deg, 1.0)), 0.0)
        dn_ref[...] = dn
        hs_ref[...] = nf_ref[...] * dn

    return pl.pallas_call(
        body,
        out_shape=(
            jax.ShapeDtypeStruct((N, D), jnp.float32),
            jax.ShapeDtypeStruct((N, 1), jnp.float32),
        ),
    )(node_feat, degp)


def _standardize(t):
    mu = jnp.mean(t, axis=0, keepdims=True)
    c = t - mu
    sd = jnp.sqrt(jnp.sum(c * c, axis=0, keepdims=True) / (N - 1))
    return c / (sd + 1e-5)


def _mid_tc(p, dn):

    def body(p_ref, dn_ref, out_ref):
        t = (p_ref[0] + p_ref[1]) * dn_ref[...]
        out_ref[...] = _standardize(t) * dn_ref[...]

    return pl.pallas_call(
        body, out_shape=jax.ShapeDtypeStruct((N, D), jnp.float32)
    )(p, dn)


def _final_tc(p, dn, W, b2):

    def body(p_ref, dn_ref, w_ref, b_ref, out_ref):
        t = (p_ref[0] + p_ref[1]) * dn_ref[...]
        t = _standardize(t)
        out_ref[...] = (
            jnp.dot(t, w_ref[...], preferred_element_type=jnp.float32)
            + b_ref[...]
        )

    return pl.pallas_call(
        body, out_shape=jax.ShapeDtypeStruct((N, D), jnp.float32)
    )(p, dn, W, b2)


def kernel(node_feat, edge_index, W, b):
    src = edge_index[0]
    dst = edge_index[1]
    srcp = src
    dstp = dst
    zeros_nd = jnp.zeros((N_PAD, D), jnp.float32)
    ones_cw = jnp.ones((C, DEG_W), jnp.float32)

    degp = _deg_sc(dstp, zeros_nd, ones_cw)
    hs, dn = _prep_tc(node_feat, degp)
    p = None
    for hop in range(K_HOPS):
        p = _hop_sc(hs, srcp, dstp, zeros_nd)
        if hop < K_HOPS - 1:
            hs = _mid_tc(p, dn)
    return _final_tc(p, dn, W, b.reshape(1, D))

# --- scband reference (transcript-rebuilt; emitter-appended) ---
"""Pipeline reference for scband-sgc-46411416600914 (READ-ONLY COPY).

The authoritative reference and input builder live on the scoring server;
editing this copy changes nothing except your own understanding.
"""

import jax, jax.numpy as jnp
import numpy as np

N_NODES = 10000
N_EDGES = 320000
D_IN = 128
D_OUT = 128
K_HOPS = 2


def setup_inputs(seed: int = 0) -> dict:
    key = jax.random.key(seed)
    k1, k2, k3, k4 = jax.random.split(key, 4)
    node_feat = jax.random.normal(k1, (N_NODES, D_IN), dtype=jnp.float32)
    edge_index = jax.random.randint(k2, (2, N_EDGES), 0, N_NODES, dtype=jnp.int32)
    # Learned parameters of the final linear layer (SGConv fc)
    W = jax.random.normal(k3, (D_IN, D_OUT), dtype=jnp.float32) * 0.05
    b = jnp.zeros((D_OUT,), dtype=jnp.float32)
    return {"node_feat": node_feat, "edge_index": edge_index, "W": W, "b": b}


def reference(node_feat, edge_index, W, b):
    # SGC: h <- norm( D^{-1/2} A D^{-1/2} h ) repeated K times, then linear.
    # norm(h) = (h - mean_0(h)) / (std_0(h, unbiased) + 1e-5)
    N = node_feat.shape[0]
    src = edge_index[0]
    dst = edge_index[1]
    # symmetric degree normalization based on in-degrees (DGL SGConv convention)
    deg = jnp.zeros((N,), dtype=node_feat.dtype).at[dst].add(1.0)
    dnorm = jnp.where(deg > 0, jax.lax.rsqrt(jnp.maximum(deg, 1.0)), 0.0)
    h = node_feat
    for _ in range(K_HOPS):
        h = h * dnorm[:, None]
        msg = jnp.take(h, src, axis=0)            # gather along src nodes
        h = jnp.zeros_like(h).at[dst].add(msg)    # scatter-add to dst nodes
        h = h * dnorm[:, None]
        # feature standardization (the custom norm callable)
        mu = h.mean(axis=0)
        sd = h.std(axis=0, ddof=1)
        h = (h - mu) / (sd + 1e-5)
    return h @ W + b

if __name__ == "__main__":
    import jax
    _d = setup_inputs()
    print(jax.jit(kernel)(*tuple(_d.values())))

</pallas_src>

<mosaic_0001>
#map = affine_map<(d0, d1) -> (0)>
#map1 = affine_map<(d0, d1) -> (0, 0)>
#map2 = affine_map<(d0, d1) -> (0, 0, 0)>
module attributes {stable_mosaic.version = 14 : i64} {
  func.func @k(%arg0: i32, %arg1: i32, %arg2: memref<320000xi32, #tpu.memory_space<hbm>>, %arg3: memref<10016x128xf32, #tpu.memory_space<hbm>>, %arg4: memref<200x128xf32, #tpu.memory_space<hbm>>, %arg5: memref<2x10000x128xf32, #tpu.memory_space<hbm>>, %arg6: memref<200xi32, #tpu.memory_space<vmem>>, %arg7: memref<200xi32, #tpu.memory_space<vmem>>, %arg8: memref<200x128xf32, #tpu.memory_space<vmem>>, %arg9: memref<10016x128xf32, #tpu.memory_space<vmem_shared>>, %arg10: memref<!tpu.dma_semaphore, #tpu.memory_space<semaphore_mem>>, %arg11: memref<!tpu.dma_semaphore, #tpu.memory_space<semaphore_mem>>) attributes {dimension_semantics = [#tpu.dimension_semantics<core_parallel>, #tpu.dimension_semantics<subcore_parallel>], iteration_bounds = array<i64: 2, 16>, scalar_prefetch = 0 : i64, scratch_operands = 6 : i64, tpu.core_type = #tpu.core_type<sc_vector_subcore>, window_params = [{transform_indices = #map}, {transform_indices = #map1}, {transform_indices = #map1}, {transform_indices = #map2}]} {
    %mul3A = arith.constant 16 : i32
    %mul3A_0 = arith.muli %arg0, %mul3A : i32
    %add3A = arith.addi %mul3A_0, %arg1 : i32
    %mul3A_1 = arith.constant 10000 : i32
    %mul3A_2 = arith.muli %add3A, %mul3A_1 : i32
    %add3A_3 = arith.constant 0 : i32
    %add3A_4 = arith.addi %mul3A_2, %add3A_3 : i32
    %dma_start3A = tpu.memref_slice %arg2[%add3A_4] : memref<320000xi32, #tpu.memory_space<hbm>> -> memref<200xi32, #tpu.memory_space<hbm>>
    %dma_start3A_5 = tpu.memref_slice %arg2[%add3A_4] : memref<320000xi32, #tpu.memory_space<hbm>> -> memref<200xi32, #tpu.memory_space<hbm>>
    tpu.enqueue_dma source(%dma_start3A_5 : memref<200xi32, #tpu.memory_space<hbm>>) target(%arg6 : memref<200xi32, #tpu.memory_space<vmem>>) target_semaphore(%arg10 : memref<!tpu.dma_semaphore, #tpu.memory_space<semaphore_mem>>)
    %add3A_6 = arith.constant 200 : i32
    %add3A_7 = arith.addi %mul3A_2, %add3A_6 : i32
    %dma_start3A_8 = tpu.memref_slice %arg2[%add3A_7] : memref<320000xi32, #tpu.memory_space<hbm>> -> memref<200xi32, #tpu.memory_space<hbm>>
    %dma_start3A_9 = tpu.memref_slice %arg2[%add3A_7] : memref<320000xi32, #tpu.memory_space<hbm>> -> memref<200xi32, #tpu.memory_space<hbm>>
    tpu.enqueue_dma source(%dma_start3A_9 : memref<200xi32, #tpu.memory_space<hbm>>) target(%arg7 : memref<200xi32, #tpu.memory_space<vmem>>) target_semaphore(%arg11 : memref<!tpu.dma_semaphore, #tpu.memory_space<semaphore_mem>>)
    "tpu.region"() ({
      %run_scoped3A = tpu.sem_alloc : memref<!tpu.dma_semaphore, #tpu.memory_space<semaphore_mem>>
      tpu.enqueue_dma source(%arg4 : memref<200x128xf32, #tpu.memory_space<hbm>>) target(%arg8 : memref<200x128xf32, #tpu.memory_space<vmem>>) target_semaphore(%run_scoped3A : memref<!tpu.dma_semaphore, #tpu.memory_space<semaphore_mem>>)
      tpu.wait_dma2 semaphore(%run_scoped3A : memref<!tpu.dma_semaphore, #tpu.memory_space<semaphore_mem>>) src(%arg4 : memref<200x128xf32, #tpu.memory_space<hbm>>) dst(%arg8 : memref<200x128xf32, #tpu.memory_space<vmem>>)
      tpu.yield
    }) : () -> ()
    %lt3A = arith.constant 10 : i32
    %lt3A_10 = arith.cmpi slt, %arg1, %lt3A : i32
    %convert_element_type3A = arith.extui %lt3A_10 : i1 to i32
    %cond3A = arith.constant 0 : i32
    %cond3A_11 = arith.cmpi ne, %convert_element_type3A, %cond3A : i32
    scf.if %cond3A_11 {
      %mul3A_313 = arith.constant 1000 : i32
      %mul3A_314 = arith.muli %arg1, %mul3A_313 : i32
      "tpu.region"() ({
        %run_scoped3A = tpu.sem_alloc : memref<!tpu.dma_semaphore, #tpu.memory_space<semaphore_mem>>
        %dma_start3A_315 = arith.constant 0 : i32
        %dma_start3A_316 = tpu.memref_slice %arg9[%mul3A_314, %dma_start3A_315] : memref<10016x128xf32, #tpu.memory_space<vmem_shared>> -> memref<1000x128xf32, #tpu.memory_space<vmem_shared>>
        %dma_start3A_317 = arith.constant 0 : i32
        %dma_start3A_318 = tpu.memref_slice %arg3[%mul3A_314, %dma_start3A_317] : memref<10016x128xf32, #tpu.memory_space<hbm>> -> memref<1000x128xf32, #tpu.memory_space<hbm>>
        tpu.enqueue_dma source(%dma_start3A_318 : memref<1000x128xf32, #tpu.memory_space<hbm>>) target(%dma_start3A_316 : memref<1000x128xf32, #tpu.memory_space<vmem_shared>>) target_semaphore(%run_scoped3A : memref<!tpu.dma_semaphore, #tpu.memory_space<semaphore_mem>>)
        %dma_wait3A_319 = arith.constant 0 : i32
        %dma_wait3A_320 = tpu.memref_slice %arg9[%mul3A_314, %dma_wait3A_319] : memref<10016x128xf32, #tpu.memory_space<vmem_shared>> -> memref<1000x128xf32, #tpu.memory_space<vmem_shared>>
        %dma_wait3A_321 = arith.constant 0 : i32
        %dma_wait3A_322 = tpu.memref_slice %arg3[%mul3A_314, %dma_wait3A_321] : memref<10016x128xf32, #tpu.memory_space<hbm>> -> memref<1000x128xf32, #tpu.memory_space<hbm>>
        tpu.wait_dma2 semaphore(%run_scoped3A : memref<!tpu.dma_semaphore, #tpu.memory_space<semaphore_mem>>) src(%dma_wait3A_322 : memref<1000x128xf32, #tpu.memory_space<hbm>>) dst(%dma_wait3A_320 : memref<1000x128xf32, #tpu.memory_space<vmem_shared>>)
        tpu.yield
      }) : () -> ()
    } else {
    }
    %eq3A = arith.constant 10 : i32
    %eq3A_12 = arith.cmpi eq, %arg1, %eq3A : i32
    %convert_element_type3A_13 = arith.extui %eq3A_12 : i1 to i32
    %cond3A_14 = arith.constant 0 : i32
    %cond3A_15 = arith.cmpi ne, %convert_element_type3A_13, %cond3A_14 : i32
    scf.if %cond3A_15 {
      "tpu.region"() ({
        %run_scoped3A = tpu.sem_alloc : memref<!tpu.dma_semaphore, #tpu.memory_space<semaphore_mem>>
        %dma_start3A_313 = arith.constant 10000 : i32
        %dma_start3A_314 = arith.constant 0 : i32
        %dma_start3A_315 = tpu.memref_slice %arg9[%dma_start3A_313, %dma_start3A_314] : memref<10016x128xf32, #tpu.memory_space<vmem_shared>> -> memref<16x128xf32, #tpu.memory_space<vmem_shared>>
        %dma_start3A_316 = arith.constant 10000 : i32
        %dma_start3A_317 = arith.constant 0 : i32
        %dma_start3A_318 = tpu.memref_slice %arg3[%dma_start3A_316, %dma_start3A_317] : memref<10016x128xf32, #tpu.memory_space<hbm>> -> memref<16x128xf32, #tpu.memory_space<hbm>>
        tpu.enqueue_dma source(%dma_start3A_318 : memref<16x128xf32, #tpu.memory_space<hbm>>) target(%dma_start3A_315 : memref<16x128xf32, #tpu.memory_space<vmem_shared>>) target_semaphore(%run_scoped3A : memref<!tpu.dma_semaphore, #tpu.memory_space<semaphore_mem>>)
        %dma_wait3A_319 = arith.constant 10000 : i32
        %dma_wait3A_320 = arith.constant 0 : i32
        %dma_wait3A_321 = tpu.memref_slice %arg9[%dma_wait3A_319, %dma_wait3A_320] : memref<10016x128xf32, #tpu.memory_space<vmem_shared>> -> memref<16x128xf32, #tpu.memory_space<vmem_shared>>
        %dma_wait3A_322 = arith.constant 10000 : i32
        %dma_wait3A_323 = arith.constant 0 : i32
        %dma_wait3A_324 = tpu.memref_slice %arg3[%dma_wait3A_322, %dma_wait3A_323] : memref<10016x128xf32, #tpu.memory_space<hbm>> -> memref<16x128xf32, #tpu.memory_space<hbm>>
        tpu.wait_dma2 semaphore(%run_scoped3A : memref<!tpu.dma_semaphore, #tpu.memory_space<semaphore_mem>>) src(%dma_wait3A_324 : memref<16x128xf32, #tpu.memory_space<hbm>>) dst(%dma_wait3A_321 : memref<16x128xf32, #tpu.memory_space<vmem_shared>>)
        tpu.yield
      }) : () -> ()
    } else {
    }
    %barrier3A = arith.constant 0 : index
    tpu.barrier barrier_id(%barrier3A)
    %dma_wait3A = tpu.memref_slice %arg2[%add3A_4] : memref<320000xi32, #tpu.memory_space<hbm>> -> memref<200xi32, #tpu.memory_space<hbm>>
    %dma_wait3A_16 = tpu.memref_slice %arg2[%add3A_4] : memref<320000xi32, #tpu.memory_space<hbm>> -> memref<200xi32, #tpu.memory_space<hbm>>
    tpu.wait_dma2 semaphore(%arg10 : memref<!tpu.dma_semaphore, #tpu.memory_space<semaphore_mem>>) src(%dma_wait3A_16 : memref<200xi32, #tpu.memory_space<hbm>>) dst(%arg6 : memref<200xi32, #tpu.memory_space<vmem>>)
    "tpu.region"() ({
      %run_scoped3A = tpu.sem_alloc : memref<!tpu.dma_semaphore, #tpu.memory_space<semaphore_mem>>
      %dma_start3A_313 = arith.constant 0 : i32
      %dma_start3A_314 = arith.constant 0 : i32
      %dma_start3A_315 = tpu.memref_slice %arg9[%dma_start3A_313, %dma_start3A_314] : memref<10016x128xf32, #tpu.memory_space<vmem_shared>> -> memref<10016x128xf32, #tpu.memory_space<vmem_shared>>
      tpu.enqueue_indirect_dma source(%arg8 : memref<200x128xf32, #tpu.memory_space<vmem>>) target(%dma_start3A_315 : memref<10016x128xf32, #tpu.memory_space<vmem_shared>>) offsets(%arg6 : memref<200xi32, #tpu.memory_space<vmem>>) semaphore(%run_scoped3A : memref<!tpu.dma_semaphore, #tpu.memory_space<semaphore_mem>>) {add = true}
      %dma_wait3A_316 = arith.constant 0 : i32
      %dma_wait3A_317 = arith.constant 0 : i32
      %dma_wait3A_318 = tpu.memref_slice %arg9[%dma_wait3A_316, %dma_wait3A_317] : memref<10016x128xf32, #tpu.memory_space<vmem_shared>> -> memref<10016x128xf32, #tpu.memory_space<vmem_shared>>
      tpu.wait_indirect_dma semaphore(%run_scoped3A : memref<!tpu.dma_semaphore, #tpu.memory_space<semaphore_mem>>) src(%arg8 : memref<200x128xf32, #tpu.memory_space<vmem>>) dst(%dma_wait3A_318 : memref<10016x128xf32, #tpu.memory_space<vmem_shared>>)
      tpu.yield
    }) : () -> ()
    %add3A_17 = arith.constant 400 : i32
    %add3A_18 = arith.addi %mul3A_2, %add3A_17 : i32
    %dma_start3A_19 = tpu.memref_slice %arg2[%add3A_18] : memref<320000xi32, #tpu.memory_space<hbm>> -> memref<200xi32, #tpu.memory_space<hbm>>
    %dma_start3A_20 = tpu.memref_slice %arg2[%add3A_18] : memref<320000xi32, #tpu.memory_space<hbm>> -> memref<200xi32, #tpu.memory_space<hbm>>
    tpu.enqueue_dma source(%dma_start3A_20 : memref<200xi32, #tpu.memory_space<hbm>>) target(%arg6 : memref<200xi32, #tpu.memory_space<vmem>>) target_semaphore(%arg10 : memref<!tpu.dma_semaphore, #tpu.memory_space<semaphore_mem>>)
    %dma_wait3A_21 = tpu.memref_slice %arg2[%add3A_7] : memref<320000xi32, #tpu.memory_space<hbm>> -> memref<200xi32, #tpu.memory_space<hbm>>
    %dma_wait3A_22 = tpu.memref_slice %arg2[%add3A_7] : memref<320000xi32, #tpu.memory_space<hbm>> -> memref<200xi32, #tpu.memory_space<hbm>>
    tpu.wait_dma2 semaphore(%arg11 : memref<!tpu.dma_semaphore, #tpu.memory_space<semaphore_mem>>) src(%dma_wait3A_22 : memref<200xi32, #tpu.memory_space<hbm>>) dst(%arg7 : memref<200xi32, #tpu.memory_space<vmem>>)
    "tpu.region"() ({
      %run_scoped3A = tpu.sem_alloc : memref<!tpu.dma_semaphore, #tpu.memory_space<semaphore_mem>>
      %dma_start3A_313 = arith.constant 0 : i32
      %dma_start3A_314 = arith.constant 0 : i32
      %dma_start3A_315 = tpu.memref_slice %arg9[%dma_start3A_313, %dma_start3A_314] : memref<10016x128xf32, #tpu.memory_space<vmem_shared>> -> memref<10016x128xf32, #tpu.memory_space<vmem_shared>>
      tpu.enqueue_indirect_dma source(%arg8 : memref<200x128xf32, #tpu.memory_space<vmem>>) target(%dma_start3A_315 : memref<10016x128xf32, #tpu.memory_space<vmem_shared>>) offsets(%arg7 : memref<200xi32, #tpu.memory_space<vmem>>) semaphore(%run_scoped3A : memref<!tpu.dma_semaphore, #tpu.memory_space<semaphore_mem>>) {add = true}
      %dma_wait3A_316 = arith.constant 0 : i32
      %dma_wait3A_317 = arith.constant 0 : i32
      %dma_wait3A_318 = tpu.memref_slice %arg9[%dma_wait3A_316, %dma_wait3A_317] : memref<10016x128xf32, #tpu.memory_space<vmem_shared>> -> memref<10016x128xf32, #tpu.memory_space<vmem_shared>>
      tpu.wait_indirect_dma semaphore(%run_scoped3A : memref<!tpu.dma_semaphore, #tpu.memory_space<semaphore_mem>>) src(%arg8 : memref<200x128xf32, #tpu.memory_space<vmem>>) dst(%dma_wait3A_318 : memref<10016x128xf32, #tpu.memory_space<vmem_shared>>)
      tpu.yield
    }) : () -> ()
    %add3A_23 = arith.constant 600 : i32
    %add3A_24 = arith.addi %mul3A_2, %add3A_23 : i32
    %dma_start3A_25 = tpu.memref_slice %arg2[%add3A_24] : memref<320000xi32, #tpu.memory_space<hbm>> -> memref<200xi32, #tpu.memory_space<hbm>>
    %dma_start3A_26 = tpu.memref_slice %arg2[%add3A_24] : memref<320000xi32, #tpu.memory_space<hbm>> -> memref<200xi32, #tpu.memory_space<hbm>>
    tpu.enqueue_dma source(%dma_start3A_26 : memref<200xi32, #tpu.memory_space<hbm>>) target(%arg7 : memref<200xi32, #tpu.memory_space<vmem>>) target_semaphore(%arg11 : memref<!tpu.dma_semaphore, #tpu.memory_space<semaphore_mem>>)
    %dma_wait3A_27 = tpu.memref_slice %arg2[%add3A_18] : memref<320000xi32, #tpu.memory_space<hbm>> -> memref<200xi32, #tpu.memory_space<hbm>>
    %dma_wait3A_28 = tpu.memref_slice %arg2[%add3A_18] : memref<320000xi32, #tpu.memory_space<hbm>> -> memref<200xi32, #tpu.memory_space<hbm>>
    tpu.wait_dma2 semaphore(%arg10 : memref<!tpu.dma_semaphore, #tpu.memory_space<semaphore_mem>>) src(%dma_wait3A_28 : memref<200xi32, #tpu.memory_space<hbm>>) dst(%arg6 : memref<200xi32, #tpu.memory_space<vmem>>)
    "tpu.region"() ({
      %run_scoped3A = tpu.sem_alloc : memref<!tpu.dma_semaphore, #tpu.memory_space<semaphore_mem>>
      %dma_start3A_313 = arith.constant 0 : i32
      %dma_start3A_314 = arith.constant 0 : i32
      %dma_start3A_315 = tpu.memref_slice %arg9[%dma_start3A_313, %dma_start3A_314] : memref<10016x128xf32, #tpu.memory_space<vmem_shared>> -> memref<10016x128xf32, #tpu.memory_space<vmem_shared>>
      tpu.enqueue_indirect_dma source(%arg8 : memref<200x128xf32, #tpu.memory_space<vmem>>) target(%dma_start3A_315 : memref<10016x128xf32, #tpu.memory_space<vmem_shared>>) offsets(%arg6 : memref<200xi32, #tpu.memory_space<vmem>>) semaphore(%run_scoped3A : memref<!tpu.dma_semaphore, #tpu.memory_space<semaphore_mem>>) {add = true}
      %dma_wait3A_316 = arith.constant 0 : i32
      %dma_wait3A_317 = arith.constant 0 : i32
      %dma_wait3A_318 = tpu.memref_slice %arg9[%dma_wait3A_316, %dma_wait3A_317] : memref<10016x128xf32, #tpu.memory_space<vmem_shared>> -> memref<10016x128xf32, #tpu.memory_space<vmem_shared>>
      tpu.wait_indirect_dma semaphore(%run_scoped3A : memref<!tpu.dma_semaphore, #tpu.memory_space<semaphore_mem>>) src(%arg8 : memref<200x128xf32, #tpu.memory_space<vmem>>) dst(%dma_wait3A_318 : memref<10016x128xf32, #tpu.memory_space<vmem_shared>>)
      tpu.yield
    }) : () -> ()
    %add3A_29 = arith.constant 800 : i32
    %add3A_30 = arith.addi %mul3A_2, %add3A_29 : i32
    %dma_start3A_31 = tpu.memref_slice %arg2[%add3A_30] : memref<320000xi32, #tpu.memory_space<hbm>> -> memref<200xi32, #tpu.memory_space<hbm>>
    %dma_start3A_32 = tpu.memref_slice %arg2[%add3A_30] : memref<320000xi32, #tpu.memory_space<hbm>> -> memref<200xi32, #tpu.memory_space<hbm>>
    tpu.enqueue_dma source(%dma_start3A_32 : memref<200xi32, #tpu.memory_space<hbm>>) target(%arg6 : memref<200xi32, #tpu.memory_space<vmem>>) target_semaphore(%arg10 : memref<!tpu.dma_semaphore, #tpu.memory_space<semaphore_mem>>)
    %dma_wait3A_33 = tpu.memref_slice %arg2[%add3A_24] : memref<320000xi32, #tpu.memory_space<hbm>> -> memref<200xi32, #tpu.memory_space<hbm>>
    %dma_wait3A_34 = tpu.memref_slice %arg2[%add3A_24] : memref<320000xi32, #tpu.memory_space<hbm>> -> memref<200xi32, #tpu.memory_space<hbm>>
    tpu.wait_dma2 semaphore(%arg11 : memref<!tpu.dma_semaphore, #tpu.memory_space<semaphore_mem>>) src(%dma_wait3A_34 : memref<200xi32, #tpu.memory_space<hbm>>) dst(%arg7 : memref<200xi32, #tpu.memory_space<vmem>>)
    "tpu.region"() ({
      %run_scoped3A = tpu.sem_alloc : memref<!tpu.dma_semaphore, #tpu.memory_space<semaphore_mem>>
      %dma_start3A_313 = arith.constant 0 : i32
      %dma_start3A_314 = arith.constant 0 : i32
      %dma_start3A_315 = tpu.memref_slice %arg9[%dma_start3A_313, %dma_start3A_314] : memref<10016x128xf32, #tpu.memory_space<vmem_shared>> -> memref<10016x128xf32, #tpu.memory_space<vmem_shared>>
      tpu.enqueue_indirect_dma source(%arg8 : memref<200x128xf32, #tpu.memory_space<vmem>>) target(%dma_start3A_315 : memref<10016x128xf32, #tpu.memory_space<vmem_shared>>) offsets(%arg7 : memref<200xi32, #tpu.memory_space<vmem>>) semaphore(%run_scoped3A : memref<!tpu.dma_semaphore, #tpu.memory_space<semaphore_mem>>) {add = true}
      %dma_wait3A_316 = arith.constant 0 : i32
      %dma_wait3A_317 = arith.constant 0 : i32
      %dma_wait3A_318 = tpu.memref_slice %arg9[%dma_wait3A_316, %dma_wait3A_317] : memref<10016x128xf32, #tpu.memory_space<vmem_shared>> -> memref<10016x128xf32, #tpu.memory_space<vmem_shared>>
      tpu.wait_indirect_dma semaphore(%run_scoped3A : memref<!tpu.dma_semaphore, #tpu.memory_space<semaphore_mem>>) src(%arg8 : memref<200x128xf32, #tpu.memory_space<vmem>>) dst(%dma_wait3A_318 : memref<10016x128xf32, #tpu.memory_space<vmem_shared>>)
      tpu.yield
    }) : () -> ()
    %add3A_35 = arith.constant 1000 : i32
    %add3A_36 = arith.addi %mul3A_2, %add3A_35 : i32
    %dma_start3A_37 = tpu.memref_slice %arg2[%add3A_36] : memref<320000xi32, #tpu.memory_space<hbm>> -> memref<200xi32, #tpu.memory_space<hbm>>
    %dma_start3A_38 = tpu.memref_slice %arg2[%add3A_36] : memref<320000xi32, #tpu.memory_space<hbm>> -> memref<200xi32, #tpu.memory_space<hbm>>
    tpu.enqueue_dma source(%dma_start3A_38 : memref<200xi32, #tpu.memory_space<hbm>>) target(%arg7 : memref<200xi32, #tpu.memory_space<vmem>>) target_semaphore(%arg11 : memref<!tpu.dma_semaphore, #tpu.memory_space<semaphore_mem>>)
    %dma_wait3A_39 = tpu.memref_slice %arg2[%add3A_30] : memref<320000xi32, #tpu.memory_space<hbm>> -> memref<200xi32, #tpu.memory_space<hbm>>
    %dma_wait3A_40 = tpu.memref_slice %arg2[%add3A_30] : memref<320000xi32, #tpu.memory_space<hbm>> -> memref<200xi32, #tpu.memory_space<hbm>>
    tpu.wait_dma2 semaphore(%arg10 : memref<!tpu.dma_semaphore, #tpu.memory_space<semaphore_mem>>) src(%dma_wait3A_40 : memref<200xi32, #tpu.memory_space<hbm>>) dst(%arg6 : memref<200xi32, #tpu.memory_space<vmem>>)
    "tpu.region"() ({
      %run_scoped3A = tpu.sem_alloc : memref<!tpu.dma_semaphore, #tpu.memory_space<semaphore_mem>>
      %dma_start3A_313 = arith.constant 0 : i32
      %dma_start3A_314 = arith.constant 0 : i32
      %dma_start3A_315 = tpu.memref_slice %arg9[%dma_start3A_313, %dma_start3A_314] : memref<10016x128xf32, #tpu.memory_space<vmem_shared>> -> memref<10016x128xf32, #tpu.memory_space<vmem_shared>>
      tpu.enqueue_indirect_dma source(%arg8 : memref<200x128xf32, #tpu.memory_space<vmem>>) target(%dma_start3A_315 : memref<10016x128xf32, #tpu.memory_space<vmem_shared>>) offsets(%arg6 : memref<200xi32, #tpu.memory_space<vmem>>) semaphore(%run_scoped3A : memref<!tpu.dma_semaphore, #tpu.memory_space<semaphore_mem>>) {add = true}
      %dma_wait3A_316 = arith.constant 0 : i32
      %dma_wait3A_317 = arith.constant 0 : i32
      %dma_wait3A_318 = tpu.memref_slice %arg9[%dma_wait3A_316, %dma_wait3A_317] : memref<10016x128xf32, #tpu.memory_space<vmem_shared>> -> memref<10016x128xf32, #tpu.memory_space<vmem_shared>>
      tpu.wait_indirect_dma semaphore(%run_scoped3A : memref<!tpu.dma_semaphore, #tpu.memory_space<semaphore_mem>>) src(%arg8 : memref<200x128xf32, #tpu.memory_space<vmem>>) dst(%dma_wait3A_318 : memref<10016x128xf32, #tpu.memory_space<vmem_shared>>)
      tpu.yield
    }) : () -> ()
    %add3A_41 = arith.constant 1200 : i32
    %add3A_42 = arith.addi %mul3A_2, %add3A_41 : i32
    %dma_start3A_43 = tpu.memref_slice %arg2[%add3A_42] : memref<320000xi32, #tpu.memory_space<hbm>> -> memref<200xi32, #tpu.memory_space<hbm>>
    %dma_start3A_44 = tpu.memref_slice %arg2[%add3A_42] : memref<320000xi32, #tpu.memory_space<hbm>> -> memref<200xi32, #tpu.memory_space<hbm>>
    tpu.enqueue_dma source(%dma_start3A_44 : memref<200xi32, #tpu.memory_space<hbm>>) target(%arg6 : memref<200xi32, #tpu.memory_space<vmem>>) target_semaphore(%arg10 : memref<!tpu.dma_semaphore, #tpu.memory_space<semaphore_mem>>)
    %dma_wait3A_45 = tpu.memref_slice %arg2[%add3A_36] : memref<320000xi32, #tpu.memory_space<hbm>> -> memref<200xi32, #tpu.memory_space<hbm>>
    %dma_wait3A_46 = tpu.memref_slice %arg2[%add3A_36] : memref<320000xi32, #tpu.memory_space<hbm>> -> memref<200xi32, #tpu.memory_space<hbm>>
    tpu.wait_dma2 semaphore(%arg11 : memref<!tpu.dma_semaphore, #tpu.memory_space<semaphore_mem>>) src(%dma_wait3A_46 : memref<200xi32, #tpu.memory_space<hbm>>) dst(%arg7 : memref<200xi32, #tpu.memory_space<vmem>>)
    "tpu.region"() ({
      %run_scoped3A = tpu.sem_alloc : memref<!tpu.dma_semaphore, #tpu.memory_space<semaphore_mem>>
      %dma_start3A_313 = arith.constant 0 : i32
      %dma_start3A_314 = arith.constant 0 : i32
      %dma_start3A_315 = tpu.memref_slice %arg9[%dma_start3A_313, %dma_start3A_314] : memref<10016x128xf32, #tpu.memory_space<vmem_shared>> -> memref<10016x128xf32, #tpu.memory_space<vmem_shared>>
      tpu.enqueue_indirect_dma source(%arg8 : memref<200x128xf32, #tpu.memory_space<vmem>>) target(%dma_start3A_315 : memref<10016x128xf32, #tpu.memory_space<vmem_shared>>) offsets(%arg7 : memref<200xi32, #tpu.memory_space<vmem>>) semaphore(%run_scoped3A : memref<!tpu.dma_semaphore, #tpu.memory_space<semaphore_mem>>) {add = true}
      %dma_wait3A_316 = arith.constant 0 : i32
      %dma_wait3A_317 = arith.constant 0 : i32
      %dma_wait3A_318 = tpu.memref_slice %arg9[%dma_wait3A_316, %dma_wait3A_317] : memref<10016x128xf32, #tpu.memory_space<vmem_shared>> -> memref<10016x128xf32, #tpu.memory_space<vmem_shared>>
      tpu.wait_indirect_dma semaphore(%run_scoped3A : memref<!tpu.dma_semaphore, #tpu.memory_space<semaphore_mem>>) src(%arg8 : memref<200x128xf32, #tpu.memory_space<vmem>>) dst(%dma_wait3A_318 : memref<10016x128xf32, #tpu.memory_space<vmem_shared>>)
      tpu.yield
    }) : () -> ()
    %add3A_47 = arith.constant 1400 : i32
    %add3A_48 = arith.addi %mul3A_2, %add3A_47 : i32
    %dma_start3A_49 = tpu.memref_slice %arg2[%add3A_48] : memref<320000xi32, #tpu.memory_space<hbm>> -> memref<200xi32, #tpu.memory_space<hbm>>
    %dma_start3A_50 = tpu.memref_slice %arg2[%add3A_48] : memref<320000xi32, #tpu.memory_space<hbm>> -> memref<200xi32, #tpu.memory_space<hbm>>
    tpu.enqueue_dma source(%dma_start3A_50 : memref<200xi32, #tpu.memory_space<hbm>>) target(%arg7 : memref<200xi32, #tpu.memory_space<vmem>>) target_semaphore(%arg11 : memref<!tpu.dma_semaphore, #tpu.memory_space<semaphore_mem>>)
    %dma_wait3A_51 = tpu.memref_slice %arg2[%add3A_42] : memref<320000xi32, #tpu.memory_space<hbm>> -> memref<200xi32, #tpu.memory_space<hbm>>
    %dma_wait3A_52 = tpu.memref_slice %arg2[%add3A_42] : memref<320000xi32, #tpu.memory_space<hbm>> -> memref<200xi32, #tpu.memory_space<hbm>>
    tpu.wait_dma2 semaphore(%arg10 : memref<!tpu.dma_semaphore, #tpu.memory_space<semaphore_mem>>) src(%dma_wait3A_52 : memref<200xi32, #tpu.memory_space<hbm>>) dst(%arg6 : memref<200xi32, #tpu.memory_space<vmem>>)
    "tpu.region"() ({
      %run_scoped3A = tpu.sem_alloc : memref<!tpu.dma_semaphore, #tpu.memory_space<semaphore_mem>>
      %dma_start3A_313 = arith.constant 0 : i32
      %dma_start3A_314 = arith.constant 0 : i32
      %dma_start3A_315 = tpu.memref_slice %arg9[%dma_start3A_313, %dma_start3A_314] : memref<10016x128xf32, #tpu.memory_space<vmem_shared>> -> memref<10016x128xf32, #tpu.memory_space<vmem_shared>>
      tpu.enqueue_indirect_dma source(%arg8 : memref<200x128xf32, #tpu.memory_space<vmem>>) target(%dma_start3A_315 : memref<10016x128xf32, #tpu.memory_space<vmem_shared>>) offsets(%arg6 : memref<200xi32, #tpu.memory_space<vmem>>) semaphore(%run_scoped3A : memref<!tpu.dma_semaphore, #tpu.memory_space<semaphore_mem>>) {add = true}
      %dma_wait3A_316 = arith.constant 0 : i32
      %dma_wait3A_317 = arith.constant 0 : i32
      %dma_wait3A_318 = tpu.memref_slice %arg9[%dma_wait3A_316, %dma_wait3A_317] : memref<10016x128xf32, #tpu.memory_space<vmem_shared>> -> memref<10016x128xf32, #tpu.memory_space<vmem_shared>>
      tpu.wait_indirect_dma semaphore(%run_scoped3A : memref<!tpu.dma_semaphore, #tpu.memory_space<semaphore_mem>>) src(%arg8 : memref<200x128xf32, #tpu.memory_space<vmem>>) dst(%dma_wait3A_318 : memref<10016x128xf32, #tpu.memory_space<vmem_shared>>)
      tpu.yield
    }) : () -> ()
    %add3A_53 = arith.constant 1600 : i32
    %add3A_54 = arith.addi %mul3A_2, %add3A_53 : i32
    %dma_start3A_55 = tpu.memref_slice %arg2[%add3A_54] : memref<320000xi32, #tpu.memory_space<hbm>> -> memref<200xi32, #tpu.memory_space<hbm>>
    %dma_start3A_56 = tpu.memref_slice %arg2[%add3A_54] : memref<320000xi32, #tpu.memory_space<hbm>> -> memref<200xi32, #tpu.memory_space<hbm>>
    tpu.enqueue_dma source(%dma_start3A_56 : memref<200xi32, #tpu.memory_space<hbm>>) target(%arg6 : memref<200xi32, #tpu.memory_space<vmem>>) target_semaphore(%arg10 : memref<!tpu.dma_semaphore, #tpu.memory_space<semaphore_mem>>)
    %dma_wait3A_57 = tpu.memref_slice %arg2[%add3A_48] : memref<320000xi32, #tpu.memory_space<hbm>> -> memref<200xi32, #tpu.memory_space<hbm>>
    %dma_wait3A_58 = tpu.memref_slice %arg2[%add3A_48] : memref<320000xi32, #tpu.memory_space<hbm>> -> memref<200xi32, #tpu.memory_space<hbm>>
    tpu.wait_dma2 semaphore(%arg11 : memref<!tpu.dma_semaphore, #tpu.memory_space<semaphore_mem>>) src(%dma_wait3A_58 : memref<200xi32, #tpu.memory_space<hbm>>) dst(%arg7 : memref<200xi32, #tpu.memory_space<vmem>>)
    "tpu.region"() ({
      %run_scoped3A = tpu.sem_alloc : memref<!tpu.dma_semaphore, #tpu.memory_space<semaphore_mem>>
      %dma_start3A_313 = arith.constant 0 : i32
      %dma_start3A_314 = arith.constant 0 : i32
      %dma_start3A_315 = tpu.memref_slice %arg9[%dma_start3A_313, %dma_start3A_314] : memref<10016x128xf32, #tpu.memory_space<vmem_shared>> -> memref<10016x128xf32, #tpu.memory_space<vmem_shared>>
      tpu.enqueue_indirect_dma source(%arg8 : memref<200x128xf32, #tpu.memory_space<vmem>>) target(%dma_start3A_315 : memref<10016x128xf32, #tpu.memory_space<vmem_shared>>) offsets(%arg7 : memref<200xi32, #tpu.memory_space<vmem>>) semaphore(%run_scoped3A : memref<!tpu.dma_semaphore, #tpu.memory_space<semaphore_mem>>) {add = true}
      %dma_wait3A_316 = arith.constant 0 : i32
      %dma_wait3A_317 = arith.constant 0 : i32
      %dma_wait3A_318 = tpu.memref_slice %arg9[%dma_wait3A_316, %dma_wait3A_317] : memref<10016x128xf32, #tpu.memory_space<vmem_shared>> -> memref<10016x128xf32, #tpu.memory_space<vmem_shared>>
      tpu.wait_indirect_dma semaphore(%run_scoped3A : memref<!tpu.dma_semaphore, #tpu.memory_space<semaphore_mem>>) src(%arg8 : memref<200x128xf32, #tpu.memory_space<vmem>>) dst(%dma_wait3A_318 : memref<10016x128xf32, #tpu.memory_space<vmem_shared>>)
      tpu.yield
    }) : () -> ()
    %add3A_59 = arith.constant 1800 : i32
    %add3A_60 = arith.addi %mul3A_2, %add3A_59 : i32
    %dma_start3A_61 = tpu.memref_slice %arg2[%add3A_60] : memref<320000xi32, #tpu.memory_space<hbm>> -> memref<200xi32, #tpu.memory_space<hbm>>
    %dma_start3A_62 = tpu.memref_slice %arg2[%add3A_60] : memref<320000xi32, #tpu.memory_space<hbm>> -> memref<200xi32, #tpu.memory_space<hbm>>
    tpu.enqueue_dma source(%dma_start3A_62 : memref<200xi32, #tpu.memory_space<hbm>>) target(%arg7 : memref<200xi32, #tpu.memory_space<vmem>>) target_semaphore(%arg11 : memref<!tpu.dma_semaphore, #tpu.memory_space<semaphore_mem>>)
    %dma_wait3A_63 = tpu.memref_slice %arg2[%add3A_54] : memref<320000xi32, #tpu.memory_space<hbm>> -> memref<200xi32, #tpu.memory_space<hbm>>
    %dma_wait3A_64 = tpu.memref_slice %arg2[%add3A_54] : memref<320000xi32, #tpu.memory_space<hbm>> -> memref<200xi32, #tpu.memory_space<hbm>>
    tpu.wait_dma2 semaphore(%arg10 : memref<!tpu.dma_semaphore, #tpu.memory_space<semaphore_mem>>) src(%dma_wait3A_64 : memref<200xi32, #tpu.memory_space<hbm>>) dst(%arg6 : memref<200xi32, #tpu.memory_space<vmem>>)
    "tpu.region"() ({
      %run_scoped3A = tpu.sem_alloc : memref<!tpu.dma_semaphore, #tpu.memory_space<semaphore_mem>>
      %dma_start3A_313 = arith.constant 0 : i32
      %dma_start3A_314 = arith.constant 0 : i32
      %dma_start3A_315 = tpu.memref_slice %arg9[%dma_start3A_313, %dma_start3A_314] : memref<10016x128xf32, #tpu.memory_space<vmem_shared>> -> memref<10016x128xf32, #tpu.memory_space<vmem_shared>>
      tpu.enqueue_indirect_dma source(%arg8 : memref<200x128xf32, #tpu.memory_space<vmem>>) target(%dma_start3A_315 : memref<10016x128xf32, #tpu.memory_space<vmem_shared>>) offsets(%arg6 : memref<200xi32, #tpu.memory_space<vmem>>) semaphore(%run_scoped3A : memref<!tpu.dma_semaphore, #tpu.memory_space<semaphore_mem>>) {add = true}
      %dma_wait3A_316 = arith.constant 0 : i32
      %dma_wait3A_317 = arith.constant 0 : i32
      %dma_wait3A_318 = tpu.memref_slice %arg9[%dma_wait3A_316, %dma_wait3A_317] : memref<10016x128xf32, #tpu.memory_space<vmem_shared>> -> memref<10016x128xf32, #tpu.memory_space<vmem_shared>>
      tpu.wait_indirect_dma semaphore(%run_scoped3A : memref<!tpu.dma_semaphore, #tpu.memory_space<semaphore_mem>>) src(%arg8 : memref<200x128xf32, #tpu.memory_space<vmem>>) dst(%dma_wait3A_318 : memref<10016x128xf32, #tpu.memory_space<vmem_shared>>)
      tpu.yield
    }) : () -> ()
    %add3A_65 = arith.constant 2000 : i32
    %add3A_66 = arith.addi %mul3A_2, %add3A_65 : i32
    %dma_start3A_67 = tpu.memref_slice %arg2[%add3A_66] : memref<320000xi32, #tpu.memory_space<hbm>> -> memref<200xi32, #tpu.memory_space<hbm>>
    %dma_start3A_68 = tpu.memref_slice %arg2[%add3A_66] : memref<320000xi32, #tpu.memory_space<hbm>> -> memref<200xi32, #tpu.memory_space<hbm>>
    tpu.enqueue_dma source(%dma_start3A_68 : memref<200xi32, #tpu.memory_space<hbm>>) target(%arg6 : memref<200xi32, #tpu.memory_space<vmem>>) target_semaphore(%arg10 : memref<!tpu.dma_semaphore, #tpu.memory_space<semaphore_mem>>)
    %dma_wait3A_69 = tpu.memref_slice %arg2[%add3A_60] : memref<320000xi32, #tpu.memory_space<hbm>> -> memref<200xi32, #tpu.memory_space<hbm>>
    %dma_wait3A_70 = tpu.memref_slice %arg2[%add3A_60] : memref<320000xi32, #tpu.memory_space<hbm>> -> memref<200xi32, #tpu.memory_space<hbm>>
    tpu.wait_dma2 semaphore(%arg11 : memref<!tpu.dma_semaphore, #tpu.memory_space<semaphore_mem>>) src(%dma_wait3A_70 : memref<200xi32, #tpu.memory_space<hbm>>) dst(%arg7 : memref<200xi32, #tpu.memory_space<vmem>>)
    "tpu.region"() ({
      %run_scoped3A = tpu.sem_alloc : memref<!tpu.dma_semaphore, #tpu.memory_space<semaphore_mem>>
      %dma_start3A_313 = arith.constant 0 : i32
      %dma_start3A_314 = arith.constant 0 : i32
      %dma_start3A_315 = tpu.memref_slice %arg9[%dma_start3A_313, %dma_start3A_314] : memref<10016x128xf32, #tpu.memory_space<vmem_shared>> -> memref<10016x128xf32, #tpu.memory_space<vmem_shared>>
      tpu.enqueue_indirect_dma source(%arg8 : memref<200x128xf32, #tpu.memory_space<vmem>>) target(%dma_start3A_315 : memref<10016x128xf32, #tpu.memory_space<vmem_shared>>) offsets(%arg7 : memref<200xi32, #tpu.memory_space<vmem>>) semaphore(%run_scoped3A : memref<!tpu.dma_semaphore, #tpu.memory_space<semaphore_mem>>) {add = true}
      %dma_wait3A_316 = arith.constant 0 : i32
      %dma_wait3A_317 = arith.constant 0 : i32
      %dma_wait3A_318 = tpu.memref_slice %arg9[%dma_wait3A_316, %dma_wait3A_317] : memref<10016x128xf32, #tpu.memory_space<vmem_shared>> -> memref<10016x128xf32, #tpu.memory_space<vmem_shared>>
      tpu.wait_indirect_dma semaphore(%run_scoped3A : memref<!tpu.dma_semaphore, #tpu.memory_space<semaphore_mem>>) src(%arg8 : memref<200x128xf32, #tpu.memory_space<vmem>>) dst(%dma_wait3A_318 : memref<10016x128xf32, #tpu.memory_space<vmem_shared>>)
      tpu.yield
    }) : () -> ()
    %add3A_71 = arith.constant 2200 : i32
    %add3A_72 = arith.addi %mul3A_2, %add3A_71 : i32
    %dma_start3A_73 = tpu.memref_slice %arg2[%add3A_72] : memref<320000xi32, #tpu.memory_space<hbm>> -> memref<200xi32, #tpu.memory_space<hbm>>
    %dma_start3A_74 = tpu.memref_slice %arg2[%add3A_72] : memref<320000xi32, #tpu.memory_space<hbm>> -> memref<200xi32, #tpu.memory_space<hbm>>
    tpu.enqueue_dma source(%dma_start3A_74 : memref<200xi32, #tpu.memory_space<hbm>>) target(%arg7 : memref<200xi32, #tpu.memory_space<vmem>>) target_semaphore(%arg11 : memref<!tpu.dma_semaphore, #tpu.memory_space<semaphore_mem>>)
    %dma_wait3A_75 = tpu.memref_slice %arg2[%add3A_66] : memref<320000xi32, #tpu.memory_space<hbm>> -> memref<200xi32, #tpu.memory_space<hbm>>
    %dma_wait3A_76 = tpu.memref_slice %arg2[%add3A_66] : memref<320000xi32, #tpu.memory_space<hbm>> -> memref<200xi32, #tpu.memory_space<hbm>>
    tpu.wait_dma2 semaphore(%arg10 : memref<!tpu.dma_semaphore, #tpu.memory_space<semaphore_mem>>) src(%dma_wait3A_76 : memref<200xi32, #tpu.memory_space<hbm>>) dst(%arg6 : memref<200xi32, #tpu.memory_space<vmem>>)
    "tpu.region"() ({
      %run_scoped3A = tpu.sem_alloc : memref<!tpu.dma_semaphore, #tpu.memory_space<semaphore_mem>>
      %dma_start3A_313 = arith.constant 0 : i32
      %dma_start3A_314 = arith.constant 0 : i32
      %dma_start3A_315 = tpu.memref_slice %arg9[%dma_start3A_313, %dma_start3A_314] : memref<10016x128xf32, #tpu.memory_space<vmem_shared>> -> memref<10016x128xf32, #tpu.memory_space<vmem_shared>>
      tpu.enqueue_indirect_dma source(%arg8 : memref<200x128xf32, #tpu.memory_space<vmem>>) target(%dma_start3A_315 : memref<10016x128xf32, #tpu.memory_space<vmem_shared>>) offsets(%arg6 : memref<200xi32, #tpu.memory_space<vmem>>) semaphore(%run_scoped3A : memref<!tpu.dma_semaphore, #tpu.memory_space<semaphore_mem>>) {add = true}
      %dma_wait3A_316 = arith.constant 0 : i32
      %dma_wait3A_317 = arith.constant 0 : i32
      %dma_wait3A_318 = tpu.memref_slice %arg9[%dma_wait3A_316, %dma_wait3A_317] : memref<10016x128xf32, #tpu.memory_space<vmem_shared>> -> memref<10016x128xf32, #tpu.memory_space<vmem_shared>>
      tpu.wait_indirect_dma semaphore(%run_scoped3A : memref<!tpu.dma_semaphore, #tpu.memory_space<semaphore_mem>>) src(%arg8 : memref<200x128xf32, #tpu.memory_space<vmem>>) dst(%dma_wait3A_318 : memref<10016x128xf32, #tpu.memory_space<vmem_shared>>)
      tpu.yield
    }) : () -> ()
    %add3A_77 = arith.constant 2400 : i32
    %add3A_78 = arith.addi %mul3A_2, %add3A_77 : i32
    %dma_start3A_79 = tpu.memref_slice %arg2[%add3A_78] : memref<320000xi32, #tpu.memory_space<hbm>> -> memref<200xi32, #tpu.memory_space<hbm>>
    %dma_start3A_80 = tpu.memref_slice %arg2[%add3A_78] : memref<320000xi32, #tpu.memory_space<hbm>> -> memref<200xi32, #tpu.memory_space<hbm>>
    tpu.enqueue_dma source(%dma_start3A_80 : memref<200xi32, #tpu.memory_space<hbm>>) target(%arg6 : memref<200xi32, #tpu.memory_space<vmem>>) target_semaphore(%arg10 : memref<!tpu.dma_semaphore, #tpu.memory_space<semaphore_mem>>)
    %dma_wait3A_81 = tpu.memref_slice %arg2[%add3A_72] : memref<320000xi32, #tpu.memory_space<hbm>> -> memref<200xi32, #tpu.memory_space<hbm>>
    %dma_wait3A_82 = tpu.memref_slice %arg2[%add3A_72] : memref<320000xi32, #tpu.memory_space<hbm>> -> memref<200xi32, #tpu.memory_space<hbm>>
    tpu.wait_dma2 semaphore(%arg11 : memref<!tpu.dma_semaphore, #tpu.memory_space<semaphore_mem>>) src(%dma_wait3A_82 : memref<200xi32, #tpu.memory_space<hbm>>) dst(%arg7 : memref<200xi32, #tpu.memory_space<vmem>>)
    "tpu.region"() ({
      %run_scoped3A = tpu.sem_alloc : memref<!tpu.dma_semaphore, #tpu.memory_space<semaphore_mem>>
      %dma_start3A_313 = arith.constant 0 : i32
      %dma_start3A_314 = arith.constant 0 : i32
      %dma_start3A_315 = tpu.memref_slice %arg9[%dma_start3A_313, %dma_start3A_314] : memref<10016x128xf32, #tpu.memory_space<vmem_shared>> -> memref<10016x128xf32, #tpu.memory_space<vmem_shared>>
      tpu.enqueue_indirect_dma source(%arg8 : memref<200x128xf32, #tpu.memory_space<vmem>>) target(%dma_start3A_315 : memref<10016x128xf32, #tpu.memory_space<vmem_shared>>) offsets(%arg7 : memref<200xi32, #tpu.memory_space<vmem>>) semaphore(%run_scoped3A : memref<!tpu.dma_semaphore, #tpu.memory_space<semaphore_mem>>) {add = true}
      %dma_wait3A_316 = arith.constant 0 : i32
      %dma_wait3A_317 = arith.constant 0 : i32
      %dma_wait3A_318 = tpu.memref_slice %arg9[%dma_wait3A_316, %dma_wait3A_317] : memref<10016x128xf32, #tpu.memory_space<vmem_shared>> -> memref<10016x128xf32, #tpu.memory_space<vmem_shared>>
      tpu.wait_indirect_dma semaphore(%run_scoped3A : memref<!tpu.dma_semaphore, #tpu.memory_space<semaphore_mem>>) src(%arg8 : memref<200x128xf32, #tpu.memory_space<vmem>>) dst(%dma_wait3A_318 : memref<10016x128xf32, #tpu.memory_space<vmem_shared>>)
      tpu.yield
    }) : () -> ()
    %add3A_83 = arith.constant 2600 : i32
    %add3A_84 = arith.addi %mul3A_2, %add3A_83 : i32
    %dma_start3A_85 = tpu.memref_slice %arg2[%add3A_84] : memref<320000xi32, #tpu.memory_space<hbm>> -> memref<200xi32, #tpu.memory_space<hbm>>
    %dma_start3A_86 = tpu.memref_slice %arg2[%add3A_84] : memref<320000xi32, #tpu.memory_space<hbm>> -> memref<200xi32, #tpu.memory_space<hbm>>
    tpu.enqueue_dma source(%dma_start3A_86 : memref<200xi32, #tpu.memory_space<hbm>>) target(%arg7 : memref<200xi32, #tpu.memory_space<vmem>>) target_semaphore(%arg11 : memref<!tpu.dma_semaphore, #tpu.memory_space<semaphore_mem>>)
    %dma_wait3A_87 = tpu.memref_slice %arg2[%add3A_78] : memref<320000xi32, #tpu.memory_space<hbm>> -> memref<200xi32, #tpu.memory_space<hbm>>
    %dma_wait3A_88 = tpu.memref_slice %arg2[%add3A_78] : memref<320000xi32, #tpu.memory_space<hbm>> -> memref<200xi32, #tpu.memory_space<hbm>>
    tpu.wait_dma2 semaphore(%arg10 : memref<!tpu.dma_semaphore, #tpu.memory_space<semaphore_mem>>) src(%dma_wait3A_88 : memref<200xi32, #tpu.memory_space<hbm>>) dst(%arg6 : memref<200xi32, #tpu.memory_space<vmem>>)
    "tpu.region"() ({
      %run_scoped3A = tpu.sem_alloc : memref<!tpu.dma_semaphore, #tpu.memory_space<semaphore_mem>>
      %dma_start3A_313 = arith.constant 0 : i32
      %dma_start3A_314 = arith.constant 0 : i32
      %dma_start3A_315 = tpu.memref_slice %arg9[%dma_start3A_313, %dma_start3A_314] : memref<10016x128xf32, #tpu.memory_space<vmem_shared>> -> memref<10016x128xf32, #tpu.memory_space<vmem_shared>>
      tpu.enqueue_indirect_dma source(%arg8 : memref<200x128xf32, #tpu.memory_space<vmem>>) target(%dma_start3A_315 : memref<10016x128xf32, #tpu.memory_space<vmem_shared>>) offsets(%arg6 : memref<200xi32, #tpu.memory_space<vmem>>) semaphore(%run_scoped3A : memref<!tpu.dma_semaphore, #tpu.memory_space<semaphore_mem>>) {add = true}
      %dma_wait3A_316 = arith.constant 0 : i32
      %dma_wait3A_317 = arith.constant 0 : i32
      %dma_wait3A_318 = tpu.memref_slice %arg9[%dma_wait3A_316, %dma_wait3A_317] : memref<10016x128xf32, #tpu.memory_space<vmem_shared>> -> memref<10016x128xf32, #tpu.memory_space<vmem_shared>>
      tpu.wait_indirect_dma semaphore(%run_scoped3A : memref<!tpu.dma_semaphore, #tpu.memory_space<semaphore_mem>>) src(%arg8 : memref<200x128xf32, #tpu.memory_space<vmem>>) dst(%dma_wait3A_318 : memref<10016x128xf32, #tpu.memory_space<vmem_shared>>)
      tpu.yield
    }) : () -> ()
    %add3A_89 = arith.constant 2800 : i32
    %add3A_90 = arith.addi %mul3A_2, %add3A_89 : i32
    %dma_start3A_91 = tpu.memref_slice %arg2[%add3A_90] : memref<320000xi32, #tpu.memory_space<hbm>> -> memref<200xi32, #tpu.memory_space<hbm>>
    %dma_start3A_92 = tpu.memref_slice %arg2[%add3A_90] : memref<320000xi32, #tpu.memory_space<hbm>> -> memref<200xi32, #tpu.memory_space<hbm>>
    tpu.enqueue_dma source(%dma_start3A_92 : memref<200xi32, #tpu.memory_space<hbm>>) target(%arg6 : memref<200xi32, #tpu.memory_space<vmem>>) target_semaphore(%arg10 : memref<!tpu.dma_semaphore, #tpu.memory_space<semaphore_mem>>)
    %dma_wait3A_93 = tpu.memref_slice %arg2[%add3A_84] : memref<320000xi32, #tpu.memory_space<hbm>> -> memref<200xi32, #tpu.memory_space<hbm>>
    %dma_wait3A_94 = tpu.memref_slice %arg2[%add3A_84] : memref<320000xi32, #tpu.memory_space<hbm>> -> memref<200xi32, #tpu.memory_space<hbm>>
    tpu.wait_dma2 semaphore(%arg11 : memref<!tpu.dma_semaphore, #tpu.memory_space<semaphore_mem>>) src(%dma_wait3A_94 : memref<200xi32, #tpu.memory_space<hbm>>) dst(%arg7 : memref<200xi32, #tpu.memory_space<vmem>>)
    "tpu.region"() ({
      %run_scoped3A = tpu.sem_alloc : memref<!tpu.dma_semaphore, #tpu.memory_space<semaphore_mem>>
      %dma_start3A_313 = arith.constant 0 : i32
      %dma_start3A_314 = arith.constant 0 : i32
      %dma_start3A_315 = tpu.memref_slice %arg9[%dma_start3A_313, %dma_start3A_314] : memref<10016x128xf32, #tpu.memory_space<vmem_shared>> -> memref<10016x128xf32, #tpu.memory_space<vmem_shared>>
      tpu.enqueue_indirect_dma source(%arg8 : memref<200x128xf32, #tpu.memory_space<vmem>>) target(%dma_start3A_315 : memref<10016x128xf32, #tpu.memory_space<vmem_shared>>) offsets(%arg7 : memref<200xi32, #tpu.memory_space<vmem>>) semaphore(%run_scoped3A : memref<!tpu.dma_semaphore, #tpu.memory_space<semaphore_mem>>) {add = true}
      %dma_wait3A_316 = arith.constant 0 : i32
      %dma_wait3A_317 = arith.constant 0 : i32
      %dma_wait3A_318 = tpu.memref_slice %arg9[%dma_wait3A_316, %dma_wait3A_317] : memref<10016x128xf32, #tpu.memory_space<vmem_shared>> -> memref<10016x128xf32, #tpu.memory_space<vmem_shared>>
      tpu.wait_indirect_dma semaphore(%run_scoped3A : memref<!tpu.dma_semaphore, #tpu.memory_space<semaphore_mem>>) src(%arg8 : memref<200x128xf32, #tpu.memory_space<vmem>>) dst(%dma_wait3A_318 : memref<10016x128xf32, #tpu.memory_space<vmem_shared>>)
      tpu.yield
    }) : () -> ()
    %add3A_95 = arith.constant 3000 : i32
    %add3A_96 = arith.addi %mul3A_2, %add3A_95 : i32
    %dma_start3A_97 = tpu.memref_slice %arg2[%add3A_96] : memref<320000xi32, #tpu.memory_space<hbm>> -> memref<200xi32, #tpu.memory_space<hbm>>
    %dma_start3A_98 = tpu.memref_slice %arg2[%add3A_96] : memref<320000xi32, #tpu.memory_space<hbm>> -> memref<200xi32, #tpu.memory_space<hbm>>
    tpu.enqueue_dma source(%dma_start3A_98 : memref<200xi32, #tpu.memory_space<hbm>>) target(%arg7 : memref<200xi32, #tpu.memory_space<vmem>>) target_semaphore(%arg11 : memref<!tpu.dma_semaphore, #tpu.memory_space<semaphore_mem>>)
    %dma_wait3A_99 = tpu.memref_slice %arg2[%add3A_90] : memref<320000xi32, #tpu.memory_space<hbm>> -> memref<200xi32, #tpu.memory_space<hbm>>
    %dma_wait3A_100 = tpu.memref_slice %arg2[%add3A_90] : memref<320000xi32, #tpu.memory_space<hbm>> -> memref<200xi32, #tpu.memory_space<hbm>>
    tpu.wait_dma2 semaphore(%arg10 : memref<!tpu.dma_semaphore, #tpu.memory_space<semaphore_mem>>) src(%dma_wait3A_100 : memref<200xi32, #tpu.memory_space<hbm>>) dst(%arg6 : memref<200xi32, #tpu.memory_space<vmem>>)
    "tpu.region"() ({
      %run_scoped3A = tpu.sem_alloc : memref<!tpu.dma_semaphore, #tpu.memory_space<semaphore_mem>>
      %dma_start3A_313 = arith.constant 0 : i32
      %dma_start3A_314 = arith.constant 0 : i32
      %dma_start3A_315 = tpu.memref_slice %arg9[%dma_start3A_313, %dma_start3A_314] : memref<10016x128xf32, #tpu.memory_space<vmem_shared>> -> memref<10016x128xf32, #tpu.memory_space<vmem_shared>>
      tpu.enqueue_indirect_dma source(%arg8 : memref<200x128xf32, #tpu.memory_space<vmem>>) target(%dma_start3A_315 : memref<10016x128xf32, #tpu.memory_space<vmem_shared>>) offsets(%arg6 : memref<200xi32, #tpu.memory_space<vmem>>) semaphore(%run_scoped3A : memref<!tpu.dma_semaphore, #tpu.memory_space<semaphore_mem>>) {add = true}
      %dma_wait3A_316 = arith.constant 0 : i32
      %dma_wait3A_317 = arith.constant 0 : i32
      %dma_wait3A_318 = tpu.memref_slice %arg9[%dma_wait3A_316, %dma_wait3A_317] : memref<10016x128xf32, #tpu.memory_space<vmem_shared>> -> memref<10016x128xf32, #tpu.memory_space<vmem_shared>>
      tpu.wait_indirect_dma semaphore(%run_scoped3A : memref<!tpu.dma_semaphore, #tpu.memory_space<semaphore_mem>>) src(%arg8 : memref<200x128xf32, #tpu.memory_space<vmem>>) dst(%dma_wait3A_318 : memref<10016x128xf32, #tpu.memory_space<vmem_shared>>)
      tpu.yield
    }) : () -> ()
    %add3A_101 = arith.constant 3200 : i32
    %add3A_102 = arith.addi %mul3A_2, %add3A_101 : i32
    %dma_start3A_103 = tpu.memref_slice %arg2[%add3A_102] : memref<320000xi32, #tpu.memory_space<hbm>> -> memref<200xi32, #tpu.memory_space<hbm>>
    %dma_start3A_104 = tpu.memref_slice %arg2[%add3A_102] : memref<320000xi32, #tpu.memory_space<hbm>> -> memref<200xi32, #tpu.memory_space<hbm>>
    tpu.enqueue_dma source(%dma_start3A_104 : memref<200xi32, #tpu.memory_space<hbm>>) target(%arg6 : memref<200xi32, #tpu.memory_space<vmem>>) target_semaphore(%arg10 : memref<!tpu.dma_semaphore, #tpu.memory_space<semaphore_mem>>)
    %dma_wait3A_105 = tpu.memref_slice %arg2[%add3A_96] : memref<320000xi32, #tpu.memory_space<hbm>> -> memref<200xi32, #tpu.memory_space<hbm>>
    %dma_wait3A_106 = tpu.memref_slice %arg2[%add3A_96] : memref<320000xi32, #tpu.memory_space<hbm>> -> memref<200xi32, #tpu.memory_space<hbm>>
    tpu.wait_dma2 semaphore(%arg11 : memref<!tpu.dma_semaphore, #tpu.memory_space<semaphore_mem>>) src(%dma_wait3A_106 : memref<200xi32, #tpu.memory_space<hbm>>) dst(%arg7 : memref<200xi32, #tpu.memory_space<vmem>>)
    "tpu.region"() ({
      %run_scoped3A = tpu.sem_alloc : memref<!tpu.dma_semaphore, #tpu.memory_space<semaphore_mem>>
      %dma_start3A_313 = arith.constant 0 : i32
      %dma_start3A_314 = arith.constant 0 : i32
      %dma_start3A_315 = tpu.memref_slice %arg9[%dma_start3A_313, %dma_start3A_314] : memref<10016x128xf32, #tpu.memory_space<vmem_shared>> -> memref<10016x128xf32, #tpu.memory_space<vmem_shared>>
      tpu.enqueue_indirect_dma source(%arg8 : memref<200x128xf32, #tpu.memory_space<vmem>>) target(%dma_start3A_315 : memref<10016x128xf32, #tpu.memory_space<vmem_shared>>) offsets(%arg7 : memref<200xi32, #tpu.memory_space<vmem>>) semaphore(%run_scoped3A : memref<!tpu.dma_semaphore, #tpu.memory_space<semaphore_mem>>) {add = true}
      %dma_wait3A_316 = arith.constant 0 : i32
      %dma_wait3A_317 = arith.constant 0 : i32
      %dma_wait3A_318 = tpu.memref_slice %arg9[%dma_wait3A_316, %dma_wait3A_317] : memref<10016x128xf32, #tpu.memory_space<vmem_shared>> -> memref<10016x128xf32, #tpu.memory_space<vmem_shared>>
      tpu.wait_indirect_dma semaphore(%run_scoped3A : memref<!tpu.dma_semaphore, #tpu.memory_space<semaphore_mem>>) src(%arg8 : memref<200x128xf32, #tpu.memory_space<vmem>>) dst(%dma_wait3A_318 : memref<10016x128xf32, #tpu.memory_space<vmem_shared>>)
      tpu.yield
    }) : () -> ()
    %add3A_107 = arith.constant 3400 : i32
    %add3A_108 = arith.addi %mul3A_2, %add3A_107 : i32
    %dma_start3A_109 = tpu.memref_slice %arg2[%add3A_108] : memref<320000xi32, #tpu.memory_space<hbm>> -> memref<200xi32, #tpu.memory_space<hbm>>
    %dma_start3A_110 = tpu.memref_slice %arg2[%add3A_108] : memref<320000xi32, #tpu.memory_space<hbm>> -> memref<200xi32, #tpu.memory_space<hbm>>
    tpu.enqueue_dma source(%dma_start3A_110 : memref<200xi32, #tpu.memory_space<hbm>>) target(%arg7 : memref<200xi32, #tpu.memory_space<vmem>>) target_semaphore(%arg11 : memref<!tpu.dma_semaphore, #tpu.memory_space<semaphore_mem>>)
    %dma_wait3A_111 = tpu.memref_slice %arg2[%add3A_102] : memref<320000xi32, #tpu.memory_space<hbm>> -> memref<200xi32, #tpu.memory_space<hbm>>
    %dma_wait3A_112 = tpu.memref_slice %arg2[%add3A_102] : memref<320000xi32, #tpu.memory_space<hbm>> -> memref<200xi32, #tpu.memory_space<hbm>>
    tpu.wait_dma2 semaphore(%arg10 : memref<!tpu.dma_semaphore, #tpu.memory_space<semaphore_mem>>) src(%dma_wait3A_112 : memref<200xi32, #tpu.memory_space<hbm>>) dst(%arg6 : memref<200xi32, #tpu.memory_space<vmem>>)
    "tpu.region"() ({
      %run_scoped3A = tpu.sem_alloc : memref<!tpu.dma_semaphore, #tpu.memory_space<semaphore_mem>>
      %dma_start3A_313 = arith.constant 0 : i32
      %dma_start3A_314 = arith.constant 0 : i32
      %dma_start3A_315 = tpu.memref_slice %arg9[%dma_start3A_313, %dma_start3A_314] : memref<10016x128xf32, #tpu.memory_space<vmem_shared>> -> memref<10016x128xf32, #tpu.memory_space<vmem_shared>>
      tpu.enqueue_indirect_dma source(%arg8 : memref<200x128xf32, #tpu.memory_space<vmem>>) target(%dma_start3A_315 : memref<10016x128xf32, #tpu.memory_space<vmem_shared>>) offsets(%arg6 : memref<200xi32, #tpu.memory_space<vmem>>) semaphore(%run_scoped3A : memref<!tpu.dma_semaphore, #tpu.memory_space<semaphore_mem>>) {add = true}
      %dma_wait3A_316 = arith.constant 0 : i32
      %dma_wait3A_317 = arith.constant 0 : i32
      %dma_wait3A_318 = tpu.memref_slice %arg9[%dma_wait3A_316, %dma_wait3A_317] : memref<10016x128xf32, #tpu.memory_space<vmem_shared>> -> memref<10016x128xf32, #tpu.memory_space<vmem_shared>>
      tpu.wait_indirect_dma semaphore(%run_scoped3A : memref<!tpu.dma_semaphore, #tpu.memory_space<semaphore_mem>>) src(%arg8 : memref<200x128xf32, #tpu.memory_space<vmem>>) dst(%dma_wait3A_318 : memref<10016x128xf32, #tpu.memory_space<vmem_shared>>)
      tpu.yield
    }) : () -> ()
    %add3A_113 = arith.constant 3600 : i32
    %add3A_114 = arith.addi %mul3A_2, %add3A_113 : i32
    %dma_start3A_115 = tpu.memref_slice %arg2[%add3A_114] : memref<320000xi32, #tpu.memory_space<hbm>> -> memref<200xi32, #tpu.memory_space<hbm>>
    %dma_start3A_116 = tpu.memref_slice %arg2[%add3A_114] : memref<320000xi32, #tpu.memory_space<hbm>> -> memref<200xi32, #tpu.memory_space<hbm>>
    tpu.enqueue_dma source(%dma_start3A_116 : memref<200xi32, #tpu.memory_space<hbm>>) target(%arg6 : memref<200xi32, #tpu.memory_space<vmem>>) target_semaphore(%arg10 : memref<!tpu.dma_semaphore, #tpu.memory_space<semaphore_mem>>)
    %dma_wait3A_117 = tpu.memref_slice %arg2[%add3A_108] : memref<320000xi32, #tpu.memory_space<hbm>> -> memref<200xi32, #tpu.memory_space<hbm>>
    %dma_wait3A_118 = tpu.memref_slice %arg2[%add3A_108] : memref<320000xi32, #tpu.memory_space<hbm>> -> memref<200xi32, #tpu.memory_space<hbm>>
    tpu.wait_dma2 semaphore(%arg11 : memref<!tpu.dma_semaphore, #tpu.memory_space<semaphore_mem>>) src(%dma_wait3A_118 : memref<200xi32, #tpu.memory_space<hbm>>) dst(%arg7 : memref<200xi32, #tpu.memory_space<vmem>>)
    "tpu.region"() ({
      %run_scoped3A = tpu.sem_alloc : memref<!tpu.dma_semaphore, #tpu.memory_space<semaphore_mem>>
      %dma_start3A_313 = arith.constant 0 : i32
      %dma_start3A_314 = arith.constant 0 : i32
      %dma_start3A_315 = tpu.memref_slice %arg9[%dma_start3A_313, %dma_start3A_314] : memref<10016x128xf32, #tpu.memory_space<vmem_shared>> -> memref<10016x128xf32, #tpu.memory_space<vmem_shared>>
      tpu.enqueue_indirect_dma source(%arg8 : memref<200x128xf32, #tpu.memory_space<vmem>>) target(%dma_start3A_315 : memref<10016x128xf32, #tpu.memory_space<vmem_shared>>) offsets(%arg7 : memref<200xi32, #tpu.memory_space<vmem>>) semaphore(%run_scoped3A : memref<!tpu.dma_semaphore, #tpu.memory_space<semaphore_mem>>) {add = true}
      %dma_wait3A_316 = arith.constant 0 : i32
      %dma_wait3A_317 = arith.constant 0 : i32
      %dma_wait3A_318 = tpu.memref_slice %arg9[%dma_wait3A_316, %dma_wait3A_317] : memref<10016x128xf32, #tpu.memory_space<vmem_shared>> -> memref<10016x128xf32, #tpu.memory_space<vmem_shared>>
      tpu.wait_indirect_dma semaphore(%run_scoped3A : memref<!tpu.dma_semaphore, #tpu.memory_space<semaphore_mem>>) src(%arg8 : memref<200x128xf32, #tpu.memory_space<vmem>>) dst(%dma_wait3A_318 : memref<10016x128xf32, #tpu.memory_space<vmem_shared>>)
      tpu.yield
    }) : () -> ()
    %add3A_119 = arith.constant 3800 : i32
    %add3A_120 = arith.addi %mul3A_2, %add3A_119 : i32
    %dma_start3A_121 = tpu.memref_slice %arg2[%add3A_120] : memref<320000xi32, #tpu.memory_space<hbm>> -> memref<200xi32, #tpu.memory_space<hbm>>
    %dma_start3A_122 = tpu.memref_slice %arg2[%add3A_120] : memref<320000xi32, #tpu.memory_space<hbm>> -> memref<200xi32, #tpu.memory_space<hbm>>
    tpu.enqueue_dma source(%dma_start3A_122 : memref<200xi32, #tpu.memory_space<hbm>>) target(%arg7 : memref<200xi32, #tpu.memory_space<vmem>>) target_semaphore(%arg11 : memref<!tpu.dma_semaphore, #tpu.memory_space<semaphore_mem>>)
    %dma_wait3A_123 = tpu.memref_slice %arg2[%add3A_114] : memref<320000xi32, #tpu.memory_space<hbm>> -> memref<200xi32, #tpu.memory_space<hbm>>
    %dma_wait3A_124 = tpu.memref_slice %arg2[%add3A_114] : memref<320000xi32, #tpu.memory_space<hbm>> -> memref<200xi32, #tpu.memory_space<hbm>>
    tpu.wait_dma2 semaphore(%arg10 : memref<!tpu.dma_semaphore, #tpu.memory_space<semaphore_mem>>) src(%dma_wait3A_124 : memref<200xi32, #tpu.memory_space<hbm>>) dst(%arg6 : memref<200xi32, #tpu.memory_space<vmem>>)
    "tpu.region"() ({
      %run_scoped3A = tpu.sem_alloc : memref<!tpu.dma_semaphore, #tpu.memory_space<semaphore_mem>>
      %dma_start3A_313 = arith.constant 0 : i32
      %dma_start3A_314 = arith.constant 0 : i32
      %dma_start3A_315 = tpu.memref_slice %arg9[%dma_start3A_313, %dma_start3A_314] : memref<10016x128xf32, #tpu.memory_space<vmem_shared>> -> memref<10016x128xf32, #tpu.memory_space<vmem_shared>>
      tpu.enqueue_indirect_dma source(%arg8 : memref<200x128xf32, #tpu.memory_space<vmem>>) target(%dma_start3A_315 : memref<10016x128xf32, #tpu.memory_space<vmem_shared>>) offsets(%arg6 : memref<200xi32, #tpu.memory_space<vmem>>) semaphore(%run_scoped3A : memref<!tpu.dma_semaphore, #tpu.memory_space<semaphore_mem>>) {add = true}
      %dma_wait3A_316 = arith.constant 0 : i32
      %dma_wait3A_317 = arith.constant 0 : i32
      %dma_wait3A_318 = tpu.memref_slice %arg9[%dma_wait3A_316, %dma_wait3A_317] : memref<10016x128xf32, #tpu.memory_space<vmem_shared>> -> memref<10016x128xf32, #tpu.memory_space<vmem_shared>>
      tpu.wait_indirect_dma semaphore(%run_scoped3A : memref<!tpu.dma_semaphore, #tpu.memory_space<semaphore_mem>>) src(%arg8 : memref<200x128xf32, #tpu.memory_space<vmem>>) dst(%dma_wait3A_318 : memref<10016x128xf32, #tpu.memory_space<vmem_shared>>)
      tpu.yield
    }) : () -> ()
    %add3A_125 = arith.constant 4000 : i32
    %add3A_126 = arith.addi %mul3A_2, %add3A_125 : i32
    %dma_start3A_127 = tpu.memref_slice %arg2[%add3A_126] : memref<320000xi32, #tpu.memory_space<hbm>> -> memref<200xi32, #tpu.memory_space<hbm>>
    %dma_start3A_128 = tpu.memref_slice %arg2[%add3A_126] : memref<320000xi32, #tpu.memory_space<hbm>> -> memref<200xi32, #tpu.memory_space<hbm>>
    tpu.enqueue_dma source(%dma_start3A_128 : memref<200xi32, #tpu.memory_space<hbm>>) target(%arg6 : memref<200xi32, #tpu.memory_space<vmem>>) target_semaphore(%arg10 : memref<!tpu.dma_semaphore, #tpu.memory_space<semaphore_mem>>)
    %dma_wait3A_129 = tpu.memref_slice %arg2[%add3A_120] : memref<320000xi32, #tpu.memory_space<hbm>> -> memref<200xi32, #tpu.memory_space<hbm>>
    %dma_wait3A_130 = tpu.memref_slice %arg2[%add3A_120] : memref<320000xi32, #tpu.memory_space<hbm>> -> memref<200xi32, #tpu.memory_space<hbm>>
    tpu.wait_dma2 semaphore(%arg11 : memref<!tpu.dma_semaphore, #tpu.memory_space<semaphore_mem>>) src(%dma_wait3A_130 : memref<200xi32, #tpu.memory_space<hbm>>) dst(%arg7 : memref<200xi32, #tpu.memory_space<vmem>>)
    "tpu.region"() ({
      %run_scoped3A = tpu.sem_alloc : memref<!tpu.dma_semaphore, #tpu.memory_space<semaphore_mem>>
      %dma_start3A_313 = arith.constant 0 : i32
      %dma_start3A_314 = arith.constant 0 : i32
      %dma_start3A_315 = tpu.memref_slice %arg9[%dma_start3A_313, %dma_start3A_314] : memref<10016x128xf32, #tpu.memory_space<vmem_shared>> -> memref<10016x128xf32, #tpu.memory_space<vmem_shared>>
      tpu.enqueue_indirect_dma source(%arg8 : memref<200x128xf32, #tpu.memory_space<vmem>>) target(%dma_start3A_315 : memref<10016x128xf32, #tpu.memory_space<vmem_shared>>) offsets(%arg7 : memref<200xi32, #tpu.memory_space<vmem>>) semaphore(%run_scoped3A : memref<!tpu.dma_semaphore, #tpu.memory_space<semaphore_mem>>) {add = true}
      %dma_wait3A_316 = arith.constant 0 : i32
      %dma_wait3A_317 = arith.constant 0 : i32
      %dma_wait3A_318 = tpu.memref_slice %arg9[%dma_wait3A_316, %dma_wait3A_317] : memref<10016x128xf32, #tpu.memory_space<vmem_shared>> -> memref<10016x128xf32, #tpu.memory_space<vmem_shared>>
      tpu.wait_indirect_dma semaphore(%run_scoped3A : memref<!tpu.dma_semaphore, #tpu.memory_space<semaphore_mem>>) src(%arg8 : memref<200x128xf32, #tpu.memory_space<vmem>>) dst(%dma_wait3A_318 : memref<10016x128xf32, #tpu.memory_space<vmem_shared>>)
      tpu.yield
    }) : () -> ()
    %add3A_131 = arith.constant 4200 : i32
    %add3A_132 = arith.addi %mul3A_2, %add3A_131 : i32
    %dma_start3A_133 = tpu.memref_slice %arg2[%add3A_132] : memref<320000xi32, #tpu.memory_space<hbm>> -> memref<200xi32, #tpu.memory_space<hbm>>
    %dma_start3A_134 = tpu.memref_slice %arg2[%add3A_132] : memref<320000xi32, #tpu.memory_space<hbm>> -> memref<200xi32, #tpu.memory_space<hbm>>
    tpu.enqueue_dma source(%dma_start3A_134 : memref<200xi32, #tpu.memory_space<hbm>>) target(%arg7 : memref<200xi32, #tpu.memory_space<vmem>>) target_semaphore(%arg11 : memref<!tpu.dma_semaphore, #tpu.memory_space<semaphore_mem>>)
    %dma_wait3A_135 = tpu.memref_slice %arg2[%add3A_126] : memref<320000xi32, #tpu.memory_space<hbm>> -> memref<200xi32, #tpu.memory_space<hbm>>
    %dma_wait3A_136 = tpu.memref_slice %arg2[%add3A_126] : memref<320000xi32, #tpu.memory_space<hbm>> -> memref<200xi32, #tpu.memory_space<hbm>>
    tpu.wait_dma2 semaphore(%arg10 : memref<!tpu.dma_semaphore, #tpu.memory_space<semaphore_mem>>) src(%dma_wait3A_136 : memref<200xi32, #tpu.memory_space<hbm>>) dst(%arg6 : memref<200xi32, #tpu.memory_space<vmem>>)
    "tpu.region"() ({
      %run_scoped3A = tpu.sem_alloc : memref<!tpu.dma_semaphore, #tpu.memory_space<semaphore_mem>>
      %dma_start3A_313 = arith.constant 0 : i32
      %dma_start3A_314 = arith.constant 0 : i32
      %dma_start3A_315 = tpu.memref_slice %arg9[%dma_start3A_313, %dma_start3A_314] : memref<10016x128xf32, #tpu.memory_space<vmem_shared>> -> memref<10016x128xf32, #tpu.memory_space<vmem_shared>>
      tpu.enqueue_indirect_dma source(%arg8 : memref<200x128xf32, #tpu.memory_space<vmem>>) target(%dma_start3A_315 : memref<10016x128xf32, #tpu.memory_space<vmem_shared>>) offsets(%arg6 : memref<200xi32, #tpu.memory_space<vmem>>) semaphore(%run_scoped3A : memref<!tpu.dma_semaphore, #tpu.memory_space<semaphore_mem>>) {add = true}
      %dma_wait3A_316 = arith.constant 0 : i32
      %dma_wait3A_317 = arith.constant 0 : i32
      %dma_wait3A_318 = tpu.memref_slice %arg9[%dma_wait3A_316, %dma_wait3A_317] : memref<10016x128xf32, #tpu.memory_space<vmem_shared>> -> memref<10016x128xf32, #tpu.memory_space<vmem_shared>>
      tpu.wait_indirect_dma semaphore(%run_scoped3A : memref<!tpu.dma_semaphore, #tpu.memory_space<semaphore_mem>>) src(%arg8 : memref<200x128xf32, #tpu.memory_space<vmem>>) dst(%dma_wait3A_318 : memref<10016x128xf32, #tpu.memory_space<vmem_shared>>)
      tpu.yield
    }) : () -> ()
    %add3A_137 = arith.constant 4400 : i32
    %add3A_138 = arith.addi %mul3A_2, %add3A_137 : i32
    %dma_start3A_139 = tpu.memref_slice %arg2[%add3A_138] : memref<320000xi32, #tpu.memory_space<hbm>> -> memref<200xi32, #tpu.memory_space<hbm>>
    %dma_start3A_140 = tpu.memref_slice %arg2[%add3A_138] : memref<320000xi32, #tpu.memory_space<hbm>> -> memref<200xi32, #tpu.memory_space<hbm>>
    tpu.enqueue_dma source(%dma_start3A_140 : memref<200xi32, #tpu.memory_space<hbm>>) target(%arg6 : memref<200xi32, #tpu.memory_space<vmem>>) target_semaphore(%arg10 : memref<!tpu.dma_semaphore, #tpu.memory_space<semaphore_mem>>)
    %dma_wait3A_141 = tpu.memref_slice %arg2[%add3A_132] : memref<320000xi32, #tpu.memory_space<hbm>> -> memref<200xi32, #tpu.memory_space<hbm>>
    %dma_wait3A_142 = tpu.memref_slice %arg2[%add3A_132] : memref<320000xi32, #tpu.memory_space<hbm>> -> memref<200xi32, #tpu.memory_space<hbm>>
    tpu.wait_dma2 semaphore(%arg11 : memref<!tpu.dma_semaphore, #tpu.memory_space<semaphore_mem>>) src(%dma_wait3A_142 : memref<200xi32, #tpu.memory_space<hbm>>) dst(%arg7 : memref<200xi32, #tpu.memory_space<vmem>>)
    "tpu.region"() ({
      %run_scoped3A = tpu.sem_alloc : memref<!tpu.dma_semaphore, #tpu.memory_space<semaphore_mem>>
      %dma_start3A_313 = arith.constant 0 : i32
      %dma_start3A_314 = arith.constant 0 : i32
      %dma_start3A_315 = tpu.memref_slice %arg9[%dma_start3A_313, %dma_start3A_314] : memref<10016x128xf32, #tpu.memory_space<vmem_shared>> -> memref<10016x128xf32, #tpu.memory_space<vmem_shared>>
      tpu.enqueue_indirect_dma source(%arg8 : memref<200x128xf32, #tpu.memory_space<vmem>>) target(%dma_start3A_315 : memref<10016x128xf32, #tpu.memory_space<vmem_shared>>) offsets(%arg7 : memref<200xi32, #tpu.memory_space<vmem>>) semaphore(%run_scoped3A : memref<!tpu.dma_semaphore, #tpu.memory_space<semaphore_mem>>) {add = true}
      %dma_wait3A_316 = arith.constant 0 : i32
      %dma_wait3A_317 = arith.constant 0 : i32
      %dma_wait3A_318 = tpu.memref_slice %arg9[%dma_wait3A_316, %dma_wait3A_317] : memref<10016x128xf32, #tpu.memory_space<vmem_shared>> -> memref<10016x128xf32, #tpu.memory_space<vmem_shared>>
      tpu.wait_indirect_dma semaphore(%run_scoped3A : memref<!tpu.dma_semaphore, #tpu.memory_space<semaphore_mem>>) src(%arg8 : memref<200x128xf32, #tpu.memory_space<vmem>>) dst(%dma_wait3A_318 : memref<10016x128xf32, #tpu.memory_space<vmem_shared>>)
      tpu.yield
    }) : () -> ()
    %add3A_143 = arith.constant 4600 : i32
    %add3A_144 = arith.addi %mul3A_2, %add3A_143 : i32
    %dma_start3A_145 = tpu.memref_slice %arg2[%add3A_144] : memref<320000xi32, #tpu.memory_space<hbm>> -> memref<200xi32, #tpu.memory_space<hbm>>
    %dma_start3A_146 = tpu.memref_slice %arg2[%add3A_144] : memref<320000xi32, #tpu.memory_space<hbm>> -> memref<200xi32, #tpu.memory_space<hbm>>
    tpu.enqueue_dma source(%dma_start3A_146 : memref<200xi32, #tpu.memory_space<hbm>>) target(%arg7 : memref<200xi32, #tpu.memory_space<vmem>>) target_semaphore(%arg11 : memref<!tpu.dma_semaphore, #tpu.memory_space<semaphore_mem>>)
    %dma_wait3A_147 = tpu.memref_slice %arg2[%add3A_138] : memref<320000xi32, #tpu.memory_space<hbm>> -> memref<200xi32, #tpu.memory_space<hbm>>
    %dma_wait3A_148 = tpu.memref_slice %arg2[%add3A_138] : memref<320000xi32, #tpu.memory_space<hbm>> -> memref<200xi32, #tpu.memory_space<hbm>>
    tpu.wait_dma2 semaphore(%arg10 : memref<!tpu.dma_semaphore, #tpu.memory_space<semaphore_mem>>) src(%dma_wait3A_148 : memref<200xi32, #tpu.memory_space<hbm>>) dst(%arg6 : memref<200xi32, #tpu.memory_space<vmem>>)
    "tpu.region"() ({
      %run_scoped3A = tpu.sem_alloc : memref<!tpu.dma_semaphore, #tpu.memory_space<semaphore_mem>>
      %dma_start3A_313 = arith.constant 0 : i32
      %dma_start3A_314 = arith.constant 0 : i32
      %dma_start3A_315 = tpu.memref_slice %arg9[%dma_start3A_313, %dma_start3A_314] : memref<10016x128xf32, #tpu.memory_space<vmem_shared>> -> memref<10016x128xf32, #tpu.memory_space<vmem_shared>>
      tpu.enqueue_indirect_dma source(%arg8 : memref<200x128xf32, #tpu.memory_space<vmem>>) target(%dma_start3A_315 : memref<10016x128xf32, #tpu.memory_space<vmem_shared>>) offsets(%arg6 : memref<200xi32, #tpu.memory_space<vmem>>) semaphore(%run_scoped3A : memref<!tpu.dma_semaphore, #tpu.memory_space<semaphore_mem>>) {add = true}
      %dma_wait3A_316 = arith.constant 0 : i32
      %dma_wait3A_317 = arith.constant 0 : i32
      %dma_wait3A_318 = tpu.memref_slice %arg9[%dma_wait3A_316, %dma_wait3A_317] : memref<10016x128xf32, #tpu.memory_space<vmem_shared>> -> memref<10016x128xf32, #tpu.memory_space<vmem_shared>>
      tpu.wait_indirect_dma semaphore(%run_scoped3A : memref<!tpu.dma_semaphore, #tpu.memory_space<semaphore_mem>>) src(%arg8 : memref<200x128xf32, #tpu.memory_space<vmem>>) dst(%dma_wait3A_318 : memref<10016x128xf32, #tpu.memory_space<vmem_shared>>)
      tpu.yield
    }) : () -> ()
    %add3A_149 = arith.constant 4800 : i32
    %add3A_150 = arith.addi %mul3A_2, %add3A_149 : i32
    %dma_start3A_151 = tpu.memref_slice %arg2[%add3A_150] : memref<320000xi32, #tpu.memory_space<hbm>> -> memref<200xi32, #tpu.memory_space<hbm>>
    %dma_start3A_152 = tpu.memref_slice %arg2[%add3A_150] : memref<320000xi32, #tpu.memory_space<hbm>> -> memref<200xi32, #tpu.memory_space<hbm>>
    tpu.enqueue_dma source(%dma_start3A_152 : memref<200xi32, #tpu.memory_space<hbm>>) target(%arg6 : memref<200xi32, #tpu.memory_space<vmem>>) target_semaphore(%arg10 : memref<!tpu.dma_semaphore, #tpu.memory_space<semaphore_mem>>)
    %dma_wait3A_153 = tpu.memref_slice %arg2[%add3A_144] : memref<320000xi32, #tpu.memory_space<hbm>> -> memref<200xi32, #tpu.memory_space<hbm>>
    %dma_wait3A_154 = tpu.memref_slice %arg2[%add3A_144] : memref<320000xi32, #tpu.memory_space<hbm>> -> memref<200xi32, #tpu.memory_space<hbm>>
    tpu.wait_dma2 semaphore(%arg11 : memref<!tpu.dma_semaphore, #tpu.memory_space<semaphore_mem>>) src(%dma_wait3A_154 : memref<200xi32, #tpu.memory_space<hbm>>) dst(%arg7 : memref<200xi32, #tpu.memory_space<vmem>>)
    "tpu.region"() ({
      %run_scoped3A = tpu.sem_alloc : memref<!tpu.dma_semaphore, #tpu.memory_space<semaphore_mem>>
      %dma_start3A_313 = arith.constant 0 : i32
      %dma_start3A_314 = arith.constant 0 : i32
      %dma_start3A_315 = tpu.memref_slice %arg9[%dma_start3A_313, %dma_start3A_314] : memref<10016x128xf32, #tpu.memory_space<vmem_shared>> -> memref<10016x128xf32, #tpu.memory_space<vmem_shared>>
      tpu.enqueue_indirect_dma source(%arg8 : memref<200x128xf32, #tpu.memory_space<vmem>>) target(%dma_start3A_315 : memref<10016x128xf32, #tpu.memory_space<vmem_shared>>) offsets(%arg7 : memref<200xi32, #tpu.memory_space<vmem>>) semaphore(%run_scoped3A : memref<!tpu.dma_semaphore, #tpu.memory_space<semaphore_mem>>) {add = true}
      %dma_wait3A_316 = arith.constant 0 : i32
      %dma_wait3A_317 = arith.constant 0 : i32
      %dma_wait3A_318 = tpu.memref_slice %arg9[%dma_wait3A_316, %dma_wait3A_317] : memref<10016x128xf32, #tpu.memory_space<vmem_shared>> -> memref<10016x128xf32, #tpu.memory_space<vmem_shared>>
      tpu.wait_indirect_dma semaphore(%run_scoped3A : memref<!tpu.dma_semaphore, #tpu.memory_space<semaphore_mem>>) src(%arg8 : memref<200x128xf32, #tpu.memory_space<vmem>>) dst(%dma_wait3A_318 : memref<10016x128xf32, #tpu.memory_space<vmem_shared>>)
      tpu.yield
    }) : () -> ()
    %add3A_155 = arith.constant 5000 : i32
    %add3A_156 = arith.addi %mul3A_2, %add3A_155 : i32
    %dma_start3A_157 = tpu.memref_slice %arg2[%add3A_156] : memref<320000xi32, #tpu.memory_space<hbm>> -> memref<200xi32, #tpu.memory_space<hbm>>
    %dma_start3A_158 = tpu.memref_slice %arg2[%add3A_156] : memref<320000xi32, #tpu.memory_space<hbm>> -> memref<200xi32, #tpu.memory_space<hbm>>
    tpu.enqueue_dma source(%dma_start3A_158 : memref<200xi32, #tpu.memory_space<hbm>>) target(%arg7 : memref<200xi32, #tpu.memory_space<vmem>>) target_semaphore(%arg11 : memref<!tpu.dma_semaphore, #tpu.memory_space<semaphore_mem>>)
    %dma_wait3A_159 = tpu.memref_slice %arg2[%add3A_150] : memref<320000xi32, #tpu.memory_space<hbm>> -> memref<200xi32, #tpu.memory_space<hbm>>
    %dma_wait3A_160 = tpu.memref_slice %arg2[%add3A_150] : memref<320000xi32, #tpu.memory_space<hbm>> -> memref<200xi32, #tpu.memory_space<hbm>>
    tpu.wait_dma2 semaphore(%arg10 : memref<!tpu.dma_semaphore, #tpu.memory_space<semaphore_mem>>) src(%dma_wait3A_160 : memref<200xi32, #tpu.memory_space<hbm>>) dst(%arg6 : memref<200xi32, #tpu.memory_space<vmem>>)
    "tpu.region"() ({
      %run_scoped3A = tpu.sem_alloc : memref<!tpu.dma_semaphore, #tpu.memory_space<semaphore_mem>>
      %dma_start3A_313 = arith.constant 0 : i32
      %dma_start3A_314 = arith.constant 0 : i32
      %dma_start3A_315 = tpu.memref_slice %arg9[%dma_start3A_313, %dma_start3A_314] : memref<10016x128xf32, #tpu.memory_space<vmem_shared>> -> memref<10016x128xf32, #tpu.memory_space<vmem_shared>>
      tpu.enqueue_indirect_dma source(%arg8 : memref<200x128xf32, #tpu.memory_space<vmem>>) target(%dma_start3A_315 : memref<10016x128xf32, #tpu.memory_space<vmem_shared>>) offsets(%arg6 : memref<200xi32, #tpu.memory_space<vmem>>) semaphore(%run_scoped3A : memref<!tpu.dma_semaphore, #tpu.memory_space<semaphore_mem>>) {add = true}
      %dma_wait3A_316 = arith.constant 0 : i32
      %dma_wait3A_317 = arith.constant 0 : i32
      %dma_wait3A_318 = tpu.memref_slice %arg9[%dma_wait3A_316, %dma_wait3A_317] : memref<10016x128xf32, #tpu.memory_space<vmem_shared>> -> memref<10016x128xf32, #tpu.memory_space<vmem_shared>>
      tpu.wait_indirect_dma semaphore(%run_scoped3A : memref<!tpu.dma_semaphore, #tpu.memory_space<semaphore_mem>>) src(%arg8 : memref<200x128xf32, #tpu.memory_space<vmem>>) dst(%dma_wait3A_318 : memref<10016x128xf32, #tpu.memory_space<vmem_shared>>)
      tpu.yield
    }) : () -> ()
    %add3A_161 = arith.constant 5200 : i32
    %add3A_162 = arith.addi %mul3A_2, %add3A_161 : i32
    %dma_start3A_163 = tpu.memref_slice %arg2[%add3A_162] : memref<320000xi32, #tpu.memory_space<hbm>> -> memref<200xi32, #tpu.memory_space<hbm>>
    %dma_start3A_164 = tpu.memref_slice %arg2[%add3A_162] : memref<320000xi32, #tpu.memory_space<hbm>> -> memref<200xi32, #tpu.memory_space<hbm>>
    tpu.enqueue_dma source(%dma_start3A_164 : memref<200xi32, #tpu.memory_space<hbm>>) target(%arg6 : memref<200xi32, #tpu.memory_space<vmem>>) target_semaphore(%arg10 : memref<!tpu.dma_semaphore, #tpu.memory_space<semaphore_mem>>)
    %dma_wait3A_165 = tpu.memref_slice %arg2[%add3A_156] : memref<320000xi32, #tpu.memory_space<hbm>> -> memref<200xi32, #tpu.memory_space<hbm>>
    %dma_wait3A_166 = tpu.memref_slice %arg2[%add3A_156] : memref<320000xi32, #tpu.memory_space<hbm>> -> memref<200xi32, #tpu.memory_space<hbm>>
    tpu.wait_dma2 semaphore(%arg11 : memref<!tpu.dma_semaphore, #tpu.memory_space<semaphore_mem>>) src(%dma_wait3A_166 : memref<200xi32, #tpu.memory_space<hbm>>) dst(%arg7 : memref<200xi32, #tpu.memory_space<vmem>>)
    "tpu.region"() ({
      %run_scoped3A = tpu.sem_alloc : memref<!tpu.dma_semaphore, #tpu.memory_space<semaphore_mem>>
      %dma_start3A_313 = arith.constant 0 : i32
      %dma_start3A_314 = arith.constant 0 : i32
      %dma_start3A_315 = tpu.memref_slice %arg9[%dma_start3A_313, %dma_start3A_314] : memref<10016x128xf32, #tpu.memory_space<vmem_shared>> -> memref<10016x128xf32, #tpu.memory_space<vmem_shared>>
      tpu.enqueue_indirect_dma source(%arg8 : memref<200x128xf32, #tpu.memory_space<vmem>>) target(%dma_start3A_315 : memref<10016x128xf32, #tpu.memory_space<vmem_shared>>) offsets(%arg7 : memref<200xi32, #tpu.memory_space<vmem>>) semaphore(%run_scoped3A : memref<!tpu.dma_semaphore, #tpu.memory_space<semaphore_mem>>) {add = true}
      %dma_wait3A_316 = arith.constant 0 : i32
      %dma_wait3A_317 = arith.constant 0 : i32
      %dma_wait3A_318 = tpu.memref_slice %arg9[%dma_wait3A_316, %dma_wait3A_317] : memref<10016x128xf32, #tpu.memory_space<vmem_shared>> -> memref<10016x128xf32, #tpu.memory_space<vmem_shared>>
      tpu.wait_indirect_dma semaphore(%run_scoped3A : memref<!tpu.dma_semaphore, #tpu.memory_space<semaphore_mem>>) src(%arg8 : memref<200x128xf32, #tpu.memory_space<vmem>>) dst(%dma_wait3A_318 : memref<10016x128xf32, #tpu.memory_space<vmem_shared>>)
      tpu.yield
    }) : () -> ()
    %add3A_167 = arith.constant 5400 : i32
    %add3A_168 = arith.addi %mul3A_2, %add3A_167 : i32
    %dma_start3A_169 = tpu.memref_slice %arg2[%add3A_168] : memref<320000xi32, #tpu.memory_space<hbm>> -> memref<200xi32, #tpu.memory_space<hbm>>
    %dma_start3A_170 = tpu.memref_slice %arg2[%add3A_168] : memref<320000xi32, #tpu.memory_space<hbm>> -> memref<200xi32, #tpu.memory_space<hbm>>
    tpu.enqueue_dma source(%dma_start3A_170 : memref<200xi32, #tpu.memory_space<hbm>>) target(%arg7 : memref<200xi32, #tpu.memory_space<vmem>>) target_semaphore(%arg11 : memref<!tpu.dma_semaphore, #tpu.memory_space<semaphore_mem>>)
    %dma_wait3A_171 = tpu.memref_slice %arg2[%add3A_162] : memref<320000xi32, #tpu.memory_space<hbm>> -> memref<200xi32, #tpu.memory_space<hbm>>
    %dma_wait3A_172 = tpu.memref_slice %arg2[%add3A_162] : memref<320000xi32, #tpu.memory_space<hbm>> -> memref<200xi32, #tpu.memory_space<hbm>>
    tpu.wait_dma2 semaphore(%arg10 : memref<!tpu.dma_semaphore, #tpu.memory_space<semaphore_mem>>) src(%dma_wait3A_172 : memref<200xi32, #tpu.memory_space<hbm>>) dst(%arg6 : memref<200xi32, #tpu.memory_space<vmem>>)
    "tpu.region"() ({
      %run_scoped3A = tpu.sem_alloc : memref<!tpu.dma_semaphore, #tpu.memory_space<semaphore_mem>>
      %dma_start3A_313 = arith.constant 0 : i32
      %dma_start3A_314 = arith.constant 0 : i32
      %dma_start3A_315 = tpu.memref_slice %arg9[%dma_start3A_313, %dma_start3A_314] : memref<10016x128xf32, #tpu.memory_space<vmem_shared>> -> memref<10016x128xf32, #tpu.memory_space<vmem_shared>>
      tpu.enqueue_indirect_dma source(%arg8 : memref<200x128xf32, #tpu.memory_space<vmem>>) target(%dma_start3A_315 : memref<10016x128xf32, #tpu.memory_space<vmem_shared>>) offsets(%arg6 : memref<200xi32, #tpu.memory_space<vmem>>) semaphore(%run_scoped3A : memref<!tpu.dma_semaphore, #tpu.memory_space<semaphore_mem>>) {add = true}
      %dma_wait3A_316 = arith.constant 0 : i32
      %dma_wait3A_317 = arith.constant 0 : i32
      %dma_wait3A_318 = tpu.memref_slice %arg9[%dma_wait3A_316, %dma_wait3A_317] : memref<10016x128xf32, #tpu.memory_space<vmem_shared>> -> memref<10016x128xf32, #tpu.memory_space<vmem_shared>>
      tpu.wait_indirect_dma semaphore(%run_scoped3A : memref<!tpu.dma_semaphore, #tpu.memory_space<semaphore_mem>>) src(%arg8 : memref<200x128xf32, #tpu.memory_space<vmem>>) dst(%dma_wait3A_318 : memref<10016x128xf32, #tpu.memory_space<vmem_shared>>)
      tpu.yield
    }) : () -> ()
    %add3A_173 = arith.constant 5600 : i32
    %add3A_174 = arith.addi %mul3A_2, %add3A_173 : i32
    %dma_start3A_175 = tpu.memref_slice %arg2[%add3A_174] : memref<320000xi32, #tpu.memory_space<hbm>> -> memref<200xi32, #tpu.memory_space<hbm>>
    %dma_start3A_176 = tpu.memref_slice %arg2[%add3A_174] : memref<320000xi32, #tpu.memory_space<hbm>> -> memref<200xi32, #tpu.memory_space<hbm>>
    tpu.enqueue_dma source(%dma_start3A_176 : memref<200xi32, #tpu.memory_space<hbm>>) target(%arg6 : memref<200xi32, #tpu.memory_space<vmem>>) target_semaphore(%arg10 : memref<!tpu.dma_semaphore, #tpu.memory_space<semaphore_mem>>)
    %dma_wait3A_177 = tpu.memref_slice %arg2[%add3A_168] : memref<320000xi32, #tpu.memory_space<hbm>> -> memref<200xi32, #tpu.memory_space<hbm>>
    %dma_wait3A_178 = tpu.memref_slice %arg2[%add3A_168] : memref<320000xi32, #tpu.memory_space<hbm>> -> memref<200xi32, #tpu.memory_space<hbm>>
    tpu.wait_dma2 semaphore(%arg11 : memref<!tpu.dma_semaphore, #tpu.memory_space<semaphore_mem>>) src(%dma_wait3A_178 : memref<200xi32, #tpu.memory_space<hbm>>) dst(%arg7 : memref<200xi32, #tpu.memory_space<vmem>>)
    "tpu.region"() ({
      %run_scoped3A = tpu.sem_alloc : memref<!tpu.dma_semaphore, #tpu.memory_space<semaphore_mem>>
      %dma_start3A_313 = arith.constant 0 : i32
      %dma_start3A_314 = arith.constant 0 : i32
      %dma_start3A_315 = tpu.memref_slice %arg9[%dma_start3A_313, %dma_start3A_314] : memref<10016x128xf32, #tpu.memory_space<vmem_shared>> -> memref<10016x128xf32, #tpu.memory_space<vmem_shared>>
      tpu.enqueue_indirect_dma source(%arg8 : memref<200x128xf32, #tpu.memory_space<vmem>>) target(%dma_start3A_315 : memref<10016x128xf32, #tpu.memory_space<vmem_shared>>) offsets(%arg7 : memref<200xi32, #tpu.memory_space<vmem>>) semaphore(%run_scoped3A : memref<!tpu.dma_semaphore, #tpu.memory_space<semaphore_mem>>) {add = true}
      %dma_wait3A_316 = arith.constant 0 : i32
      %dma_wait3A_317 = arith.constant 0 : i32
      %dma_wait3A_318 = tpu.memref_slice %arg9[%dma_wait3A_316, %dma_wait3A_317] : memref<10016x128xf32, #tpu.memory_space<vmem_shared>> -> memref<10016x128xf32, #tpu.memory_space<vmem_shared>>
      tpu.wait_indirect_dma semaphore(%run_scoped3A : memref<!tpu.dma_semaphore, #tpu.memory_space<semaphore_mem>>) src(%arg8 : memref<200x128xf32, #tpu.memory_space<vmem>>) dst(%dma_wait3A_318 : memref<10016x128xf32, #tpu.memory_space<vmem_shared>>)
      tpu.yield
    }) : () -> ()
    %add3A_179 = arith.constant 5800 : i32
    %add3A_180 = arith.addi %mul3A_2, %add3A_179 : i32
    %dma_start3A_181 = tpu.memref_slice %arg2[%add3A_180] : memref<320000xi32, #tpu.memory_space<hbm>> -> memref<200xi32, #tpu.memory_space<hbm>>
    %dma_start3A_182 = tpu.memref_slice %arg2[%add3A_180] : memref<320000xi32, #tpu.memory_space<hbm>> -> memref<200xi32, #tpu.memory_space<hbm>>
    tpu.enqueue_dma source(%dma_start3A_182 : memref<200xi32, #tpu.memory_space<hbm>>) target(%arg7 : memref<200xi32, #tpu.memory_space<vmem>>) target_semaphore(%arg11 : memref<!tpu.dma_semaphore, #tpu.memory_space<semaphore_mem>>)
    %dma_wait3A_183 = tpu.memref_slice %arg2[%add3A_174] : memref<320000xi32, #tpu.memory_space<hbm>> -> memref<200xi32, #tpu.memory_space<hbm>>
    %dma_wait3A_184 = tpu.memref_slice %arg2[%add3A_174] : memref<320000xi32, #tpu.memory_space<hbm>> -> memref<200xi32, #tpu.memory_space<hbm>>
    tpu.wait_dma2 semaphore(%arg10 : memref<!tpu.dma_semaphore, #tpu.memory_space<semaphore_mem>>) src(%dma_wait3A_184 : memref<200xi32, #tpu.memory_space<hbm>>) dst(%arg6 : memref<200xi32, #tpu.memory_space<vmem>>)
    "tpu.region"() ({
      %run_scoped3A = tpu.sem_alloc : memref<!tpu.dma_semaphore, #tpu.memory_space<semaphore_mem>>
      %dma_start3A_313 = arith.constant 0 : i32
      %dma_start3A_314 = arith.constant 0 : i32
      %dma_start3A_315 = tpu.memref_slice %arg9[%dma_start3A_313, %dma_start3A_314] : memref<10016x128xf32, #tpu.memory_space<vmem_shared>> -> memref<10016x128xf32, #tpu.memory_space<vmem_shared>>
      tpu.enqueue_indirect_dma source(%arg8 : memref<200x128xf32, #tpu.memory_space<vmem>>) target(%dma_start3A_315 : memref<10016x128xf32, #tpu.memory_space<vmem_shared>>) offsets(%arg6 : memref<200xi32, #tpu.memory_space<vmem>>) semaphore(%run_scoped3A : memref<!tpu.dma_semaphore, #tpu.memory_space<semaphore_mem>>) {add = true}
      %dma_wait3A_316 = arith.constant 0 : i32
      %dma_wait3A_317 = arith.constant 0 : i32
      %dma_wait3A_318 = tpu.memref_slice %arg9[%dma_wait3A_316, %dma_wait3A_317] : memref<10016x128xf32, #tpu.memory_space<vmem_shared>> -> memref<10016x128xf32, #tpu.memory_space<vmem_shared>>
      tpu.wait_indirect_dma semaphore(%run_scoped3A : memref<!tpu.dma_semaphore, #tpu.memory_space<semaphore_mem>>) src(%arg8 : memref<200x128xf32, #tpu.memory_space<vmem>>) dst(%dma_wait3A_318 : memref<10016x128xf32, #tpu.memory_space<vmem_shared>>)
      tpu.yield
    }) : () -> ()
    %add3A_185 = arith.constant 6000 : i32
    %add3A_186 = arith.addi %mul3A_2, %add3A_185 : i32
    %dma_start3A_187 = tpu.memref_slice %arg2[%add3A_186] : memref<320000xi32, #tpu.memory_space<hbm>> -> memref<200xi32, #tpu.memory_space<hbm>>
    %dma_start3A_188 = tpu.memref_slice %arg2[%add3A_186] : memref<320000xi32, #tpu.memory_space<hbm>> -> memref<200xi32, #tpu.memory_space<hbm>>
    tpu.enqueue_dma source(%dma_start3A_188 : memref<200xi32, #tpu.memory_space<hbm>>) target(%arg6 : memref<200xi32, #tpu.memory_space<vmem>>) target_semaphore(%arg10 : memref<!tpu.dma_semaphore, #tpu.memory_space<semaphore_mem>>)
    %dma_wait3A_189 = tpu.memref_slice %arg2[%add3A_180] : memref<320000xi32, #tpu.memory_space<hbm>> -> memref<200xi32, #tpu.memory_space<hbm>>
    %dma_wait3A_190 = tpu.memref_slice %arg2[%add3A_180] : memref<320000xi32, #tpu.memory_space<hbm>> -> memref<200xi32, #tpu.memory_space<hbm>>
    tpu.wait_dma2 semaphore(%arg11 : memref<!tpu.dma_semaphore, #tpu.memory_space<semaphore_mem>>) src(%dma_wait3A_190 : memref<200xi32, #tpu.memory_space<hbm>>) dst(%arg7 : memref<200xi32, #tpu.memory_space<vmem>>)
    "tpu.region"() ({
      %run_scoped3A = tpu.sem_alloc : memref<!tpu.dma_semaphore, #tpu.memory_space<semaphore_mem>>
      %dma_start3A_313 = arith.constant 0 : i32
      %dma_start3A_314 = arith.constant 0 : i32
      %dma_start3A_315 = tpu.memref_slice %arg9[%dma_start3A_313, %dma_start3A_314] : memref<10016x128xf32, #tpu.memory_space<vmem_shared>> -> memref<10016x128xf32, #tpu.memory_space<vmem_shared>>
      tpu.enqueue_indirect_dma source(%arg8 : memref<200x128xf32, #tpu.memory_space<vmem>>) target(%dma_start3A_315 : memref<10016x128xf32, #tpu.memory_space<vmem_shared>>) offsets(%arg7 : memref<200xi32, #tpu.memory_space<vmem>>) semaphore(%run_scoped3A : memref<!tpu.dma_semaphore, #tpu.memory_space<semaphore_mem>>) {add = true}
      %dma_wait3A_316 = arith.constant 0 : i32
      %dma_wait3A_317 = arith.constant 0 : i32
      %dma_wait3A_318 = tpu.memref_slice %arg9[%dma_wait3A_316, %dma_wait3A_317] : memref<10016x128xf32, #tpu.memory_space<vmem_shared>> -> memref<10016x128xf32, #tpu.memory_space<vmem_shared>>
      tpu.wait_indirect_dma semaphore(%run_scoped3A : memref<!tpu.dma_semaphore, #tpu.memory_space<semaphore_mem>>) src(%arg8 : memref<200x128xf32, #tpu.memory_space<vmem>>) dst(%dma_wait3A_318 : memref<10016x128xf32, #tpu.memory_space<vmem_shared>>)
      tpu.yield
    }) : () -> ()
    %add3A_191 = arith.constant 6200 : i32
    %add3A_192 = arith.addi %mul3A_2, %add3A_191 : i32
    %dma_start3A_193 = tpu.memref_slice %arg2[%add3A_192] : memref<320000xi32, #tpu.memory_space<hbm>> -> memref<200xi32, #tpu.memory_space<hbm>>
    %dma_start3A_194 = tpu.memref_slice %arg2[%add3A_192] : memref<320000xi32, #tpu.memory_space<hbm>> -> memref<200xi32, #tpu.memory_space<hbm>>
    tpu.enqueue_dma source(%dma_start3A_194 : memref<200xi32, #tpu.memory_space<hbm>>) target(%arg7 : memref<200xi32, #tpu.memory_space<vmem>>) target_semaphore(%arg11 : memref<!tpu.dma_semaphore, #tpu.memory_space<semaphore_mem>>)
    %dma_wait3A_195 = tpu.memref_slice %arg2[%add3A_186] : memref<320000xi32, #tpu.memory_space<hbm>> -> memref<200xi32, #tpu.memory_space<hbm>>
    %dma_wait3A_196 = tpu.memref_slice %arg2[%add3A_186] : memref<320000xi32, #tpu.memory_space<hbm>> -> memref<200xi32, #tpu.memory_space<hbm>>
    tpu.wait_dma2 semaphore(%arg10 : memref<!tpu.dma_semaphore, #tpu.memory_space<semaphore_mem>>) src(%dma_wait3A_196 : memref<200xi32, #tpu.memory_space<hbm>>) dst(%arg6 : memref<200xi32, #tpu.memory_space<vmem>>)
    "tpu.region"() ({
      %run_scoped3A = tpu.sem_alloc : memref<!tpu.dma_semaphore, #tpu.memory_space<semaphore_mem>>
      %dma_start3A_313 = arith.constant 0 : i32
      %dma_start3A_314 = arith.constant 0 : i32
      %dma_start3A_315 = tpu.memref_slice %arg9[%dma_start3A_313, %dma_start3A_314] : memref<10016x128xf32, #tpu.memory_space<vmem_shared>> -> memref<10016x128xf32, #tpu.memory_space<vmem_shared>>
      tpu.enqueue_indirect_dma source(%arg8 : memref<200x128xf32, #tpu.memory_space<vmem>>) target(%dma_start3A_315 : memref<10016x128xf32, #tpu.memory_space<vmem_shared>>) offsets(%arg6 : memref<200xi32, #tpu.memory_space<vmem>>) semaphore(%run_scoped3A : memref<!tpu.dma_semaphore, #tpu.memory_space<semaphore_mem>>) {add = true}
      %dma_wait3A_316 = arith.constant 0 : i32
      %dma_wait3A_317 = arith.constant 0 : i32
      %dma_wait3A_318 = tpu.memref_slice %arg9[%dma_wait3A_316, %dma_wait3A_317] : memref<10016x128xf32, #tpu.memory_space<vmem_shared>> -> memref<10016x128xf32, #tpu.memory_space<vmem_shared>>
      tpu.wait_indirect_dma semaphore(%run_scoped3A : memref<!tpu.dma_semaphore, #tpu.memory_space<semaphore_mem>>) src(%arg8 : memref<200x128xf32, #tpu.memory_space<vmem>>) dst(%dma_wait3A_318 : memref<10016x128xf32, #tpu.memory_space<vmem_shared>>)
      tpu.yield
    }) : () -> ()
    %add3A_197 = arith.constant 6400 : i32
    %add3A_198 = arith.addi %mul3A_2, %add3A_197 : i32
    %dma_start3A_199 = tpu.memref_slice %arg2[%add3A_198] : memref<320000xi32, #tpu.memory_space<hbm>> -> memref<200xi32, #tpu.memory_space<hbm>>
    %dma_start3A_200 = tpu.memref_slice %arg2[%add3A_198] : memref<320000xi32, #tpu.memory_space<hbm>> -> memref<200xi32, #tpu.memory_space<hbm>>
    tpu.enqueue_dma source(%dma_start3A_200 : memref<200xi32, #tpu.memory_space<hbm>>) target(%arg6 : memref<200xi32, #tpu.memory_space<vmem>>) target_semaphore(%arg10 : memref<!tpu.dma_semaphore, #tpu.memory_space<semaphore_mem>>)
    %dma_wait3A_201 = tpu.memref_slice %arg2[%add3A_192] : memref<320000xi32, #tpu.memory_space<hbm>> -> memref<200xi32, #tpu.memory_space<hbm>>
    %dma_wait3A_202 = tpu.memref_slice %arg2[%add3A_192] : memref<320000xi32, #tpu.memory_space<hbm>> -> memref<200xi32, #tpu.memory_space<hbm>>
    tpu.wait_dma2 semaphore(%arg11 : memref<!tpu.dma_semaphore, #tpu.memory_space<semaphore_mem>>) src(%dma_wait3A_202 : memref<200xi32, #tpu.memory_space<hbm>>) dst(%arg7 : memref<200xi32, #tpu.memory_space<vmem>>)
    "tpu.region"() ({
      %run_scoped3A = tpu.sem_alloc : memref<!tpu.dma_semaphore, #tpu.memory_space<semaphore_mem>>
      %dma_start3A_313 = arith.constant 0 : i32
      %dma_start3A_314 = arith.constant 0 : i32
      %dma_start3A_315 = tpu.memref_slice %arg9[%dma_start3A_313, %dma_start3A_314] : memref<10016x128xf32, #tpu.memory_space<vmem_shared>> -> memref<10016x128xf32, #tpu.memory_space<vmem_shared>>
      tpu.enqueue_indirect_dma source(%arg8 : memref<200x128xf32, #tpu.memory_space<vmem>>) target(%dma_start3A_315 : memref<10016x128xf32, #tpu.memory_space<vmem_shared>>) offsets(%arg7 : memref<200xi32, #tpu.memory_space<vmem>>) semaphore(%run_scoped3A : memref<!tpu.dma_semaphore, #tpu.memory_space<semaphore_mem>>) {add = true}
      %dma_wait3A_316 = arith.constant 0 : i32
      %dma_wait3A_317 = arith.constant 0 : i32
      %dma_wait3A_318 = tpu.memref_slice %arg9[%dma_wait3A_316, %dma_wait3A_317] : memref<10016x128xf32, #tpu.memory_space<vmem_shared>> -> memref<10016x128xf32, #tpu.memory_space<vmem_shared>>
      tpu.wait_indirect_dma semaphore(%run_scoped3A : memref<!tpu.dma_semaphore, #tpu.memory_space<semaphore_mem>>) src(%arg8 : memref<200x128xf32, #tpu.memory_space<vmem>>) dst(%dma_wait3A_318 : memref<10016x128xf32, #tpu.memory_space<vmem_shared>>)
      tpu.yield
    }) : () -> ()
    %add3A_203 = arith.constant 6600 : i32
    %add3A_204 = arith.addi %mul3A_2, %add3A_203 : i32
    %dma_start3A_205 = tpu.memref_slice %arg2[%add3A_204] : memref<320000xi32, #tpu.memory_space<hbm>> -> memref<200xi32, #tpu.memory_space<hbm>>
    %dma_start3A_206 = tpu.memref_slice %arg2[%add3A_204] : memref<320000xi32, #tpu.memory_space<hbm>> -> memref<200xi32, #tpu.memory_space<hbm>>
    tpu.enqueue_dma source(%dma_start3A_206 : memref<200xi32, #tpu.memory_space<hbm>>) target(%arg7 : memref<200xi32, #tpu.memory_space<vmem>>) target_semaphore(%arg11 : memref<!tpu.dma_semaphore, #tpu.memory_space<semaphore_mem>>)
    %dma_wait3A_207 = tpu.memref_slice %arg2[%add3A_198] : memref<320000xi32, #tpu.memory_space<hbm>> -> memref<200xi32, #tpu.memory_space<hbm>>
    %dma_wait3A_208 = tpu.memref_slice %arg2[%add3A_198] : memref<320000xi32, #tpu.memory_space<hbm>> -> memref<200xi32, #tpu.memory_space<hbm>>
    tpu.wait_dma2 semaphore(%arg10 : memref<!tpu.dma_semaphore, #tpu.memory_space<semaphore_mem>>) src(%dma_wait3A_208 : memref<200xi32, #tpu.memory_space<hbm>>) dst(%arg6 : memref<200xi32, #tpu.memory_space<vmem>>)
    "tpu.region"() ({
      %run_scoped3A = tpu.sem_alloc : memref<!tpu.dma_semaphore, #tpu.memory_space<semaphore_mem>>
      %dma_start3A_313 = arith.constant 0 : i32
      %dma_start3A_314 = arith.constant 0 : i32
      %dma_start3A_315 = tpu.memref_slice %arg9[%dma_start3A_313, %dma_start3A_314] : memref<10016x128xf32, #tpu.memory_space<vmem_shared>> -> memref<10016x128xf32, #tpu.memory_space<vmem_shared>>
      tpu.enqueue_indirect_dma source(%arg8 : memref<200x128xf32, #tpu.memory_space<vmem>>) target(%dma_start3A_315 : memref<10016x128xf32, #tpu.memory_space<vmem_shared>>) offsets(%arg6 : memref<200xi32, #tpu.memory_space<vmem>>) semaphore(%run_scoped3A : memref<!tpu.dma_semaphore, #tpu.memory_space<semaphore_mem>>) {add = true}
      %dma_wait3A_316 = arith.constant 0 : i32
      %dma_wait3A_317 = arith.constant 0 : i32
      %dma_wait3A_318 = tpu.memref_slice %arg9[%dma_wait3A_316, %dma_wait3A_317] : memref<10016x128xf32, #tpu.memory_space<vmem_shared>> -> memref<10016x128xf32, #tpu.memory_space<vmem_shared>>
      tpu.wait_indirect_dma semaphore(%run_scoped3A : memref<!tpu.dma_semaphore, #tpu.memory_space<semaphore_mem>>) src(%arg8 : memref<200x128xf32, #tpu.memory_space<vmem>>) dst(%dma_wait3A_318 : memref<10016x128xf32, #tpu.memory_space<vmem_shared>>)
      tpu.yield
    }) : () -> ()
    %add3A_209 = arith.constant 6800 : i32
    %add3A_210 = arith.addi %mul3A_2, %add3A_209 : i32
    %dma_start3A_211 = tpu.memref_slice %arg2[%add3A_210] : memref<320000xi32, #tpu.memory_space<hbm>> -> memref<200xi32, #tpu.memory_space<hbm>>
    %dma_start3A_212 = tpu.memref_slice %arg2[%add3A_210] : memref<320000xi32, #tpu.memory_space<hbm>> -> memref<200xi32, #tpu.memory_space<hbm>>
    tpu.enqueue_dma source(%dma_start3A_212 : memref<200xi32, #tpu.memory_space<hbm>>) target(%arg6 : memref<200xi32, #tpu.memory_space<vmem>>) target_semaphore(%arg10 : memref<!tpu.dma_semaphore, #tpu.memory_space<semaphore_mem>>)
    %dma_wait3A_213 = tpu.memref_slice %arg2[%add3A_204] : memref<320000xi32, #tpu.memory_space<hbm>> -> memref<200xi32, #tpu.memory_space<hbm>>
    %dma_wait3A_214 = tpu.memref_slice %arg2[%add3A_204] : memref<320000xi32, #tpu.memory_space<hbm>> -> memref<200xi32, #tpu.memory_space<hbm>>
    tpu.wait_dma2 semaphore(%arg11 : memref<!tpu.dma_semaphore, #tpu.memory_space<semaphore_mem>>) src(%dma_wait3A_214 : memref<200xi32, #tpu.memory_space<hbm>>) dst(%arg7 : memref<200xi32, #tpu.memory_space<vmem>>)
    "tpu.region"() ({
      %run_scoped3A = tpu.sem_alloc : memref<!tpu.dma_semaphore, #tpu.memory_space<semaphore_mem>>
      %dma_start3A_313 = arith.constant 0 : i32
      %dma_start3A_314 = arith.constant 0 : i32
      %dma_start3A_315 = tpu.memref_slice %arg9[%dma_start3A_313, %dma_start3A_314] : memref<10016x128xf32, #tpu.memory_space<vmem_shared>> -> memref<10016x128xf32, #tpu.memory_space<vmem_shared>>
      tpu.enqueue_indirect_dma source(%arg8 : memref<200x128xf32, #tpu.memory_space<vmem>>) target(%dma_start3A_315 : memref<10016x128xf32, #tpu.memory_space<vmem_shared>>) offsets(%arg7 : memref<200xi32, #tpu.memory_space<vmem>>) semaphore(%run_scoped3A : memref<!tpu.dma_semaphore, #tpu.memory_space<semaphore_mem>>) {add = true}
      %dma_wait3A_316 = arith.constant 0 : i32
      %dma_wait3A_317 = arith.constant 0 : i32
      %dma_wait3A_318 = tpu.memref_slice %arg9[%dma_wait3A_316, %dma_wait3A_317] : memref<10016x128xf32, #tpu.memory_space<vmem_shared>> -> memref<10016x128xf32, #tpu.memory_space<vmem_shared>>
      tpu.wait_indirect_dma semaphore(%run_scoped3A : memref<!tpu.dma_semaphore, #tpu.memory_space<semaphore_mem>>) src(%arg8 : memref<200x128xf32, #tpu.memory_space<vmem>>) dst(%dma_wait3A_318 : memref<10016x128xf32, #tpu.memory_space<vmem_shared>>)
      tpu.yield
    }) : () -> ()
    %add3A_215 = arith.constant 7000 : i32
    %add3A_216 = arith.addi %mul3A_2, %add3A_215 : i32
    %dma_start3A_217 = tpu.memref_slice %arg2[%add3A_216] : memref<320000xi32, #tpu.memory_space<hbm>> -> memref<200xi32, #tpu.memory_space<hbm>>
    %dma_start3A_218 = tpu.memref_slice %arg2[%add3A_216] : memref<320000xi32, #tpu.memory_space<hbm>> -> memref<200xi32, #tpu.memory_space<hbm>>
    tpu.enqueue_dma source(%dma_start3A_218 : memref<200xi32, #tpu.memory_space<hbm>>) target(%arg7 : memref<200xi32, #tpu.memory_space<vmem>>) target_semaphore(%arg11 : memref<!tpu.dma_semaphore, #tpu.memory_space<semaphore_mem>>)
    %dma_wait3A_219 = tpu.memref_slice %arg2[%add3A_210] : memref<320000xi32, #tpu.memory_space<hbm>> -> memref<200xi32, #tpu.memory_space<hbm>>
    %dma_wait3A_220 = tpu.memref_slice %arg2[%add3A_210] : memref<320000xi32, #tpu.memory_space<hbm>> -> memref<200xi32, #tpu.memory_space<hbm>>
    tpu.wait_dma2 semaphore(%arg10 : memref<!tpu.dma_semaphore, #tpu.memory_space<semaphore_mem>>) src(%dma_wait3A_220 : memref<200xi32, #tpu.memory_space<hbm>>) dst(%arg6 : memref<200xi32, #tpu.memory_space<vmem>>)
    "tpu.region"() ({
      %run_scoped3A = tpu.sem_alloc : memref<!tpu.dma_semaphore, #tpu.memory_space<semaphore_mem>>
      %dma_start3A_313 = arith.constant 0 : i32
      %dma_start3A_314 = arith.constant 0 : i32
      %dma_start3A_315 = tpu.memref_slice %arg9[%dma_start3A_313, %dma_start3A_314] : memref<10016x128xf32, #tpu.memory_space<vmem_shared>> -> memref<10016x128xf32, #tpu.memory_space<vmem_shared>>
      tpu.enqueue_indirect_dma source(%arg8 : memref<200x128xf32, #tpu.memory_space<vmem>>) target(%dma_start3A_315 : memref<10016x128xf32, #tpu.memory_space<vmem_shared>>) offsets(%arg6 : memref<200xi32, #tpu.memory_space<vmem>>) semaphore(%run_scoped3A : memref<!tpu.dma_semaphore, #tpu.memory_space<semaphore_mem>>) {add = true}
      %dma_wait3A_316 = arith.constant 0 : i32
      %dma_wait3A_317 = arith.constant 0 : i32
      %dma_wait3A_318 = tpu.memref_slice %arg9[%dma_wait3A_316, %dma_wait3A_317] : memref<10016x128xf32, #tpu.memory_space<vmem_shared>> -> memref<10016x128xf32, #tpu.memory_space<vmem_shared>>
      tpu.wait_indirect_dma semaphore(%run_scoped3A : memref<!tpu.dma_semaphore, #tpu.memory_space<semaphore_mem>>) src(%arg8 : memref<200x128xf32, #tpu.memory_space<vmem>>) dst(%dma_wait3A_318 : memref<10016x128xf32, #tpu.memory_space<vmem_shared>>)
      tpu.yield
    }) : () -> ()
    %add3A_221 = arith.constant 7200 : i32
    %add3A_222 = arith.addi %mul3A_2, %add3A_221 : i32
    %dma_start3A_223 = tpu.memref_slice %arg2[%add3A_222] : memref<320000xi32, #tpu.memory_space<hbm>> -> memref<200xi32, #tpu.memory_space<hbm>>
    %dma_start3A_224 = tpu.memref_slice %arg2[%add3A_222] : memref<320000xi32, #tpu.memory_space<hbm>> -> memref<200xi32, #tpu.memory_space<hbm>>
    tpu.enqueue_dma source(%dma_start3A_224 : memref<200xi32, #tpu.memory_space<hbm>>) target(%arg6 : memref<200xi32, #tpu.memory_space<vmem>>) target_semaphore(%arg10 : memref<!tpu.dma_semaphore, #tpu.memory_space<semaphore_mem>>)
    %dma_wait3A_225 = tpu.memref_slice %arg2[%add3A_216] : memref<320000xi32, #tpu.memory_space<hbm>> -> memref<200xi32, #tpu.memory_space<hbm>>
    %dma_wait3A_226 = tpu.memref_slice %arg2[%add3A_216] : memref<320000xi32, #tpu.memory_space<hbm>> -> memref<200xi32, #tpu.memory_space<hbm>>
    tpu.wait_dma2 semaphore(%arg11 : memref<!tpu.dma_semaphore, #tpu.memory_space<semaphore_mem>>) src(%dma_wait3A_226 : memref<200xi32, #tpu.memory_space<hbm>>) dst(%arg7 : memref<200xi32, #tpu.memory_space<vmem>>)
    "tpu.region"() ({
      %run_scoped3A = tpu.sem_alloc : memref<!tpu.dma_semaphore, #tpu.memory_space<semaphore_mem>>
      %dma_start3A_313 = arith.constant 0 : i32
      %dma_start3A_314 = arith.constant 0 : i32
      %dma_start3A_315 = tpu.memref_slice %arg9[%dma_start3A_313, %dma_start3A_314] : memref<10016x128xf32, #tpu.memory_space<vmem_shared>> -> memref<10016x128xf32, #tpu.memory_space<vmem_shared>>
      tpu.enqueue_indirect_dma source(%arg8 : memref<200x128xf32, #tpu.memory_space<vmem>>) target(%dma_start3A_315 : memref<10016x128xf32, #tpu.memory_space<vmem_shared>>) offsets(%arg7 : memref<200xi32, #tpu.memory_space<vmem>>) semaphore(%run_scoped3A : memref<!tpu.dma_semaphore, #tpu.memory_space<semaphore_mem>>) {add = true}
      %dma_wait3A_316 = arith.constant 0 : i32
      %dma_wait3A_317 = arith.constant 0 : i32
      %dma_wait3A_318 = tpu.memref_slice %arg9[%dma_wait3A_316, %dma_wait3A_317] : memref<10016x128xf32, #tpu.memory_space<vmem_shared>> -> memref<10016x128xf32, #tpu.memory_space<vmem_shared>>
      tpu.wait_indirect_dma semaphore(%run_scoped3A : memref<!tpu.dma_semaphore, #tpu.memory_space<semaphore_mem>>) src(%arg8 : memref<200x128xf32, #tpu.memory_space<vmem>>) dst(%dma_wait3A_318 : memref<10016x128xf32, #tpu.memory_space<vmem_shared>>)
      tpu.yield
    }) : () -> ()
    %add3A_227 = arith.constant 7400 : i32
    %add3A_228 = arith.addi %mul3A_2, %add3A_227 : i32
    %dma_start3A_229 = tpu.memref_slice %arg2[%add3A_228] : memref<320000xi32, #tpu.memory_space<hbm>> -> memref<200xi32, #tpu.memory_space<hbm>>
    %dma_start3A_230 = tpu.memref_slice %arg2[%add3A_228] : memref<320000xi32, #tpu.memory_space<hbm>> -> memref<200xi32, #tpu.memory_space<hbm>>
    tpu.enqueue_dma source(%dma_start3A_230 : memref<200xi32, #tpu.memory_space<hbm>>) target(%arg7 : memref<200xi32, #tpu.memory_space<vmem>>) target_semaphore(%arg11 : memref<!tpu.dma_semaphore, #tpu.memory_space<semaphore_mem>>)
    %dma_wait3A_231 = tpu.memref_slice %arg2[%add3A_222] : memref<320000xi32, #tpu.memory_space<hbm>> -> memref<200xi32, #tpu.memory_space<hbm>>
    %dma_wait3A_232 = tpu.memref_slice %arg2[%add3A_222] : memref<320000xi32, #tpu.memory_space<hbm>> -> memref<200xi32, #tpu.memory_space<hbm>>
    tpu.wait_dma2 semaphore(%arg10 : memref<!tpu.dma_semaphore, #tpu.memory_space<semaphore_mem>>) src(%dma_wait3A_232 : memref<200xi32, #tpu.memory_space<hbm>>) dst(%arg6 : memref<200xi32, #tpu.memory_space<vmem>>)
    "tpu.region"() ({
      %run_scoped3A = tpu.sem_alloc : memref<!tpu.dma_semaphore, #tpu.memory_space<semaphore_mem>>
      %dma_start3A_313 = arith.constant 0 : i32
      %dma_start3A_314 = arith.constant 0 : i32
      %dma_start3A_315 = tpu.memref_slice %arg9[%dma_start3A_313, %dma_start3A_314] : memref<10016x128xf32, #tpu.memory_space<vmem_shared>> -> memref<10016x128xf32, #tpu.memory_space<vmem_shared>>
      tpu.enqueue_indirect_dma source(%arg8 : memref<200x128xf32, #tpu.memory_space<vmem>>) target(%dma_start3A_315 : memref<10016x128xf32, #tpu.memory_space<vmem_shared>>) offsets(%arg6 : memref<200xi32, #tpu.memory_space<vmem>>) semaphore(%run_scoped3A : memref<!tpu.dma_semaphore, #tpu.memory_space<semaphore_mem>>) {add = true}
      %dma_wait3A_316 = arith.constant 0 : i32
      %dma_wait3A_317 = arith.constant 0 : i32
      %dma_wait3A_318 = tpu.memref_slice %arg9[%dma_wait3A_316, %dma_wait3A_317] : memref<10016x128xf32, #tpu.memory_space<vmem_shared>> -> memref<10016x128xf32, #tpu.memory_space<vmem_shared>>
      tpu.wait_indirect_dma semaphore(%run_scoped3A : memref<!tpu.dma_semaphore, #tpu.memory_space<semaphore_mem>>) src(%arg8 : memref<200x128xf32, #tpu.memory_space<vmem>>) dst(%dma_wait3A_318 : memref<10016x128xf32, #tpu.memory_space<vmem_shared>>)
      tpu.yield
    }) : () -> ()
    %add3A_233 = arith.constant 7600 : i32
    %add3A_234 = arith.addi %mul3A_2, %add3A_233 : i32
    %dma_start3A_235 = tpu.memref_slice %arg2[%add3A_234] : memref<320000xi32, #tpu.memory_space<hbm>> -> memref<200xi32, #tpu.memory_space<hbm>>
    %dma_start3A_236 = tpu.memref_slice %arg2[%add3A_234] : memref<320000xi32, #tpu.memory_space<hbm>> -> memref<200xi32, #tpu.memory_space<hbm>>
    tpu.enqueue_dma source(%dma_start3A_236 : memref<200xi32, #tpu.memory_space<hbm>>) target(%arg6 : memref<200xi32, #tpu.memory_space<vmem>>) target_semaphore(%arg10 : memref<!tpu.dma_semaphore, #tpu.memory_space<semaphore_mem>>)
    %dma_wait3A_237 = tpu.memref_slice %arg2[%add3A_228] : memref<320000xi32, #tpu.memory_space<hbm>> -> memref<200xi32, #tpu.memory_space<hbm>>
    %dma_wait3A_238 = tpu.memref_slice %arg2[%add3A_228] : memref<320000xi32, #tpu.memory_space<hbm>> -> memref<200xi32, #tpu.memory_space<hbm>>
    tpu.wait_dma2 semaphore(%arg11 : memref<!tpu.dma_semaphore, #tpu.memory_space<semaphore_mem>>) src(%dma_wait3A_238 : memref<200xi32, #tpu.memory_space<hbm>>) dst(%arg7 : memref<200xi32, #tpu.memory_space<vmem>>)
    "tpu.region"() ({
      %run_scoped3A = tpu.sem_alloc : memref<!tpu.dma_semaphore, #tpu.memory_space<semaphore_mem>>
      %dma_start3A_313 = arith.constant 0 : i32
      %dma_start3A_314 = arith.constant 0 : i32
      %dma_start3A_315 = tpu.memref_slice %arg9[%dma_start3A_313, %dma_start3A_314] : memref<10016x128xf32, #tpu.memory_space<vmem_shared>> -> memref<10016x128xf32, #tpu.memory_space<vmem_shared>>
      tpu.enqueue_indirect_dma source(%arg8 : memref<200x128xf32, #tpu.memory_space<vmem>>) target(%dma_start3A_315 : memref<10016x128xf32, #tpu.memory_space<vmem_shared>>) offsets(%arg7 : memref<200xi32, #tpu.memory_space<vmem>>) semaphore(%run_scoped3A : memref<!tpu.dma_semaphore, #tpu.memory_space<semaphore_mem>>) {add = true}
      %dma_wait3A_316 = arith.constant 0 : i32
      %dma_wait3A_317 = arith.constant 0 : i32
      %dma_wait3A_318 = tpu.memref_slice %arg9[%dma_wait3A_316, %dma_wait3A_317] : memref<10016x128xf32, #tpu.memory_space<vmem_shared>> -> memref<10016x128xf32, #tpu.memory_space<vmem_shared>>
      tpu.wait_indirect_dma semaphore(%run_scoped3A : memref<!tpu.dma_semaphore, #tpu.memory_space<semaphore_mem>>) src(%arg8 : memref<200x128xf32, #tpu.memory_space<vmem>>) dst(%dma_wait3A_318 : memref<10016x128xf32, #tpu.memory_space<vmem_shared>>)
      tpu.yield
    }) : () -> ()
    %add3A_239 = arith.constant 7800 : i32
    %add3A_240 = arith.addi %mul3A_2, %add3A_239 : i32
    %dma_start3A_241 = tpu.memref_slice %arg2[%add3A_240] : memref<320000xi32, #tpu.memory_space<hbm>> -> memref<200xi32, #tpu.memory_space<hbm>>
    %dma_start3A_242 = tpu.memref_slice %arg2[%add3A_240] : memref<320000xi32, #tpu.memory_space<hbm>> -> memref<200xi32, #tpu.memory_space<hbm>>
    tpu.enqueue_dma source(%dma_start3A_242 : memref<200xi32, #tpu.memory_space<hbm>>) target(%arg7 : memref<200xi32, #tpu.memory_space<vmem>>) target_semaphore(%arg11 : memref<!tpu.dma_semaphore, #tpu.memory_space<semaphore_mem>>)
    %dma_wait3A_243 = tpu.memref_slice %arg2[%add3A_234] : memref<320000xi32, #tpu.memory_space<hbm>> -> memref<200xi32, #tpu.memory_space<hbm>>
    %dma_wait3A_244 = tpu.memref_slice %arg2[%add3A_234] : memref<320000xi32, #tpu.memory_space<hbm>> -> memref<200xi32, #tpu.memory_space<hbm>>
    tpu.wait_dma2 semaphore(%arg10 : memref<!tpu.dma_semaphore, #tpu.memory_space<semaphore_mem>>) src(%dma_wait3A_244 : memref<200xi32, #tpu.memory_space<hbm>>) dst(%arg6 : memref<200xi32, #tpu.memory_space<vmem>>)
    "tpu.region"() ({
      %run_scoped3A = tpu.sem_alloc : memref<!tpu.dma_semaphore, #tpu.memory_space<semaphore_mem>>
      %dma_start3A_313 = arith.constant 0 : i32
      %dma_start3A_314 = arith.constant 0 : i32
      %dma_start3A_315 = tpu.memref_slice %arg9[%dma_start3A_313, %dma_start3A_314] : memref<10016x128xf32, #tpu.memory_space<vmem_shared>> -> memref<10016x128xf32, #tpu.memory_space<vmem_shared>>
      tpu.enqueue_indirect_dma source(%arg8 : memref<200x128xf32, #tpu.memory_space<vmem>>) target(%dma_start3A_315 : memref<10016x128xf32, #tpu.memory_space<vmem_shared>>) offsets(%arg6 : memref<200xi32, #tpu.memory_space<vmem>>) semaphore(%run_scoped3A : memref<!tpu.dma_semaphore, #tpu.memory_space<semaphore_mem>>) {add = true}
      %dma_wait3A_316 = arith.constant 0 : i32
      %dma_wait3A_317 = arith.constant 0 : i32
      %dma_wait3A_318 = tpu.memref_slice %arg9[%dma_wait3A_316, %dma_wait3A_317] : memref<10016x128xf32, #tpu.memory_space<vmem_shared>> -> memref<10016x128xf32, #tpu.memory_space<vmem_shared>>
      tpu.wait_indirect_dma semaphore(%run_scoped3A : memref<!tpu.dma_semaphore, #tpu.memory_space<semaphore_mem>>) src(%arg8 : memref<200x128xf32, #tpu.memory_space<vmem>>) dst(%dma_wait3A_318 : memref<10016x128xf32, #tpu.memory_space<vmem_shared>>)
      tpu.yield
    }) : () -> ()
    %add3A_245 = arith.constant 8000 : i32
    %add3A_246 = arith.addi %mul3A_2, %add3A_245 : i32
    %dma_start3A_247 = tpu.memref_slice %arg2[%add3A_246] : memref<320000xi32, #tpu.memory_space<hbm>> -> memref<200xi32, #tpu.memory_space<hbm>>
    %dma_start3A_248 = tpu.memref_slice %arg2[%add3A_246] : memref<320000xi32, #tpu.memory_space<hbm>> -> memref<200xi32, #tpu.memory_space<hbm>>
    tpu.enqueue_dma source(%dma_start3A_248 : memref<200xi32, #tpu.memory_space<hbm>>) target(%arg6 : memref<200xi32, #tpu.memory_space<vmem>>) target_semaphore(%arg10 : memref<!tpu.dma_semaphore, #tpu.memory_space<semaphore_mem>>)
    %dma_wait3A_249 = tpu.memref_slice %arg2[%add3A_240] : memref<320000xi32, #tpu.memory_space<hbm>> -> memref<200xi32, #tpu.memory_space<hbm>>
    %dma_wait3A_250 = tpu.memref_slice %arg2[%add3A_240] : memref<320000xi32, #tpu.memory_space<hbm>> -> memref<200xi32, #tpu.memory_space<hbm>>
    tpu.wait_dma2 semaphore(%arg11 : memref<!tpu.dma_semaphore, #tpu.memory_space<semaphore_mem>>) src(%dma_wait3A_250 : memref<200xi32, #tpu.memory_space<hbm>>) dst(%arg7 : memref<200xi32, #tpu.memory_space<vmem>>)
    "tpu.region"() ({
      %run_scoped3A = tpu.sem_alloc : memref<!tpu.dma_semaphore, #tpu.memory_space<semaphore_mem>>
      %dma_start3A_313 = arith.constant 0 : i32
      %dma_start3A_314 = arith.constant 0 : i32
      %dma_start3A_315 = tpu.memref_slice %arg9[%dma_start3A_313, %dma_start3A_314] : memref<10016x128xf32, #tpu.memory_space<vmem_shared>> -> memref<10016x128xf32, #tpu.memory_space<vmem_shared>>
      tpu.enqueue_indirect_dma source(%arg8 : memref<200x128xf32, #tpu.memory_space<vmem>>) target(%dma_start3A_315 : memref<10016x128xf32, #tpu.memory_space<vmem_shared>>) offsets(%arg7 : memref<200xi32, #tpu.memory_space<vmem>>) semaphore(%run_scoped3A : memref<!tpu.dma_semaphore, #tpu.memory_space<semaphore_mem>>) {add = true}
      %dma_wait3A_316 = arith.constant 0 : i32
      %dma_wait3A_317 = arith.constant 0 : i32
      %dma_wait3A_318 = tpu.memref_slice %arg9[%dma_wait3A_316, %dma_wait3A_317] : memref<10016x128xf32, #tpu.memory_space<vmem_shared>> -> memref<10016x128xf32, #tpu.memory_space<vmem_shared>>
      tpu.wait_indirect_dma semaphore(%run_scoped3A : memref<!tpu.dma_semaphore, #tpu.memory_space<semaphore_mem>>) src(%arg8 : memref<200x128xf32, #tpu.memory_space<vmem>>) dst(%dma_wait3A_318 : memref<10016x128xf32, #tpu.memory_space<vmem_shared>>)
      tpu.yield
    }) : () -> ()
    %add3A_251 = arith.constant 8200 : i32
    %add3A_252 = arith.addi %mul3A_2, %add3A_251 : i32
    %dma_start3A_253 = tpu.memref_slice %arg2[%add3A_252] : memref<320000xi32, #tpu.memory_space<hbm>> -> memref<200xi32, #tpu.memory_space<hbm>>
    %dma_start3A_254 = tpu.memref_slice %arg2[%add3A_252] : memref<320000xi32, #tpu.memory_space<hbm>> -> memref<200xi32, #tpu.memory_space<hbm>>
    tpu.enqueue_dma source(%dma_start3A_254 : memref<200xi32, #tpu.memory_space<hbm>>) target(%arg7 : memref<200xi32, #tpu.memory_space<vmem>>) target_semaphore(%arg11 : memref<!tpu.dma_semaphore, #tpu.memory_space<semaphore_mem>>)
    %dma_wait3A_255 = tpu.memref_slice %arg2[%add3A_246] : memref<320000xi32, #tpu.memory_space<hbm>> -> memref<200xi32, #tpu.memory_space<hbm>>
    %dma_wait3A_256 = tpu.memref_slice %arg2[%add3A_246] : memref<320000xi32, #tpu.memory_space<hbm>> -> memref<200xi32, #tpu.memory_space<hbm>>
    tpu.wait_dma2 semaphore(%arg10 : memref<!tpu.dma_semaphore, #tpu.memory_space<semaphore_mem>>) src(%dma_wait3A_256 : memref<200xi32, #tpu.memory_space<hbm>>) dst(%arg6 : memref<200xi32, #tpu.memory_space<vmem>>)
    "tpu.region"() ({
      %run_scoped3A = tpu.sem_alloc : memref<!tpu.dma_semaphore, #tpu.memory_space<semaphore_mem>>
      %dma_start3A_313 = arith.constant 0 : i32
      %dma_start3A_314 = arith.constant 0 : i32
      %dma_start3A_315 = tpu.memref_slice %arg9[%dma_start3A_313, %dma_start3A_314] : memref<10016x128xf32, #tpu.memory_space<vmem_shared>> -> memref<10016x128xf32, #tpu.memory_space<vmem_shared>>
      tpu.enqueue_indirect_dma source(%arg8 : memref<200x128xf32, #tpu.memory_space<vmem>>) target(%dma_start3A_315 : memref<10016x128xf32, #tpu.memory_space<vmem_shared>>) offsets(%arg6 : memref<200xi32, #tpu.memory_space<vmem>>) semaphore(%run_scoped3A : memref<!tpu.dma_semaphore, #tpu.memory_space<semaphore_mem>>) {add = true}
      %dma_wait3A_316 = arith.constant 0 : i32
      %dma_wait3A_317 = arith.constant 0 : i32
      %dma_wait3A_318 = tpu.memref_slice %arg9[%dma_wait3A_316, %dma_wait3A_317] : memref<10016x128xf32, #tpu.memory_space<vmem_shared>> -> memref<10016x128xf32, #tpu.memory_space<vmem_shared>>
      tpu.wait_indirect_dma semaphore(%run_scoped3A : memref<!tpu.dma_semaphore, #tpu.memory_space<semaphore_mem>>) src(%arg8 : memref<200x128xf32, #tpu.memory_space<vmem>>) dst(%dma_wait3A_318 : memref<10016x128xf32, #tpu.memory_space<vmem_shared>>)
      tpu.yield
    }) : () -> ()
    %add3A_257 = arith.constant 8400 : i32
    %add3A_258 = arith.addi %mul3A_2, %add3A_257 : i32
    %dma_start3A_259 = tpu.memref_slice %arg2[%add3A_258] : memref<320000xi32, #tpu.memory_space<hbm>> -> memref<200xi32, #tpu.memory_space<hbm>>
    %dma_start3A_260 = tpu.memref_slice %arg2[%add3A_258] : memref<320000xi32, #tpu.memory_space<hbm>> -> memref<200xi32, #tpu.memory_space<hbm>>
    tpu.enqueue_dma source(%dma_start3A_260 : memref<200xi32, #tpu.memory_space<hbm>>) target(%arg6 : memref<200xi32, #tpu.memory_space<vmem>>) target_semaphore(%arg10 : memref<!tpu.dma_semaphore, #tpu.memory_space<semaphore_mem>>)
    %dma_wait3A_261 = tpu.memref_slice %arg2[%add3A_252] : memref<320000xi32, #tpu.memory_space<hbm>> -> memref<200xi32, #tpu.memory_space<hbm>>
    %dma_wait3A_262 = tpu.memref_slice %arg2[%add3A_252] : memref<320000xi32, #tpu.memory_space<hbm>> -> memref<200xi32, #tpu.memory_space<hbm>>
    tpu.wait_dma2 semaphore(%arg11 : memref<!tpu.dma_semaphore, #tpu.memory_space<semaphore_mem>>) src(%dma_wait3A_262 : memref<200xi32, #tpu.memory_space<hbm>>) dst(%arg7 : memref<200xi32, #tpu.memory_space<vmem>>)
    "tpu.region"() ({
      %run_scoped3A = tpu.sem_alloc : memref<!tpu.dma_semaphore, #tpu.memory_space<semaphore_mem>>
      %dma_start3A_313 = arith.constant 0 : i32
      %dma_start3A_314 = arith.constant 0 : i32
      %dma_start3A_315 = tpu.memref_slice %arg9[%dma_start3A_313, %dma_start3A_314] : memref<10016x128xf32, #tpu.memory_space<vmem_shared>> -> memref<10016x128xf32, #tpu.memory_space<vmem_shared>>
      tpu.enqueue_indirect_dma source(%arg8 : memref<200x128xf32, #tpu.memory_space<vmem>>) target(%dma_start3A_315 : memref<10016x128xf32, #tpu.memory_space<vmem_shared>>) offsets(%arg7 : memref<200xi32, #tpu.memory_space<vmem>>) semaphore(%run_scoped3A : memref<!tpu.dma_semaphore, #tpu.memory_space<semaphore_mem>>) {add = true}
      %dma_wait3A_316 = arith.constant 0 : i32
      %dma_wait3A_317 = arith.constant 0 : i32
      %dma_wait3A_318 = tpu.memref_slice %arg9[%dma_wait3A_316, %dma_wait3A_317] : memref<10016x128xf32, #tpu.memory_space<vmem_shared>> -> memref<10016x128xf32, #tpu.memory_space<vmem_shared>>
      tpu.wait_indirect_dma semaphore(%run_scoped3A : memref<!tpu.dma_semaphore, #tpu.memory_space<semaphore_mem>>) src(%arg8 : memref<200x128xf32, #tpu.memory_space<vmem>>) dst(%dma_wait3A_318 : memref<10016x128xf32, #tpu.memory_space<vmem_shared>>)
      tpu.yield
    }) : () -> ()
    %add3A_263 = arith.constant 8600 : i32
    %add3A_264 = arith.addi %mul3A_2, %add3A_263 : i32
    %dma_start3A_265 = tpu.memref_slice %arg2[%add3A_264] : memref<320000xi32, #tpu.memory_space<hbm>> -> memref<200xi32, #tpu.memory_space<hbm>>
    %dma_start3A_266 = tpu.memref_slice %arg2[%add3A_264] : memref<320000xi32, #tpu.memory_space<hbm>> -> memref<200xi32, #tpu.memory_space<hbm>>
    tpu.enqueue_dma source(%dma_start3A_266 : memref<200xi32, #tpu.memory_space<hbm>>) target(%arg7 : memref<200xi32, #tpu.memory_space<vmem>>) target_semaphore(%arg11 : memref<!tpu.dma_semaphore, #tpu.memory_space<semaphore_mem>>)
    %dma_wait3A_267 = tpu.memref_slice %arg2[%add3A_258] : memref<320000xi32, #tpu.memory_space<hbm>> -> memref<200xi32, #tpu.memory_space<hbm>>
    %dma_wait3A_268 = tpu.memref_slice %arg2[%add3A_258] : memref<320000xi32, #tpu.memory_space<hbm>> -> memref<200xi32, #tpu.memory_space<hbm>>
    tpu.wait_dma2 semaphore(%arg10 : memref<!tpu.dma_semaphore, #tpu.memory_space<semaphore_mem>>) src(%dma_wait3A_268 : memref<200xi32, #tpu.memory_space<hbm>>) dst(%arg6 : memref<200xi32, #tpu.memory_space<vmem>>)
    "tpu.region"() ({
      %run_scoped3A = tpu.sem_alloc : memref<!tpu.dma_semaphore, #tpu.memory_space<semaphore_mem>>
      %dma_start3A_313 = arith.constant 0 : i32
      %dma_start3A_314 = arith.constant 0 : i32
      %dma_start3A_315 = tpu.memref_slice %arg9[%dma_start3A_313, %dma_start3A_314] : memref<10016x128xf32, #tpu.memory_space<vmem_shared>> -> memref<10016x128xf32, #tpu.memory_space<vmem_shared>>
      tpu.enqueue_indirect_dma source(%arg8 : memref<200x128xf32, #tpu.memory_space<vmem>>) target(%dma_start3A_315 : memref<10016x128xf32, #tpu.memory_space<vmem_shared>>) offsets(%arg6 : memref<200xi32, #tpu.memory_space<vmem>>) semaphore(%run_scoped3A : memref<!tpu.dma_semaphore, #tpu.memory_space<semaphore_mem>>) {add = true}
      %dma_wait3A_316 = arith.constant 0 : i32
      %dma_wait3A_317 = arith.constant 0 : i32
      %dma_wait3A_318 = tpu.memref_slice %arg9[%dma_wait3A_316, %dma_wait3A_317] : memref<10016x128xf32, #tpu.memory_space<vmem_shared>> -> memref<10016x128xf32, #tpu.memory_space<vmem_shared>>
      tpu.wait_indirect_dma semaphore(%run_scoped3A : memref<!tpu.dma_semaphore, #tpu.memory_space<semaphore_mem>>) src(%arg8 : memref<200x128xf32, #tpu.memory_space<vmem>>) dst(%dma_wait3A_318 : memref<10016x128xf32, #tpu.memory_space<vmem_shared>>)
      tpu.yield
    }) : () -> ()
    %add3A_269 = arith.constant 8800 : i32
    %add3A_270 = arith.addi %mul3A_2, %add3A_269 : i32
    %dma_start3A_271 = tpu.memref_slice %arg2[%add3A_270] : memref<320000xi32, #tpu.memory_space<hbm>> -> memref<200xi32, #tpu.memory_space<hbm>>
    %dma_start3A_272 = tpu.memref_slice %arg2[%add3A_270] : memref<320000xi32, #tpu.memory_space<hbm>> -> memref<200xi32, #tpu.memory_space<hbm>>
    tpu.enqueue_dma source(%dma_start3A_272 : memref<200xi32, #tpu.memory_space<hbm>>) target(%arg6 : memref<200xi32, #tpu.memory_space<vmem>>) target_semaphore(%arg10 : memref<!tpu.dma_semaphore, #tpu.memory_space<semaphore_mem>>)
    %dma_wait3A_273 = tpu.memref_slice %arg2[%add3A_264] : memref<320000xi32, #tpu.memory_space<hbm>> -> memref<200xi32, #tpu.memory_space<hbm>>
    %dma_wait3A_274 = tpu.memref_slice %arg2[%add3A_264] : memref<320000xi32, #tpu.memory_space<hbm>> -> memref<200xi32, #tpu.memory_space<hbm>>
    tpu.wait_dma2 semaphore(%arg11 : memref<!tpu.dma_semaphore, #tpu.memory_space<semaphore_mem>>) src(%dma_wait3A_274 : memref<200xi32, #tpu.memory_space<hbm>>) dst(%arg7 : memref<200xi32, #tpu.memory_space<vmem>>)
    "tpu.region"() ({
      %run_scoped3A = tpu.sem_alloc : memref<!tpu.dma_semaphore, #tpu.memory_space<semaphore_mem>>
      %dma_start3A_313 = arith.constant 0 : i32
      %dma_start3A_314 = arith.constant 0 : i32
      %dma_start3A_315 = tpu.memref_slice %arg9[%dma_start3A_313, %dma_start3A_314] : memref<10016x128xf32, #tpu.memory_space<vmem_shared>> -> memref<10016x128xf32, #tpu.memory_space<vmem_shared>>
      tpu.enqueue_indirect_dma source(%arg8 : memref<200x128xf32, #tpu.memory_space<vmem>>) target(%dma_start3A_315 : memref<10016x128xf32, #tpu.memory_space<vmem_shared>>) offsets(%arg7 : memref<200xi32, #tpu.memory_space<vmem>>) semaphore(%run_scoped3A : memref<!tpu.dma_semaphore, #tpu.memory_space<semaphore_mem>>) {add = true}
      %dma_wait3A_316 = arith.constant 0 : i32
      %dma_wait3A_317 = arith.constant 0 : i32
      %dma_wait3A_318 = tpu.memref_slice %arg9[%dma_wait3A_316, %dma_wait3A_317] : memref<10016x128xf32, #tpu.memory_space<vmem_shared>> -> memref<10016x128xf32, #tpu.memory_space<vmem_shared>>
      tpu.wait_indirect_dma semaphore(%run_scoped3A : memref<!tpu.dma_semaphore, #tpu.memory_space<semaphore_mem>>) src(%arg8 : memref<200x128xf32, #tpu.memory_space<vmem>>) dst(%dma_wait3A_318 : memref<10016x128xf32, #tpu.memory_space<vmem_shared>>)
      tpu.yield
    }) : () -> ()
    %add3A_275 = arith.constant 9000 : i32
    %add3A_276 = arith.addi %mul3A_2, %add3A_275 : i32
    %dma_start3A_277 = tpu.memref_slice %arg2[%add3A_276] : memref<320000xi32, #tpu.memory_space<hbm>> -> memref<200xi32, #tpu.memory_space<hbm>>
    %dma_start3A_278 = tpu.memref_slice %arg2[%add3A_276] : memref<320000xi32, #tpu.memory_space<hbm>> -> memref<200xi32, #tpu.memory_space<hbm>>
    tpu.enqueue_dma source(%dma_start3A_278 : memref<200xi32, #tpu.memory_space<hbm>>) target(%arg7 : memref<200xi32, #tpu.memory_space<vmem>>) target_semaphore(%arg11 : memref<!tpu.dma_semaphore, #tpu.memory_space<semaphore_mem>>)
    %dma_wait3A_279 = tpu.memref_slice %arg2[%add3A_270] : memref<320000xi32, #tpu.memory_space<hbm>> -> memref<200xi32, #tpu.memory_space<hbm>>
    %dma_wait3A_280 = tpu.memref_slice %arg2[%add3A_270] : memref<320000xi32, #tpu.memory_space<hbm>> -> memref<200xi32, #tpu.memory_space<hbm>>
    tpu.wait_dma2 semaphore(%arg10 : memref<!tpu.dma_semaphore, #tpu.memory_space<semaphore_mem>>) src(%dma_wait3A_280 : memref<200xi32, #tpu.memory_space<hbm>>) dst(%arg6 : memref<200xi32, #tpu.memory_space<vmem>>)
    "tpu.region"() ({
      %run_scoped3A = tpu.sem_alloc : memref<!tpu.dma_semaphore, #tpu.memory_space<semaphore_mem>>
      %dma_start3A_313 = arith.constant 0 : i32
      %dma_start3A_314 = arith.constant 0 : i32
      %dma_start3A_315 = tpu.memref_slice %arg9[%dma_start3A_313, %dma_start3A_314] : memref<10016x128xf32, #tpu.memory_space<vmem_shared>> -> memref<10016x128xf32, #tpu.memory_space<vmem_shared>>
      tpu.enqueue_indirect_dma source(%arg8 : memref<200x128xf32, #tpu.memory_space<vmem>>) target(%dma_start3A_315 : memref<10016x128xf32, #tpu.memory_space<vmem_shared>>) offsets(%arg6 : memref<200xi32, #tpu.memory_space<vmem>>) semaphore(%run_scoped3A : memref<!tpu.dma_semaphore, #tpu.memory_space<semaphore_mem>>) {add = true}
      %dma_wait3A_316 = arith.constant 0 : i32
      %dma_wait3A_317 = arith.constant 0 : i32
      %dma_wait3A_318 = tpu.memref_slice %arg9[%dma_wait3A_316, %dma_wait3A_317] : memref<10016x128xf32, #tpu.memory_space<vmem_shared>> -> memref<10016x128xf32, #tpu.memory_space<vmem_shared>>
      tpu.wait_indirect_dma semaphore(%run_scoped3A : memref<!tpu.dma_semaphore, #tpu.memory_space<semaphore_mem>>) src(%arg8 : memref<200x128xf32, #tpu.memory_space<vmem>>) dst(%dma_wait3A_318 : memref<10016x128xf32, #tpu.memory_space<vmem_shared>>)
      tpu.yield
    }) : () -> ()
    %add3A_281 = arith.constant 9200 : i32
    %add3A_282 = arith.addi %mul3A_2, %add3A_281 : i32
    %dma_start3A_283 = tpu.memref_slice %arg2[%add3A_282] : memref<320000xi32, #tpu.memory_space<hbm>> -> memref<200xi32, #tpu.memory_space<hbm>>
    %dma_start3A_284 = tpu.memref_slice %arg2[%add3A_282] : memref<320000xi32, #tpu.memory_space<hbm>> -> memref<200xi32, #tpu.memory_space<hbm>>
    tpu.enqueue_dma source(%dma_start3A_284 : memref<200xi32, #tpu.memory_space<hbm>>) target(%arg6 : memref<200xi32, #tpu.memory_space<vmem>>) target_semaphore(%arg10 : memref<!tpu.dma_semaphore, #tpu.memory_space<semaphore_mem>>)
    %dma_wait3A_285 = tpu.memref_slice %arg2[%add3A_276] : memref<320000xi32, #tpu.memory_space<hbm>> -> memref<200xi32, #tpu.memory_space<hbm>>
    %dma_wait3A_286 = tpu.memref_slice %arg2[%add3A_276] : memref<320000xi32, #tpu.memory_space<hbm>> -> memref<200xi32, #tpu.memory_space<hbm>>
    tpu.wait_dma2 semaphore(%arg11 : memref<!tpu.dma_semaphore, #tpu.memory_space<semaphore_mem>>) src(%dma_wait3A_286 : memref<200xi32, #tpu.memory_space<hbm>>) dst(%arg7 : memref<200xi32, #tpu.memory_space<vmem>>)
    "tpu.region"() ({
      %run_scoped3A = tpu.sem_alloc : memref<!tpu.dma_semaphore, #tpu.memory_space<semaphore_mem>>
      %dma_start3A_313 = arith.constant 0 : i32
      %dma_start3A_314 = arith.constant 0 : i32
      %dma_start3A_315 = tpu.memref_slice %arg9[%dma_start3A_313, %dma_start3A_314] : memref<10016x128xf32, #tpu.memory_space<vmem_shared>> -> memref<10016x128xf32, #tpu.memory_space<vmem_shared>>
      tpu.enqueue_indirect_dma source(%arg8 : memref<200x128xf32, #tpu.memory_space<vmem>>) target(%dma_start3A_315 : memref<10016x128xf32, #tpu.memory_space<vmem_shared>>) offsets(%arg7 : memref<200xi32, #tpu.memory_space<vmem>>) semaphore(%run_scoped3A : memref<!tpu.dma_semaphore, #tpu.memory_space<semaphore_mem>>) {add = true}
      %dma_wait3A_316 = arith.constant 0 : i32
      %dma_wait3A_317 = arith.constant 0 : i32
      %dma_wait3A_318 = tpu.memref_slice %arg9[%dma_wait3A_316, %dma_wait3A_317] : memref<10016x128xf32, #tpu.memory_space<vmem_shared>> -> memref<10016x128xf32, #tpu.memory_space<vmem_shared>>
      tpu.wait_indirect_dma semaphore(%run_scoped3A : memref<!tpu.dma_semaphore, #tpu.memory_space<semaphore_mem>>) src(%arg8 : memref<200x128xf32, #tpu.memory_space<vmem>>) dst(%dma_wait3A_318 : memref<10016x128xf32, #tpu.memory_space<vmem_shared>>)
      tpu.yield
    }) : () -> ()
    %add3A_287 = arith.constant 9400 : i32
    %add3A_288 = arith.addi %mul3A_2, %add3A_287 : i32
    %dma_start3A_289 = tpu.memref_slice %arg2[%add3A_288] : memref<320000xi32, #tpu.memory_space<hbm>> -> memref<200xi32, #tpu.memory_space<hbm>>
    %dma_start3A_290 = tpu.memref_slice %arg2[%add3A_288] : memref<320000xi32, #tpu.memory_space<hbm>> -> memref<200xi32, #tpu.memory_space<hbm>>
    tpu.enqueue_dma source(%dma_start3A_290 : memref<200xi32, #tpu.memory_space<hbm>>) target(%arg7 : memref<200xi32, #tpu.memory_space<vmem>>) target_semaphore(%arg11 : memref<!tpu.dma_semaphore, #tpu.memory_space<semaphore_mem>>)
    %dma_wait3A_291 = tpu.memref_slice %arg2[%add3A_282] : memref<320000xi32, #tpu.memory_space<hbm>> -> memref<200xi32, #tpu.memory_space<hbm>>
    %dma_wait3A_292 = tpu.memref_slice %arg2[%add3A_282] : memref<320000xi32, #tpu.memory_space<hbm>> -> memref<200xi32, #tpu.memory_space<hbm>>
    tpu.wait_dma2 semaphore(%arg10 : memref<!tpu.dma_semaphore, #tpu.memory_space<semaphore_mem>>) src(%dma_wait3A_292 : memref<200xi32, #tpu.memory_space<hbm>>) dst(%arg6 : memref<200xi32, #tpu.memory_space<vmem>>)
    "tpu.region"() ({
      %run_scoped3A = tpu.sem_alloc : memref<!tpu.dma_semaphore, #tpu.memory_space<semaphore_mem>>
      %dma_start3A_313 = arith.constant 0 : i32
      %dma_start3A_314 = arith.constant 0 : i32
      %dma_start3A_315 = tpu.memref_slice %arg9[%dma_start3A_313, %dma_start3A_314] : memref<10016x128xf32, #tpu.memory_space<vmem_shared>> -> memref<10016x128xf32, #tpu.memory_space<vmem_shared>>
      tpu.enqueue_indirect_dma source(%arg8 : memref<200x128xf32, #tpu.memory_space<vmem>>) target(%dma_start3A_315 : memref<10016x128xf32, #tpu.memory_space<vmem_shared>>) offsets(%arg6 : memref<200xi32, #tpu.memory_space<vmem>>) semaphore(%run_scoped3A : memref<!tpu.dma_semaphore, #tpu.memory_space<semaphore_mem>>) {add = true}
      %dma_wait3A_316 = arith.constant 0 : i32
      %dma_wait3A_317 = arith.constant 0 : i32
      %dma_wait3A_318 = tpu.memref_slice %arg9[%dma_wait3A_316, %dma_wait3A_317] : memref<10016x128xf32, #tpu.memory_space<vmem_shared>> -> memref<10016x128xf32, #tpu.memory_space<vmem_shared>>
      tpu.wait_indirect_dma semaphore(%run_scoped3A : memref<!tpu.dma_semaphore, #tpu.memory_space<semaphore_mem>>) src(%arg8 : memref<200x128xf32, #tpu.memory_space<vmem>>) dst(%dma_wait3A_318 : memref<10016x128xf32, #tpu.memory_space<vmem_shared>>)
      tpu.yield
    }) : () -> ()
    %add3A_293 = arith.constant 9600 : i32
    %add3A_294 = arith.addi %mul3A_2, %add3A_293 : i32
    %dma_start3A_295 = tpu.memref_slice %arg2[%add3A_294] : memref<320000xi32, #tpu.memory_space<hbm>> -> memref<200xi32, #tpu.memory_space<hbm>>
    %dma_start3A_296 = tpu.memref_slice %arg2[%add3A_294] : memref<320000xi32, #tpu.memory_space<hbm>> -> memref<200xi32, #tpu.memory_space<hbm>>
    tpu.enqueue_dma source(%dma_start3A_296 : memref<200xi32, #tpu.memory_space<hbm>>) target(%arg6 : memref<200xi32, #tpu.memory_space<vmem>>) target_semaphore(%arg10 : memref<!tpu.dma_semaphore, #tpu.memory_space<semaphore_mem>>)
    %dma_wait3A_297 = tpu.memref_slice %arg2[%add3A_288] : memref<320000xi32, #tpu.memory_space<hbm>> -> memref<200xi32, #tpu.memory_space<hbm>>
    %dma_wait3A_298 = tpu.memref_slice %arg2[%add3A_288] : memref<320000xi32, #tpu.memory_space<hbm>> -> memref<200xi32, #tpu.memory_space<hbm>>
    tpu.wait_dma2 semaphore(%arg11 : memref<!tpu.dma_semaphore, #tpu.memory_space<semaphore_mem>>) src(%dma_wait3A_298 : memref<200xi32, #tpu.memory_space<hbm>>) dst(%arg7 : memref<200xi32, #tpu.memory_space<vmem>>)
    "tpu.region"() ({
      %run_scoped3A = tpu.sem_alloc : memref<!tpu.dma_semaphore, #tpu.memory_space<semaphore_mem>>
      %dma_start3A_313 = arith.constant 0 : i32
      %dma_start3A_314 = arith.constant 0 : i32
      %dma_start3A_315 = tpu.memref_slice %arg9[%dma_start3A_313, %dma_start3A_314] : memref<10016x128xf32, #tpu.memory_space<vmem_shared>> -> memref<10016x128xf32, #tpu.memory_space<vmem_shared>>
      tpu.enqueue_indirect_dma source(%arg8 : memref<200x128xf32, #tpu.memory_space<vmem>>) target(%dma_start3A_315 : memref<10016x128xf32, #tpu.memory_space<vmem_shared>>) offsets(%arg7 : memref<200xi32, #tpu.memory_space<vmem>>) semaphore(%run_scoped3A : memref<!tpu.dma_semaphore, #tpu.memory_space<semaphore_mem>>) {add = true}
      %dma_wait3A_316 = arith.constant 0 : i32
      %dma_wait3A_317 = arith.constant 0 : i32
      %dma_wait3A_318 = tpu.memref_slice %arg9[%dma_wait3A_316, %dma_wait3A_317] : memref<10016x128xf32, #tpu.memory_space<vmem_shared>> -> memref<10016x128xf32, #tpu.memory_space<vmem_shared>>
      tpu.wait_indirect_dma semaphore(%run_scoped3A : memref<!tpu.dma_semaphore, #tpu.memory_space<semaphore_mem>>) src(%arg8 : memref<200x128xf32, #tpu.memory_space<vmem>>) dst(%dma_wait3A_318 : memref<10016x128xf32, #tpu.memory_space<vmem_shared>>)
      tpu.yield
    }) : () -> ()
    %add3A_299 = arith.constant 9800 : i32
    %add3A_300 = arith.addi %mul3A_2, %add3A_299 : i32
    %dma_start3A_301 = tpu.memref_slice %arg2[%add3A_300] : memref<320000xi32, #tpu.memory_space<hbm>> -> memref<200xi32, #tpu.memory_space<hbm>>
    %dma_start3A_302 = tpu.memref_slice %arg2[%add3A_300] : memref<320000xi32, #tpu.memory_space<hbm>> -> memref<200xi32, #tpu.memory_space<hbm>>
    tpu.enqueue_dma source(%dma_start3A_302 : memref<200xi32, #tpu.memory_space<hbm>>) target(%arg7 : memref<200xi32, #tpu.memory_space<vmem>>) target_semaphore(%arg11 : memref<!tpu.dma_semaphore, #tpu.memory_space<semaphore_mem>>)
    %dma_wait3A_303 = tpu.memref_slice %arg2[%add3A_294] : memref<320000xi32, #tpu.memory_space<hbm>> -> memref<200xi32, #tpu.memory_space<hbm>>
    %dma_wait3A_304 = tpu.memref_slice %arg2[%add3A_294] : memref<320000xi32, #tpu.memory_space<hbm>> -> memref<200xi32, #tpu.memory_space<hbm>>
    tpu.wait_dma2 semaphore(%arg10 : memref<!tpu.dma_semaphore, #tpu.memory_space<semaphore_mem>>) src(%dma_wait3A_304 : memref<200xi32, #tpu.memory_space<hbm>>) dst(%arg6 : memref<200xi32, #tpu.memory_space<vmem>>)
    "tpu.region"() ({
      %run_scoped3A = tpu.sem_alloc : memref<!tpu.dma_semaphore, #tpu.memory_space<semaphore_mem>>
      %dma_start3A_313 = arith.constant 0 : i32
      %dma_start3A_314 = arith.constant 0 : i32
      %dma_start3A_315 = tpu.memref_slice %arg9[%dma_start3A_313, %dma_start3A_314] : memref<10016x128xf32, #tpu.memory_space<vmem_shared>> -> memref<10016x128xf32, #tpu.memory_space<vmem_shared>>
      tpu.enqueue_indirect_dma source(%arg8 : memref<200x128xf32, #tpu.memory_space<vmem>>) target(%dma_start3A_315 : memref<10016x128xf32, #tpu.memory_space<vmem_shared>>) offsets(%arg6 : memref<200xi32, #tpu.memory_space<vmem>>) semaphore(%run_scoped3A : memref<!tpu.dma_semaphore, #tpu.memory_space<semaphore_mem>>) {add = true}
      %dma_wait3A_316 = arith.constant 0 : i32
      %dma_wait3A_317 = arith.constant 0 : i32
      %dma_wait3A_318 = tpu.memref_slice %arg9[%dma_wait3A_316, %dma_wait3A_317] : memref<10016x128xf32, #tpu.memory_space<vmem_shared>> -> memref<10016x128xf32, #tpu.memory_space<vmem_shared>>
      tpu.wait_indirect_dma semaphore(%run_scoped3A : memref<!tpu.dma_semaphore, #tpu.memory_space<semaphore_mem>>) src(%arg8 : memref<200x128xf32, #tpu.memory_space<vmem>>) dst(%dma_wait3A_318 : memref<10016x128xf32, #tpu.memory_space<vmem_shared>>)
      tpu.yield
    }) : () -> ()
    %dma_wait3A_305 = tpu.memref_slice %arg2[%add3A_300] : memref<320000xi32, #tpu.memory_space<hbm>> -> memref<200xi32, #tpu.memory_space<hbm>>
    %dma_wait3A_306 = tpu.memref_slice %arg2[%add3A_300] : memref<320000xi32, #tpu.memory_space<hbm>> -> memref<200xi32, #tpu.memory_space<hbm>>
    tpu.wait_dma2 semaphore(%arg11 : memref<!tpu.dma_semaphore, #tpu.memory_space<semaphore_mem>>) src(%dma_wait3A_306 : memref<200xi32, #tpu.memory_space<hbm>>) dst(%arg7 : memref<200xi32, #tpu.memory_space<vmem>>)
    "tpu.region"() ({
      %run_scoped3A = tpu.sem_alloc : memref<!tpu.dma_semaphore, #tpu.memory_space<semaphore_mem>>
      %dma_start3A_313 = arith.constant 0 : i32
      %dma_start3A_314 = arith.constant 0 : i32
      %dma_start3A_315 = tpu.memref_slice %arg9[%dma_start3A_313, %dma_start3A_314] : memref<10016x128xf32, #tpu.memory_space<vmem_shared>> -> memref<10016x128xf32, #tpu.memory_space<vmem_shared>>
      tpu.enqueue_indirect_dma source(%arg8 : memref<200x128xf32, #tpu.memory_space<vmem>>) target(%dma_start3A_315 : memref<10016x128xf32, #tpu.memory_space<vmem_shared>>) offsets(%arg7 : memref<200xi32, #tpu.memory_space<vmem>>) semaphore(%run_scoped3A : memref<!tpu.dma_semaphore, #tpu.memory_space<semaphore_mem>>) {add = true}
      %dma_wait3A_316 = arith.constant 0 : i32
      %dma_wait3A_317 = arith.constant 0 : i32
      %dma_wait3A_318 = tpu.memref_slice %arg9[%dma_wait3A_316, %dma_wait3A_317] : memref<10016x128xf32, #tpu.memory_space<vmem_shared>> -> memref<10016x128xf32, #tpu.memory_space<vmem_shared>>
      tpu.wait_indirect_dma semaphore(%run_scoped3A : memref<!tpu.dma_semaphore, #tpu.memory_space<semaphore_mem>>) src(%arg8 : memref<200x128xf32, #tpu.memory_space<vmem>>) dst(%dma_wait3A_318 : memref<10016x128xf32, #tpu.memory_space<vmem_shared>>)
      tpu.yield
    }) : () -> ()
    %barrier3A_307 = arith.constant 0 : index
    tpu.barrier barrier_id(%barrier3A_307)
    %lt3A_308 = arith.constant 10 : i32
    %lt3A_309 = arith.cmpi slt, %arg1, %lt3A_308 : i32
    %convert_element_type3A_310 = arith.extui %lt3A_309 : i1 to i32
    %cond3A_311 = arith.constant 0 : i32
    %cond3A_312 = arith.cmpi ne, %convert_element_type3A_310, %cond3A_311 : i32
    scf.if %cond3A_312 {
      %mul3A_313 = arith.constant 1000 : i32
      %mul3A_314 = arith.muli %arg1, %mul3A_313 : i32
      "tpu.region"() ({
        %run_scoped3A = tpu.sem_alloc : memref<!tpu.dma_semaphore, #tpu.memory_space<semaphore_mem>>
        %dma_start3A_315 = arith.constant 0 : i32
        %dma_start3A_316 = tpu.memref_slice %arg5[%arg0, %mul3A_314, %dma_start3A_315] : memref<2x10000x128xf32, #tpu.memory_space<hbm>> -> memref<1x1000x128xf32, #tpu.memory_space<hbm>>
        %dma_start3A_317 = tpu.memref_squeeze %dma_start3A_316 : memref<1x1000x128xf32, #tpu.memory_space<hbm>> -> memref<1000x128xf32, #tpu.memory_space<hbm>>
        %dma_start3A_318 = arith.constant 0 : i32
        %dma_start3A_319 = tpu.memref_slice %arg9[%mul3A_314, %dma_start3A_318] : memref<10016x128xf32, #tpu.memory_space<vmem_shared>> -> memref<1000x128xf32, #tpu.memory_space<vmem_shared>>
        tpu.enqueue_dma source(%dma_start3A_319 : memref<1000x128xf32, #tpu.memory_space<vmem_shared>>) target(%dma_start3A_317 : memref<1000x128xf32, #tpu.memory_space<hbm>>) target_semaphore(%run_scoped3A : memref<!tpu.dma_semaphore, #tpu.memory_space<semaphore_mem>>)
        %dma_wait3A_320 = arith.constant 0 : i32
        %dma_wait3A_321 = tpu.memref_slice %arg5[%arg0, %mul3A_314, %dma_wait3A_320] : memref<2x10000x128xf32, #tpu.memory_space<hbm>> -> memref<1x1000x128xf32, #tpu.memory_space<hbm>>
        %dma_wait3A_322 = tpu.memref_squeeze %dma_wait3A_321 : memref<1x1000x128xf32, #tpu.memory_space<hbm>> -> memref<1000x128xf32, #tpu.memory_space<hbm>>
        %dma_wait3A_323 = arith.constant 0 : i32
        %dma_wait3A_324 = tpu.memref_slice %arg9[%mul3A_314, %dma_wait3A_323] : memref<10016x128xf32, #tpu.memory_space<vmem_shared>> -> memref<1000x128xf32, #tpu.memory_space<vmem_shared>>
        tpu.wait_dma2 semaphore(%run_scoped3A : memref<!tpu.dma_semaphore, #tpu.memory_space<semaphore_mem>>) src(%dma_wait3A_324 : memref<1000x128xf32, #tpu.memory_space<vmem_shared>>) dst(%dma_wait3A_322 : memref<1000x128xf32, #tpu.memory_space<hbm>>)
        tpu.yield
      }) : () -> ()
    } else {
    }
    return
  }
}

#map = affine_map<(d0, d1) -> (0, 0)>
#map1 = affine_map<(d0, d1) -> (0)>
#map2 = affine_map<(d0, d1) -> (0, 0, 0)>
module attributes {stable_mosaic.version = 14 : i64} {
  func.func @k(%arg0: i32, %arg1: i32, %arg2: memref<10000x128xf32, #tpu.memory_space<hbm>>, %arg3: memref<320000xi32, #tpu.memory_space<hbm>>, %arg4: memref<320000xi32, #tpu.memory_space<hbm>>, %arg5: memref<10016x128xf32, #tpu.memory_space<hbm>>, %arg6: memref<2x10000x128xf32, #tpu.memory_space<hbm>>, %arg7: memref<200xi32, #tpu.memory_space<vmem>>, %arg8: memref<200xi32, #tpu.memory_space<vmem>>, %arg9: memref<200x128xf32, #tpu.memory_space<vmem>>, %arg10: memref<10016x128xf32, #tpu.memory_space<vmem_shared>>, %arg11: memref<!tpu.dma_semaphore, #tpu.memory_space<semaphore_mem>>) attributes {dimension_semantics = [#tpu.dimension_semantics<core_parallel>, #tpu.dimension_semantics<subcore_parallel>], iteration_bounds = array<i64: 2, 16>, scalar_prefetch = 0 : i64, scratch_operands = 5 : i64, tpu.core_type = #tpu.core_type<sc_vector_subcore>, window_params = [{transform_indices = #map}, {transform_indices = #map1}, {transform_indices = #map1}, {transform_indices = #map}, {transform_indices = #map2}]} {
    %mul3A = arith.constant 16 : i32
    %mul3A_0 = arith.muli %arg0, %mul3A : i32
    %add3A = arith.addi %mul3A_0, %arg1 : i32
    %mul3A_1 = arith.constant 10000 : i32
    %mul3A_2 = arith.muli %add3A, %mul3A_1 : i32
    %lt3A = arith.constant 10 : i32
    %lt3A_3 = arith.cmpi slt, %arg1, %lt3A : i32
    %convert_element_type3A = arith.extui %lt3A_3 : i1 to i32
    %cond3A = arith.constant 0 : i32
    %cond3A_4 = arith.cmpi ne, %convert_element_type3A, %cond3A : i32
    scf.if %cond3A_4 {
      %mul3A_19 = arith.constant 1000 : i32
      %mul3A_20 = arith.muli %arg1, %mul3A_19 : i32
      "tpu.region"() ({
        %run_scoped3A = tpu.sem_alloc : memref<!tpu.dma_semaphore, #tpu.memory_space<semaphore_mem>>
        %dma_start3A = arith.constant 0 : i32
        %dma_start3A_21 = tpu.memref_slice %arg10[%mul3A_20, %dma_start3A] : memref<10016x128xf32, #tpu.memory_space<vmem_shared>> -> memref<1000x128xf32, #tpu.memory_space<vmem_shared>>
        %dma_start3A_22 = arith.constant 0 : i32
        %dma_start3A_23 = tpu.memref_slice %arg5[%mul3A_20, %dma_start3A_22] : memref<10016x128xf32, #tpu.memory_space<hbm>> -> memref<1000x128xf32, #tpu.memory_space<hbm>>
        tpu.enqueue_dma source(%dma_start3A_23 : memref<1000x128xf32, #tpu.memory_space<hbm>>) target(%dma_start3A_21 : memref<1000x128xf32, #tpu.memory_space<vmem_shared>>) target_semaphore(%run_scoped3A : memref<!tpu.dma_semaphore, #tpu.memory_space<semaphore_mem>>)
        %dma_wait3A = arith.constant 0 : i32
        %dma_wait3A_24 = tpu.memref_slice %arg10[%mul3A_20, %dma_wait3A] : memref<10016x128xf32, #tpu.memory_space<vmem_shared>> -> memref<1000x128xf32, #tpu.memory_space<vmem_shared>>
        %dma_wait3A_25 = arith.constant 0 : i32
        %dma_wait3A_26 = tpu.memref_slice %arg5[%mul3A_20, %dma_wait3A_25] : memref<10016x128xf32, #tpu.memory_space<hbm>> -> memref<1000x128xf32, #tpu.memory_space<hbm>>
        tpu.wait_dma2 semaphore(%run_scoped3A : memref<!tpu.dma_semaphore, #tpu.memory_space<semaphore_mem>>) src(%dma_wait3A_26 : memref<1000x128xf32, #tpu.memory_space<hbm>>) dst(%dma_wait3A_24 : memref<1000x128xf32, #tpu.memory_space<vmem_shared>>)
        tpu.yield
      }) : () -> ()
    } else {
    }
    %eq3A = arith.constant 10 : i32
    %eq3A_5 = arith.cmpi eq, %arg1, %eq3A : i32
    %convert_element_type3A_6 = arith.extui %eq3A_5 : i1 to i32
    %cond3A_7 = arith.constant 0 : i32
    %cond3A_8 = arith.cmpi ne, %convert_element_type3A_6, %cond3A_7 : i32
    scf.if %cond3A_8 {
      "tpu.region"() ({
        %run_scoped3A = tpu.sem_alloc : memref<!tpu.dma_semaphore, #tpu.memory_space<semaphore_mem>>
        %dma_start3A = arith.constant 10000 : i32
        %dma_start3A_19 = arith.constant 0 : i32
        %dma_start3A_20 = tpu.memref_slice %arg10[%dma_start3A, %dma_start3A_19] : memref<10016x128xf32, #tpu.memory_space<vmem_shared>> -> memref<16x128xf32, #tpu.memory_space<vmem_shared>>
        %dma_start3A_21 = arith.constant 10000 : i32
        %dma_start3A_22 = arith.constant 0 : i32
        %dma_start3A_23 = tpu.memref_slice %arg5[%dma_start3A_21, %dma_start3A_22] : memref<10016x128xf32, #tpu.memory_space<hbm>> -> memref<16x128xf32, #tpu.memory_space<hbm>>
        tpu.enqueue_dma source(%dma_start3A_23 : memref<16x128xf32, #tpu.memory_space<hbm>>) target(%dma_start3A_20 : memref<16x128xf32, #tpu.memory_space<vmem_shared>>) target_semaphore(%run_scoped3A : memref<!tpu.dma_semaphore, #tpu.memory_space<semaphore_mem>>)
        %dma_wait3A = arith.constant 10000 : i32
        %dma_wait3A_24 = arith.constant 0 : i32
        %dma_wait3A_25 = tpu.memref_slice %arg10[%dma_wait3A, %dma_wait3A_24] : memref<10016x128xf32, #tpu.memory_space<vmem_shared>> -> memref<16x128xf32, #tpu.memory_space<vmem_shared>>
        %dma_wait3A_26 = arith.constant 10000 : i32
        %dma_wait3A_27 = arith.constant 0 : i32
        %dma_wait3A_28 = tpu.memref_slice %arg5[%dma_wait3A_26, %dma_wait3A_27] : memref<10016x128xf32, #tpu.memory_space<hbm>> -> memref<16x128xf32, #tpu.memory_space<hbm>>
        tpu.wait_dma2 semaphore(%run_scoped3A : memref<!tpu.dma_semaphore, #tpu.memory_space<semaphore_mem>>) src(%dma_wait3A_28 : memref<16x128xf32, #tpu.memory_space<hbm>>) dst(%dma_wait3A_25 : memref<16x128xf32, #tpu.memory_space<vmem_shared>>)
        tpu.yield
      }) : () -> ()
    } else {
    }
    %barrier3A = arith.constant 0 : index
    tpu.barrier barrier_id(%barrier3A)
    %scan3A = arith.constant 0 : i32
    %scan3A_9 = arith.constant 50 : i32
    %scan3A_10 = arith.addi %scan3A, %scan3A_9 : i32
    %scan3A_11 = arith.constant 1 : i32
    scf.for %scan3A_19 = %scan3A to %scan3A_10 step %scan3A_11  : i32 {
      %mul3A_20 = arith.constant 1 : i32
      %mul3A_21 = arith.muli %scan3A_19, %mul3A_20 : i32
      %add3A_22 = arith.constant 0 : i32
      %add3A_23 = arith.addi %add3A_22, %mul3A_21 : i32
      %mul3A_24 = arith.constant 200 : i32
      %mul3A_25 = arith.muli %add3A_23, %mul3A_24 : i32
      %add3A_26 = arith.addi %mul3A_2, %mul3A_25 : i32
      "tpu.region"() ({
        %run_scoped3A = tpu.sem_alloc : memref<!tpu.dma_semaphore, #tpu.memory_space<semaphore_mem>>
        %dma_start3A_31 = tpu.memref_slice %arg3[%add3A_26] : memref<320000xi32, #tpu.memory_space<hbm>> -> memref<200xi32, #tpu.memory_space<hbm>>
        %dma_start3A_32 = tpu.memref_slice %arg3[%add3A_26] : memref<320000xi32, #tpu.memory_space<hbm>> -> memref<200xi32, #tpu.memory_space<hbm>>
        tpu.enqueue_dma source(%dma_start3A_32 : memref<200xi32, #tpu.memory_space<hbm>>) target(%arg7 : memref<200xi32, #tpu.memory_space<vmem>>) target_semaphore(%run_scoped3A : memref<!tpu.dma_semaphore, #tpu.memory_space<semaphore_mem>>)
        %dma_wait3A_33 = tpu.memref_slice %arg3[%add3A_26] : memref<320000xi32, #tpu.memory_space<hbm>> -> memref<200xi32, #tpu.memory_space<hbm>>
        %dma_wait3A_34 = tpu.memref_slice %arg3[%add3A_26] : memref<320000xi32, #tpu.memory_space<hbm>> -> memref<200xi32, #tpu.memory_space<hbm>>
        tpu.wait_dma2 semaphore(%run_scoped3A : memref<!tpu.dma_semaphore, #tpu.memory_space<semaphore_mem>>) src(%dma_wait3A_34 : memref<200xi32, #tpu.memory_space<hbm>>) dst(%arg7 : memref<200xi32, #tpu.memory_space<vmem>>)
        tpu.yield
      }) : () -> ()
      %dma_start3A = arith.constant 0 : i32
      %dma_start3A_27 = arith.constant 0 : i32
      %dma_start3A_28 = tpu.memref_slice %arg2[%dma_start3A, %dma_start3A_27] : memref<10000x128xf32, #tpu.memory_space<hbm>> -> memref<10000x128xf32, #tpu.memory_space<hbm>>
      tpu.enqueue_indirect_dma source(%dma_start3A_28 : memref<10000x128xf32, #tpu.memory_space<hbm>>) target(%arg9 : memref<200x128xf32, #tpu.memory_space<vmem>>) offsets(%arg7 : memref<200xi32, #tpu.memory_space<vmem>>) semaphore(%arg11 : memref<!tpu.dma_semaphore, #tpu.memory_space<semaphore_mem>>)
      %dma_wait3A = arith.constant 0 : i32
      %dma_wait3A_29 = arith.constant 0 : i32
      %dma_wait3A_30 = tpu.memref_slice %arg2[%dma_wait3A, %dma_wait3A_29] : memref<10000x128xf32, #tpu.memory_space<hbm>> -> memref<10000x128xf32, #tpu.memory_space<hbm>>
      tpu.wait_indirect_dma semaphore(%arg11 : memref<!tpu.dma_semaphore, #tpu.memory_space<semaphore_mem>>) src(%dma_wait3A_30 : memref<10000x128xf32, #tpu.memory_space<hbm>>) dst(%arg9 : memref<200x128xf32, #tpu.memory_space<vmem>>)
      "tpu.region"() ({
        %run_scoped3A = tpu.sem_alloc : memref<!tpu.dma_semaphore, #tpu.memory_space<semaphore_mem>>
        %dma_start3A_31 = tpu.memref_slice %arg4[%add3A_26] : memref<320000xi32, #tpu.memory_space<hbm>> -> memref<200xi32, #tpu.memory_space<hbm>>
        %dma_start3A_32 = tpu.memref_slice %arg4[%add3A_26] : memref<320000xi32, #tpu.memory_space<hbm>> -> memref<200xi32, #tpu.memory_space<hbm>>
        tpu.enqueue_dma source(%dma_start3A_32 : memref<200xi32, #tpu.memory_space<hbm>>) target(%arg8 : memref<200xi32, #tpu.memory_space<vmem>>) target_semaphore(%run_scoped3A : memref<!tpu.dma_semaphore, #tpu.memory_space<semaphore_mem>>)
        %dma_wait3A_33 = tpu.memref_slice %arg4[%add3A_26] : memref<320000xi32, #tpu.memory_space<hbm>> -> memref<200xi32, #tpu.memory_space<hbm>>
        %dma_wait3A_34 = tpu.memref_slice %arg4[%add3A_26] : memref<320000xi32, #tpu.memory_space<hbm>> -> memref<200xi32, #tpu.memory_space<hbm>>
        tpu.wait_dma2 semaphore(%run_scoped3A : memref<!tpu.dma_semaphore, #tpu.memory_space<semaphore_mem>>) src(%dma_wait3A_34 : memref<200xi32, #tpu.memory_space<hbm>>) dst(%arg8 : memref<200xi32, #tpu.memory_space<vmem>>)
        tpu.yield
      }) : () -> ()
      "tpu.region"() ({
        %run_scoped3A = tpu.sem_alloc : memref<!tpu.dma_semaphore, #tpu.memory_space<semaphore_mem>>
        %dma_start3A_31 = arith.constant 0 : i32
        %dma_start3A_32 = arith.constant 0 : i32
        %dma_start3A_33 = tpu.memref_slice %arg10[%dma_start3A_31, %dma_start3A_32] : memref<10016x128xf32, #tpu.memory_space<vmem_shared>> -> memref<10016x128xf32, #tpu.memory_space<vmem_shared>>
        tpu.enqueue_indirect_dma source(%arg9 : memref<200x128xf32, #tpu.memory_space<vmem>>) target(%dma_start3A_33 : memref<10016x128xf32, #tpu.memory_space<vmem_shared>>) offsets(%arg8 : memref<200xi32, #tpu.memory_space<vmem>>) semaphore(%run_scoped3A : memref<!tpu.dma_semaphore, #tpu.memory_space<semaphore_mem>>) {add = true}
        %dma_wait3A_34 = arith.constant 0 : i32
        %dma_wait3A_35 = arith.constant 0 : i32
        %dma_wait3A_36 = tpu.memref_slice %arg10[%dma_wait3A_34, %dma_wait3A_35] : memref<10016x128xf32, #tpu.memory_space<vmem_shared>> -> memref<10016x128xf32, #tpu.memory_space<vmem_shared>>
        tpu.wait_indirect_dma semaphore(%run_scoped3A : memref<!tpu.dma_semaphore, #tpu.memory_space<semaphore_mem>>) src(%arg9 : memref<200x128xf32, #tpu.memory_space<vmem>>) dst(%dma_wait3A_36 : memref<10016x128xf32, #tpu.memory_space<vmem_shared>>)
        tpu.yield
      }) : () -> ()
    }
    %scan3A_12 = arith.constant 50 : i32
    %barrier3A_13 = arith.constant 0 : index
    tpu.barrier barrier_id(%barrier3A_13)
    %lt3A_14 = arith.constant 10 : i32
    %lt3A_15 = arith.cmpi slt, %arg1, %lt3A_14 : i32
    %convert_element_type3A_16 = arith.extui %lt3A_15 : i1 to i32
    %cond3A_17 = arith.constant 0 : i32
    %cond3A_18 = arith.cmpi ne, %convert_element_type3A_16, %cond3A_17 : i32
    scf.if %cond3A_18 {
      %mul3A_19 = arith.constant 1000 : i32
      %mul3A_20 = arith.muli %arg1, %mul3A_19 : i32
      "tpu.region"() ({
        %run_scoped3A = tpu.sem_alloc : memref<!tpu.dma_semaphore, #tpu.memory_space<semaphore_mem>>
        %dma_start3A = arith.constant 0 : i32
        %dma_start3A_21 = tpu.memref_slice %arg6[%arg0, %mul3A_20, %dma_start3A] : memref<2x10000x128xf32, #tpu.memory_space<hbm>> -> memref<1x1000x128xf32, #tpu.memory_space<hbm>>
        %dma_start3A_22 = tpu.memref_squeeze %dma_start3A_21 : memref<1x1000x128xf32, #tpu.memory_space<hbm>> -> memref<1000x128xf32, #tpu.memory_space<hbm>>
        %dma_start3A_23 = arith.constant 0 : i32
        %dma_start3A_24 = tpu.memref_slice %arg10[%mul3A_20, %dma_start3A_23] : memref<10016x128xf32, #tpu.memory_space<vmem_shared>> -> memref<1000x128xf32, #tpu.memory_space<vmem_shared>>
        tpu.enqueue_dma source(%dma_start3A_24 : memref<1000x128xf32, #tpu.memory_space<vmem_shared>>) target(%dma_start3A_22 : memref<1000x128xf32, #tpu.memory_space<hbm>>) target_semaphore(%run_scoped3A : memref<!tpu.dma_semaphore, #tpu.memory_space<semaphore_mem>>)
        %dma_wait3A = arith.constant 0 : i32
        %dma_wait3A_25 = tpu.memref_slice %arg6[%arg0, %mul3A_20, %dma_wait3A] : memref<2x10000x128xf32, #tpu.memory_space<hbm>> -> memref<1x1000x128xf32, #tpu.memory_space<hbm>>
        %dma_wait3A_26 = tpu.memref_squeeze %dma_wait3A_25 : memref<1x1000x128xf32, #tpu.memory_space<hbm>> -> memref<1000x128xf32, #tpu.memory_space<hbm>>
        %dma_wait3A_27 = arith.constant 0 : i32
        %dma_wait3A_28 = tpu.memref_slice %arg10[%mul3A_20, %dma_wait3A_27] : memref<10016x128xf32, #tpu.memory_space<vmem_shared>> -> memref<1000x128xf32, #tpu.memory_space<vmem_shared>>
        tpu.wait_dma2 semaphore(%run_scoped3A : memref<!tpu.dma_semaphore, #tpu.memory_space<semaphore_mem>>) src(%dma_wait3A_28 : memref<1000x128xf32, #tpu.memory_space<vmem_shared>>) dst(%dma_wait3A_26 : memref<1000x128xf32, #tpu.memory_space<hbm>>)
        tpu.yield
      }) : () -> ()
    } else {
    }
    return
  }
}

#map = affine_map<(d0, d1) -> (0, 0)>
#map1 = affine_map<(d0, d1) -> (0)>
#map2 = affine_map<(d0, d1) -> (0, 0, 0)>
module attributes {stable_mosaic.version = 14 : i64} {
  func.func @k(%arg0: i32, %arg1: i32, %arg2: memref<10000x128xf32, #tpu.memory_space<hbm>>, %arg3: memref<320000xi32, #tpu.memory_space<hbm>>, %arg4: memref<320000xi32, #tpu.memory_space<hbm>>, %arg5: memref<10016x128xf32, #tpu.memory_space<hbm>>, %arg6: memref<2x10000x128xf32, #tpu.memory_space<hbm>>, %arg7: memref<200xi32, #tpu.memory_space<vmem>>, %arg8: memref<200xi32, #tpu.memory_space<vmem>>, %arg9: memref<200x128xf32, #tpu.memory_space<vmem>>, %arg10: memref<10016x128xf32, #tpu.memory_space<vmem_shared>>, %arg11: memref<!tpu.dma_semaphore, #tpu.memory_space<semaphore_mem>>) attributes {dimension_semantics = [#tpu.dimension_semantics<core_parallel>, #tpu.dimension_semantics<subcore_parallel>], iteration_bounds = array<i64: 2, 16>, scalar_prefetch = 0 : i64, scratch_operands = 5 : i64, tpu.core_type = #tpu.core_type<sc_vector_subcore>, window_params = [{transform_indices = #map}, {transform_indices = #map1}, {transform_indices = #map1}, {transform_indices = #map}, {transform_indices = #map2}]} {
    %mul3A = arith.constant 16 : i32
    %mul3A_0 = arith.muli %arg0, %mul3A : i32
    %add3A = arith.addi %mul3A_0, %arg1 : i32
    %mul3A_1 = arith.constant 10000 : i32
    %mul3A_2 = arith.muli %add3A, %mul3A_1 : i32
    %lt3A = arith.constant 10 : i32
    %lt3A_3 = arith.cmpi slt, %arg1, %lt3A : i32
    %convert_element_type3A = arith.extui %lt3A_3 : i1 to i32
    %cond3A = arith.constant 0 : i32
    %cond3A_4 = arith.cmpi ne, %convert_element_type3A, %cond3A : i32
    scf.if %cond3A_4 {
      %mul3A_19 = arith.constant 1000 : i32
      %mul3A_20 = arith.muli %arg1, %mul3A_19 : i32
      "tpu.region"() ({
        %run_scoped3A = tpu.sem_alloc : memref<!tpu.dma_semaphore, #tpu.memory_space<semaphore_mem>>
        %dma_start3A = arith.constant 0 : i32
        %dma_start3A_21 = tpu.memref_slice %arg10[%mul3A_20, %dma_start3A] : memref<10016x128xf32, #tpu.memory_space<vmem_shared>> -> memref<1000x128xf32, #tpu.memory_space<vmem_shared>>
        %dma_start3A_22 = arith.constant 0 : i32
        %dma_start3A_23 = tpu.memref_slice %arg5[%mul3A_20, %dma_start3A_22] : memref<10016x128xf32, #tpu.memory_space<hbm>> -> memref<1000x128xf32, #tpu.memory_space<hbm>>
        tpu.enqueue_dma source(%dma_start3A_23 : memref<1000x128xf32, #tpu.memory_space<hbm>>) target(%dma_start3A_21 : memref<1000x128xf32, #tpu.memory_space<vmem_shared>>) target_semaphore(%run_scoped3A : memref<!tpu.dma_semaphore, #tpu.memory_space<semaphore_mem>>)
        %dma_wait3A = arith.constant 0 : i32
        %dma_wait3A_24 = tpu.memref_slice %arg10[%mul3A_20, %dma_wait3A] : memref<10016x128xf32, #tpu.memory_space<vmem_shared>> -> memref<1000x128xf32, #tpu.memory_space<vmem_shared>>
        %dma_wait3A_25 = arith.constant 0 : i32
        %dma_wait3A_26 = tpu.memref_slice %arg5[%mul3A_20, %dma_wait3A_25] : memref<10016x128xf32, #tpu.memory_space<hbm>> -> memref<1000x128xf32, #tpu.memory_space<hbm>>
        tpu.wait_dma2 semaphore(%run_scoped3A : memref<!tpu.dma_semaphore, #tpu.memory_space<semaphore_mem>>) src(%dma_wait3A_26 : memref<1000x128xf32, #tpu.memory_space<hbm>>) dst(%dma_wait3A_24 : memref<1000x128xf32, #tpu.memory_space<vmem_shared>>)
        tpu.yield
      }) : () -> ()
    } else {
    }
    %eq3A = arith.constant 10 : i32
    %eq3A_5 = arith.cmpi eq, %arg1, %eq3A : i32
    %convert_element_type3A_6 = arith.extui %eq3A_5 : i1 to i32
    %cond3A_7 = arith.constant 0 : i32
    %cond3A_8 = arith.cmpi ne, %convert_element_type3A_6, %cond3A_7 : i32
    scf.if %cond3A_8 {
      "tpu.region"() ({
        %run_scoped3A = tpu.sem_alloc : memref<!tpu.dma_semaphore, #tpu.memory_space<semaphore_mem>>
        %dma_start3A = arith.constant 10000 : i32
        %dma_start3A_19 = arith.constant 0 : i32
        %dma_start3A_20 = tpu.memref_slice %arg10[%dma_start3A, %dma_start3A_19] : memref<10016x128xf32, #tpu.memory_space<vmem_shared>> -> memref<16x128xf32, #tpu.memory_space<vmem_shared>>
        %dma_start3A_21 = arith.constant 10000 : i32
        %dma_start3A_22 = arith.constant 0 : i32
        %dma_start3A_23 = tpu.memref_slice %arg5[%dma_start3A_21, %dma_start3A_22] : memref<10016x128xf32, #tpu.memory_space<hbm>> -> memref<16x128xf32, #tpu.memory_space<hbm>>
        tpu.enqueue_dma source(%dma_start3A_23 : memref<16x128xf32, #tpu.memory_space<hbm>>) target(%dma_start3A_20 : memref<16x128xf32, #tpu.memory_space<vmem_shared>>) target_semaphore(%run_scoped3A : memref<!tpu.dma_semaphore, #tpu.memory_space<semaphore_mem>>)
        %dma_wait3A = arith.constant 10000 : i32
        %dma_wait3A_24 = arith.constant 0 : i32
        %dma_wait3A_25 = tpu.memref_slice %arg10[%dma_wait3A, %dma_wait3A_24] : memref<10016x128xf32, #tpu.memory_space<vmem_shared>> -> memref<16x128xf32, #tpu.memory_space<vmem_shared>>
        %dma_wait3A_26 = arith.constant 10000 : i32
        %dma_wait3A_27 = arith.constant 0 : i32
        %dma_wait3A_28 = tpu.memref_slice %arg5[%dma_wait3A_26, %dma_wait3A_27] : memref<10016x128xf32, #tpu.memory_space<hbm>> -> memref<16x128xf32, #tpu.memory_space<hbm>>
        tpu.wait_dma2 semaphore(%run_scoped3A : memref<!tpu.dma_semaphore, #tpu.memory_space<semaphore_mem>>) src(%dma_wait3A_28 : memref<16x128xf32, #tpu.memory_space<hbm>>) dst(%dma_wait3A_25 : memref<16x128xf32, #tpu.memory_space<vmem_shared>>)
        tpu.yield
      }) : () -> ()
    } else {
    }
    %barrier3A = arith.constant 0 : index
    tpu.barrier barrier_id(%barrier3A)
    %scan3A = arith.constant 0 : i32
    %scan3A_9 = arith.constant 50 : i32
    %scan3A_10 = arith.addi %scan3A, %scan3A_9 : i32
    %scan3A_11 = arith.constant 1 : i32
    scf.for %scan3A_19 = %scan3A to %scan3A_10 step %scan3A_11  : i32 {
      %mul3A_20 = arith.constant 1 : i32
      %mul3A_21 = arith.muli %scan3A_19, %mul3A_20 : i32
      %add3A_22 = arith.constant 0 : i32
      %add3A_23 = arith.addi %add3A_22, %mul3A_21 : i32
      %mul3A_24 = arith.constant 200 : i32
      %mul3A_25 = arith.muli %add3A_23, %mul3A_24 : i32
      %add3A_26 = arith.addi %mul3A_2, %mul3A_25 : i32
      "tpu.region"() ({
        %run_scoped3A = tpu.sem_alloc : memref<!tpu.dma_semaphore, #tpu.memory_space<semaphore_mem>>
        %dma_start3A_31 = tpu.memref_slice %arg3[%add3A_26] : memref<320000xi32, #tpu.memory_space<hbm>> -> memref<200xi32, #tpu.memory_space<hbm>>
        %dma_start3A_32 = tpu.memref_slice %arg3[%add3A_26] : memref<320000xi32, #tpu.memory_space<hbm>> -> memref<200xi32, #tpu.memory_space<hbm>>
        tpu.enqueue_dma source(%dma_start3A_32 : memref<200xi32, #tpu.memory_space<hbm>>) target(%arg7 : memref<200xi32, #tpu.memory_space<vmem>>) target_semaphore(%run_scoped3A : memref<!tpu.dma_semaphore, #tpu.memory_space<semaphore_mem>>)
        %dma_wait3A_33 = tpu.memref_slice %arg3[%add3A_26] : memref<320000xi32, #tpu.memory_space<hbm>> -> memref<200xi32, #tpu.memory_space<hbm>>
        %dma_wait3A_34 = tpu.memref_slice %arg3[%add3A_26] : memref<320000xi32, #tpu.memory_space<hbm>> -> memref<200xi32, #tpu.memory_space<hbm>>
        tpu.wait_dma2 semaphore(%run_scoped3A : memref<!tpu.dma_semaphore, #tpu.memory_space<semaphore_mem>>) src(%dma_wait3A_34 : memref<200xi32, #tpu.memory_space<hbm>>) dst(%arg7 : memref<200xi32, #tpu.memory_space<vmem>>)
        tpu.yield
      }) : () -> ()
      %dma_start3A = arith.constant 0 : i32
      %dma_start3A_27 = arith.constant 0 : i32
      %dma_start3A_28 = tpu.memref_slice %arg2[%dma_start3A, %dma_start3A_27] : memref<10000x128xf32, #tpu.memory_space<hbm>> -> memref<10000x128xf32, #tpu.memory_space<hbm>>
      tpu.enqueue_indirect_dma source(%dma_start3A_28 : memref<10000x128xf32, #tpu.memory_space<hbm>>) target(%arg9 : memref<200x128xf32, #tpu.memory_space<vmem>>) offsets(%arg7 : memref<200xi32, #tpu.memory_space<vmem>>) semaphore(%arg11 : memref<!tpu.dma_semaphore, #tpu.memory_space<semaphore_mem>>)
      %dma_wait3A = arith.constant 0 : i32
      %dma_wait3A_29 = arith.constant 0 : i32
      %dma_wait3A_30 = tpu.memref_slice %arg2[%dma_wait3A, %dma_wait3A_29] : memref<10000x128xf32, #tpu.memory_space<hbm>> -> memref<10000x128xf32, #tpu.memory_space<hbm>>
      tpu.wait_indirect_dma semaphore(%arg11 : memref<!tpu.dma_semaphore, #tpu.memory_space<semaphore_mem>>) src(%dma_wait3A_30 : memref<10000x128xf32, #tpu.memory_space<hbm>>) dst(%arg9 : memref<200x128xf32, #tpu.memory_space<vmem>>)
      "tpu.region"() ({
        %run_scoped3A = tpu.sem_alloc : memref<!tpu.dma_semaphore, #tpu.memory_space<semaphore_mem>>
        %dma_start3A_31 = tpu.memref_slice %arg4[%add3A_26] : memref<320000xi32, #tpu.memory_space<hbm>> -> memref<200xi32, #tpu.memory_space<hbm>>
        %dma_start3A_32 = tpu.memref_slice %arg4[%add3A_26] : memref<320000xi32, #tpu.memory_space<hbm>> -> memref<200xi32, #tpu.memory_space<hbm>>
        tpu.enqueue_dma source(%dma_start3A_32 : memref<200xi32, #tpu.memory_space<hbm>>) target(%arg8 : memref<200xi32, #tpu.memory_space<vmem>>) target_semaphore(%run_scoped3A : memref<!tpu.dma_semaphore, #tpu.memory_space<semaphore_mem>>)
        %dma_wait3A_33 = tpu.memref_slice %arg4[%add3A_26] : memref<320000xi32, #tpu.memory_space<hbm>> -> memref<200xi32, #tpu.memory_space<hbm>>
        %dma_wait3A_34 = tpu.memref_slice %arg4[%add3A_26] : memref<320000xi32, #tpu.memory_space<hbm>> -> memref<200xi32, #tpu.memory_space<hbm>>
        tpu.wait_dma2 semaphore(%run_scoped3A : memref<!tpu.dma_semaphore, #tpu.memory_space<semaphore_mem>>) src(%dma_wait3A_34 : memref<200xi32, #tpu.memory_space<hbm>>) dst(%arg8 : memref<200xi32, #tpu.memory_space<vmem>>)
        tpu.yield
      }) : () -> ()
      "tpu.region"() ({
        %run_scoped3A = tpu.sem_alloc : memref<!tpu.dma_semaphore, #tpu.memory_space<semaphore_mem>>
        %dma_start3A_31 = arith.constant 0 : i32
        %dma_start3A_32 = arith.constant 0 : i32
        %dma_start3A_33 = tpu.memref_slice %arg10[%dma_start3A_31, %dma_start3A_32] : memref<10016x128xf32, #tpu.memory_space<vmem_shared>> -> memref<10016x128xf32, #tpu.memory_space<vmem_shared>>
        tpu.enqueue_indirect_dma source(%arg9 : memref<200x128xf32, #tpu.memory_space<vmem>>) target(%dma_start3A_33 : memref<10016x128xf32, #tpu.memory_space<vmem_shared>>) offsets(%arg8 : memref<200xi32, #tpu.memory_space<vmem>>) semaphore(%run_scoped3A : memref<!tpu.dma_semaphore, #tpu.memory_space<semaphore_mem>>) {add = true}
        %dma_wait3A_34 = arith.constant 0 : i32
        %dma_wait3A_35 = arith.constant 0 : i32
        %dma_wait3A_36 = tpu.memref_slice %arg10[%dma_wait3A_34, %dma_wait3A_35] : memref<10016x128xf32, #tpu.memory_space<vmem_shared>> -> memref<10016x128xf32, #tpu.memory_space<vmem_shared>>
        tpu.wait_indirect_dma semaphore(%run_scoped3A : memref<!tpu.dma_semaphore, #tpu.memory_space<semaphore_mem>>) src(%arg9 : memref<200x128xf32, #tpu.memory_space<vmem>>) dst(%dma_wait3A_36 : memref<10016x128xf32, #tpu.memory_space<vmem_shared>>)
        tpu.yield
      }) : () -> ()
    }
    %scan3A_12 = arith.constant 50 : i32
    %barrier3A_13 = arith.constant 0 : index
    tpu.barrier barrier_id(%barrier3A_13)
    %lt3A_14 = arith.constant 10 : i32
    %lt3A_15 = arith.cmpi slt, %arg1, %lt3A_14 : i32
    %convert_element_type3A_16 = arith.extui %lt3A_15 : i1 to i32
    %cond3A_17 = arith.constant 0 : i32
    %cond3A_18 = arith.cmpi ne, %convert_element_type3A_16, %cond3A_17 : i32
    scf.if %cond3A_18 {
      %mul3A_19 = arith.constant 1000 : i32
      %mul3A_20 = arith.muli %arg1, %mul3A_19 : i32
      "tpu.region"() ({
        %run_scoped3A = tpu.sem_alloc : memref<!tpu.dma_semaphore, #tpu.memory_space<semaphore_mem>>
        %dma_start3A = arith.constant 0 : i32
        %dma_start3A_21 = tpu.memref_slice %arg6[%arg0, %mul3A_20, %dma_start3A] : memref<2x10000x128xf32, #tpu.memory_space<hbm>> -> memref<1x1000x128xf32, #tpu.memory_space<hbm>>
        %dma_start3A_22 = tpu.memref_squeeze %dma_start3A_21 : memref<1x1000x128xf32, #tpu.memory_space<hbm>> -> memref<1000x128xf32, #tpu.memory_space<hbm>>
        %dma_start3A_23 = arith.constant 0 : i32
        %dma_start3A_24 = tpu.memref_slice %arg10[%mul3A_20, %dma_start3A_23] : memref<10016x128xf32, #tpu.memory_space<vmem_shared>> -> memref<1000x128xf32, #tpu.memory_space<vmem_shared>>
        tpu.enqueue_dma source(%dma_start3A_24 : memref<1000x128xf32, #tpu.memory_space<vmem_shared>>) target(%dma_start3A_22 : memref<1000x128xf32, #tpu.memory_space<hbm>>) target_semaphore(%run_scoped3A : memref<!tpu.dma_semaphore, #tpu.memory_space<semaphore_mem>>)
        %dma_wait3A = arith.constant 0 : i32
        %dma_wait3A_25 = tpu.memref_slice %arg6[%arg0, %mul3A_20, %dma_wait3A] : memref<2x10000x128xf32, #tpu.memory_space<hbm>> -> memref<1x1000x128xf32, #tpu.memory_space<hbm>>
        %dma_wait3A_26 = tpu.memref_squeeze %dma_wait3A_25 : memref<1x1000x128xf32, #tpu.memory_space<hbm>> -> memref<1000x128xf32, #tpu.memory_space<hbm>>
        %dma_wait3A_27 = arith.constant 0 : i32
        %dma_wait3A_28 = tpu.memref_slice %arg10[%mul3A_20, %dma_wait3A_27] : memref<10016x128xf32, #tpu.memory_space<vmem_shared>> -> memref<1000x128xf32, #tpu.memory_space<vmem_shared>>
        tpu.wait_dma2 semaphore(%run_scoped3A : memref<!tpu.dma_semaphore, #tpu.memory_space<semaphore_mem>>) src(%dma_wait3A_28 : memref<1000x128xf32, #tpu.memory_space<vmem_shared>>) dst(%dma_wait3A_26 : memref<1000x128xf32, #tpu.memory_space<hbm>>)
        tpu.yield
      }) : () -> ()
    } else {
    }
    return
  }
}

module attributes {stable_mosaic.version = 14 : i64} {
  func.func @body(%arg0: memref<2x10000x128xf32, #tpu.memory_space<vmem>>, %arg1: memref<10000x1xf32, #tpu.memory_space<vmem>>, %arg2: memref<10000x128xf32, #tpu.memory_space<vmem>>) attributes {dimension_semantics = [], scalar_prefetch = 0 : i64, scratch_operands = 0 : i64, tpu.core_type = #tpu.core_type<tc>} {
    %get3A = arith.constant 0 : index
    %get3A_0 = arith.constant 0 : index
    %get3A_1 = arith.constant 0 : index
    %get3A_2 = vector.load %arg0[%get3A, %get3A_0, %get3A_1] : memref<2x10000x128xf32, #tpu.memory_space<vmem>>, vector<1x10000x128xf32>
    %get3A_3 = vector.shape_cast %get3A_2 : vector<1x10000x128xf32> to vector<10000x128xf32>
    %get3A_4 = arith.constant 1 : index
    %get3A_5 = arith.constant 0 : index
    %get3A_6 = arith.constant 0 : index
    %get3A_7 = vector.load %arg0[%get3A_4, %get3A_5, %get3A_6] : memref<2x10000x128xf32, #tpu.memory_space<vmem>>, vector<1x10000x128xf32>
    %get3A_8 = vector.shape_cast %get3A_7 : vector<1x10000x128xf32> to vector<10000x128xf32>
    %add3A = arith.addf %get3A_3, %get3A_8 : vector<10000x128xf32>
    %get3A_9 = arith.constant 0 : index
    %get3A_10 = arith.constant 0 : index
    %get3A_11 = vector.load %arg1[%get3A_9, %get3A_10] : memref<10000x1xf32, #tpu.memory_space<vmem>>, vector<10000x1xf32>
    %mul3A = vector.broadcast %get3A_11 : vector<10000x1xf32> to vector<10000x128xf32>
    %mul3A_12 = arith.mulf %add3A, %mul3A : vector<10000x128xf32>
    %reduce_sum3A = arith.constant dense<0.000000e+00> : vector<128xf32>
    %reduce_sum3A_13 = vector.multi_reduction <add>, %mul3A_12, %reduce_sum3A [0] : vector<10000x128xf32> to vector<128xf32>
    %broadcast_in_dim3A = vector.shape_cast %reduce_sum3A_13 : vector<128xf32> to vector<1x128xf32>
    %div3A = arith.constant 1.000000e+04 : f32
    %div3A_14 = vector.broadcast %div3A : f32 to vector<1x128xf32>
    %div3A_15 = arith.divf %broadcast_in_dim3A, %div3A_14 : vector<1x128xf32>
    %sub3A = vector.broadcast %div3A_15 : vector<1x128xf32> to vector<10000x128xf32>
    %sub3A_16 = arith.subf %mul3A_12, %sub3A : vector<10000x128xf32>
    %mul3A_17 = arith.mulf %sub3A_16, %sub3A_16 : vector<10000x128xf32>
    %reduce_sum3A_18 = arith.constant dense<0.000000e+00> : vector<128xf32>
    %reduce_sum3A_19 = vector.multi_reduction <add>, %mul3A_17, %reduce_sum3A_18 [0] : vector<10000x128xf32> to vector<128xf32>
    %broadcast_in_dim3A_20 = vector.shape_cast %reduce_sum3A_19 : vector<128xf32> to vector<1x128xf32>
    %div3A_21 = arith.constant 9.999000e+03 : f32
    %div3A_22 = vector.broadcast %div3A_21 : f32 to vector<1x128xf32>
    %div3A_23 = arith.divf %broadcast_in_dim3A_20, %div3A_22 : vector<1x128xf32>
    %sqrt3A = math.sqrt %div3A_23 : vector<1x128xf32>
    %add3A_24 = arith.constant 9.99999974E-6 : f32
    %add3A_25 = vector.broadcast %add3A_24 : f32 to vector<1x128xf32>
    %add3A_26 = arith.addf %sqrt3A, %add3A_25 : vector<1x128xf32>
    %div3A_27 = vector.broadcast %add3A_26 : vector<1x128xf32> to vector<10000x128xf32>
    %div3A_28 = arith.divf %sub3A_16, %div3A_27 : vector<10000x128xf32>
    %get3A_29 = arith.constant 0 : index
    %get3A_30 = arith.constant 0 : index
    %get3A_31 = vector.load %arg1[%get3A_29, %get3A_30] : memref<10000x1xf32, #tpu.memory_space<vmem>>, vector<10000x1xf32>
    %mul3A_32 = vector.broadcast %get3A_31 : vector<10000x1xf32> to vector<10000x128xf32>
    %mul3A_33 = arith.mulf %div3A_28, %mul3A_32 : vector<10000x128xf32>
    %swap3A = arith.constant 0 : index
    %swap3A_34 = arith.constant 0 : index
    %swap3A_35 = vector.load %arg2[%swap3A, %swap3A_34] : memref<10000x128xf32, #tpu.memory_space<vmem>>, vector<10000x128xf32>
    tpu.vector_store %arg2[%swap3A, %swap3A_34], %mul3A_33 {strides = array<i32>} : memref<10000x128xf32, #tpu.memory_space<vmem>>, vector<10000x128xf32>,
    return
  }
}

module attributes {stable_mosaic.version = 14 : i64} {
  func.func @body(%arg0: memref<10000x128xf32, #tpu.memory_space<vmem>>, %arg1: memref<2x10000x128xf32, #tpu.memory_space<vmem>>, %arg2: memref<10000x128xf32, #tpu.memory_space<vmem>>, %arg3: memref<10000x1xf32, #tpu.memory_space<vmem>>) attributes {dimension_semantics = [], scalar_prefetch = 0 : i64, scratch_operands = 0 : i64, tpu.core_type = #tpu.core_type<tc>} {
    %get3A = arith.constant 0 : index
    %get3A_0 = arith.constant 0 : index
    %get3A_1 = arith.constant 0 : index
    %get3A_2 = vector.load %arg1[%get3A, %get3A_0, %get3A_1] : memref<2x10000x128xf32, #tpu.memory_space<vmem>>, vector<1x10000x1xf32>
    %get3A_3 = vector.shape_cast %get3A_2 : vector<1x10000x1xf32> to vector<10000x1xf32>
    %get3A_4 = arith.constant 1 : index
    %get3A_5 = arith.constant 0 : index
    %get3A_6 = arith.constant 0 : index
    %get3A_7 = vector.load %arg1[%get3A_4, %get3A_5, %get3A_6] : memref<2x10000x128xf32, #tpu.memory_space<vmem>>, vector<1x10000x1xf32>
    %get3A_8 = vector.shape_cast %get3A_7 : vector<1x10000x1xf32> to vector<10000x1xf32>
    %add3A = arith.addf %get3A_3, %get3A_8 : vector<10000x1xf32>
    %gt3A = arith.constant 0.000000e+00 : f32
    %gt3A_9 = vector.broadcast %gt3A : f32 to vector<10000x1xf32>
    %gt3A_10 = arith.cmpf ogt, %add3A, %gt3A_9 : vector<10000x1xf32>
    %max3A = arith.constant 1.000000e+00 : f32
    %max3A_11 = vector.broadcast %max3A : f32 to vector<10000x1xf32>
    %max3A_12 = arith.maximumf %add3A, %max3A_11 : vector<10000x1xf32>
    %rsqrt3A = math.rsqrt %max3A_12 : vector<10000x1xf32>
    %jit3A = arith.constant 0.000000e+00 : f32
    %broadcast_in_dim3A = vector.broadcast %jit3A : f32 to vector<10000x1xf32>
    %select_n3A = arith.select %gt3A_10, %rsqrt3A, %broadcast_in_dim3A : vector<10000x1xi1>, vector<10000x1xf32>
    %swap3A = arith.constant 0 : index
    %swap3A_13 = arith.constant 0 : index
    %swap3A_14 = vector.load %arg3[%swap3A, %swap3A_13] : memref<10000x1xf32, #tpu.memory_space<vmem>>, vector<10000x1xf32>
    tpu.vector_store %arg3[%swap3A, %swap3A_13], %select_n3A {strides = array<i32>} : memref<10000x1xf32, #tpu.memory_space<vmem>>, vector<10000x1xf32>,
    %get3A_15 = arith.constant 0 : index
    %get3A_16 = arith.constant 0 : index
    %get3A_17 = vector.load %arg0[%get3A_15, %get3A_16] : memref<10000x128xf32, #tpu.memory_space<vmem>>, vector<10000x128xf32>
    %mul3A = vector.broadcast %select_n3A : vector<10000x1xf32> to vector<10000x128xf32>
    %mul3A_18 = arith.mulf %get3A_17, %mul3A : vector<10000x128xf32>
    %swap3A_19 = arith.constant 0 : index
    %swap3A_20 = arith.constant 0 : index
    %swap3A_21 = vector.load %arg2[%swap3A_19, %swap3A_20] : memref<10000x128xf32, #tpu.memory_space<vmem>>, vector<10000x128xf32>
    tpu.vector_store %arg2[%swap3A_19, %swap3A_20], %mul3A_18 {strides = array<i32>} : memref<10000x128xf32, #tpu.memory_space<vmem>>, vector<10000x128xf32>,
    return
  }
}

module attributes {stable_mosaic.version = 14 : i64} {
  func.func @body(%arg0: memref<2x10000x128xf32, #tpu.memory_space<vmem>>, %arg1: memref<10000x1xf32, #tpu.memory_space<vmem>>, %arg2: memref<128x128xf32, #tpu.memory_space<vmem>>, %arg3: memref<1x128xf32, #tpu.memory_space<vmem>>, %arg4: memref<10000x128xf32, #tpu.memory_space<vmem>>) attributes {dimension_semantics = [], scalar_prefetch = 0 : i64, scratch_operands = 0 : i64, tpu.core_type = #tpu.core_type<tc>} {
    %get3A = arith.constant 0 : index
    %get3A_0 = arith.constant 0 : index
    %get3A_1 = arith.constant 0 : index
    %get3A_2 = vector.load %arg0[%get3A, %get3A_0, %get3A_1] : memref<2x10000x128xf32, #tpu.memory_space<vmem>>, vector<1x10000x128xf32>
    %get3A_3 = vector.shape_cast %get3A_2 : vector<1x10000x128xf32> to vector<10000x128xf32>
    %get3A_4 = arith.constant 1 : index
    %get3A_5 = arith.constant 0 : index
    %get3A_6 = arith.constant 0 : index
    %get3A_7 = vector.load %arg0[%get3A_4, %get3A_5, %get3A_6] : memref<2x10000x128xf32, #tpu.memory_space<vmem>>, vector<1x10000x128xf32>
    %get3A_8 = vector.shape_cast %get3A_7 : vector<1x10000x128xf32> to vector<10000x128xf32>
    %add3A = arith.addf %get3A_3, %get3A_8 : vector<10000x128xf32>
    %get3A_9 = arith.constant 0 : index
    %get3A_10 = arith.constant 0 : index
    %get3A_11 = vector.load %arg1[%get3A_9, %get3A_10] : memref<10000x1xf32, #tpu.memory_space<vmem>>, vector<10000x1xf32>
    %mul3A = vector.broadcast %get3A_11 : vector<10000x1xf32> to vector<10000x128xf32>
    %mul3A_12 = arith.mulf %add3A, %mul3A : vector<10000x128xf32>
    %reduce_sum3A = arith.constant dense<0.000000e+00> : vector<128xf32>
    %reduce_sum3A_13 = vector.multi_reduction <add>, %mul3A_12, %reduce_sum3A [0] : vector<10000x128xf32> to vector<128xf32>
    %broadcast_in_dim3A = vector.shape_cast %reduce_sum3A_13 : vector<128xf32> to vector<1x128xf32>
    %div3A = arith.constant 1.000000e+04 : f32
    %div3A_14 = vector.broadcast %div3A : f32 to vector<1x128xf32>
    %div3A_15 = arith.divf %broadcast_in_dim3A, %div3A_14 : vector<1x128xf32>
    %sub3A = vector.broadcast %div3A_15 : vector<1x128xf32> to vector<10000x128xf32>
    %sub3A_16 = arith.subf %mul3A_12, %sub3A : vector<10000x128xf32>
    %mul3A_17 = arith.mulf %sub3A_16, %sub3A_16 : vector<10000x128xf32>
    %reduce_sum3A_18 = arith.constant dense<0.000000e+00> : vector<128xf32>
    %reduce_sum3A_19 = vector.multi_reduction <add>, %mul3A_17, %reduce_sum3A_18 [0] : vector<10000x128xf32> to vector<128xf32>
    %broadcast_in_dim3A_20 = vector.shape_cast %reduce_sum3A_19 : vector<128xf32> to vector<1x128xf32>
    %div3A_21 = arith.constant 9.999000e+03 : f32
    %div3A_22 = vector.broadcast %div3A_21 : f32 to vector<1x128xf32>
    %div3A_23 = arith.divf %broadcast_in_dim3A_20, %div3A_22 : vector<1x128xf32>
    %sqrt3A = math.sqrt %div3A_23 : vector<1x128xf32>
    %add3A_24 = arith.constant 9.99999974E-6 : f32
    %add3A_25 = vector.broadcast %add3A_24 : f32 to vector<1x128xf32>
    %add3A_26 = arith.addf %sqrt3A, %add3A_25 : vector<1x128xf32>
    %div3A_27 = vector.broadcast %add3A_26 : vector<1x128xf32> to vector<10000x128xf32>
    %div3A_28 = arith.divf %sub3A_16, %div3A_27 : vector<10000x128xf32>
    %get3A_29 = arith.constant 0 : index
    %get3A_30 = arith.constant 0 : index
    %get3A_31 = vector.load %arg2[%get3A_29, %get3A_30] : memref<128x128xf32, #tpu.memory_space<vmem>>, vector<128x128xf32>
    %dot_general3A = arith.constant dense<0.000000e+00> : vector<10000x128xf32>
    %dot_general3A_32 = tpu.matmul %div3A_28, %get3A_31, %dot_general3A {dimension_numbers = #tpu.dot_dimension_numbers<[1], [0], [0], [1], [0, 0, 1, 1], [], []>, transpose_lhs_hint = false} : vector<10000x128xf32>, vector<128x128xf32>, vector<10000x128xf32> -> vector<10000x128xf32>
    %get3A_33 = arith.constant 0 : index
    %get3A_34 = arith.constant 0 : index
    %get3A_35 = vector.load %arg3[%get3A_33, %get3A_34] : memref<1x128xf32, #tpu.memory_space<vmem>>, vector<1x128xf32>
    %add3A_36 = vector.broadcast %get3A_35 : vector<1x128xf32> to vector<10000x128xf32>
    %add3A_37 = arith.addf %dot_general3A_32, %add3A_36 : vector<10000x128xf32>
    %swap3A = arith.constant 0 : index
    %swap3A_38 = arith.constant 0 : index
    %swap3A_39 = vector.load %arg4[%swap3A, %swap3A_38] : memref<10000x128xf32, #tpu.memory_space<vmem>>, vector<10000x128xf32>
    tpu.vector_store %arg4[%swap3A, %swap3A_38], %add3A_37 {strides = array<i32>} : memref<10000x128xf32, #tpu.memory_space<vmem>>, vector<10000x128xf32>,
    return
  }
}

</mosaic_0001>

<sc_bundles>
// kernel: kernel.11.cloned.1.call-start
scs
__scs_entry_jumppad:
0x0: {  	(pc) =	sbr.rel $0x88, $3  }
0x1: {  	(tag) =	ssettag $0x0;
	lr =	simm.s32 $0x1  }
0x2: {  	[smem:$0x3F9D] =	sst lr;
	_ =	strace $0xD0000000  }
0x3: {  	_ = 	snop  }
0x4: {  	_ = 	snop  }
0x5: {  	_ = 	snop  }
0x6: {  	_ = 	snop  }
0x7: {  	_ = 	snop  }
__scs_overlays_trampoline_lowered:
0x8: {  	[smem:$0x3FAC] =	sst s0  }
0x9: {  	[smem:$0x3FAD] =	sst s1  }
0xa: {  	[smem:$0x3FAE] =	sst s2  }
0xb: {  	[smem:$0x3FAF] =	sst s3  }
0xc: {  	[smem:$0x3FB0] =	sst s4  }
0xd: {  	[smem:$0x3FB1] =	sst s5  }
0xe: {  	[smem:$0x3FB2] =	sst s6  }
0xf: {  	[smem:$0x3FB3] =	sst s7  }
0x10: {  	[smem:$0x3FB4] =	sst s8  }
0x11: {  	[smem:$0x3FB5] =	sst s9;
	s0 =	simm.s32 @!p0 $0x0  }
0x12: {  	s1 =	sld [smem:$0x3F9B];
	s0 =	simm.s32 @p0 $0x1  }
0x13: {  	[smem:$0x3FB6] =	sst s0;
	s0 =	simm.s32 @!p1 $0x0  }
0x14: {  	s2 =	sld [smem:$0x3F9A];
	s0 =	simm.s32 @p1 $0x1  }
0x15: {  	[smem:$0x3FB7] =	sst s0;
	s0 =	simm.s32 @!p2 $0x0  }
0x16: {  	s3 =	sld [smem:$0x3FDB];
	s0 =	simm.s32 @p2 $0x1  }
0x17: {  	s4 =	simm.s32 $0x1BF5;
	[smem:$0x3FB9] =	sst s0  }
0x18: {  	s0 =	sld [smem:$0x3F9C];
	_ =	swait.ge [sflag:s4], $0x0  }
0x19: {  	s7 =	sld [smem:$0x3F9D]  }
0x1a: {  	s8 =	sadd.s32 $0xFFFFE003, lr  }
0x1b: {  	s9 =	sadd.s32 $0xFFFFFEF7, lr;
	s5 =	simm.s32 $0xFFFFFFFF;
	p2 =	slt.u32 s8, $0xFFFFF086  }
0x1c: {  	p1 =	slt.u32 s9, $0xF7A;
	s5 =	simm.s32 @!p2 $0x0  }
0x1d: {  	s5 =	simm.s32 @p1 $0x1;
	p0 =	seq.s32 s7, s2  }
0x1e: {  	s7 =	smul.u32 @!p0 $0xF7A, s2;
	p2 =	seq.s32 @!p0 s5, $0x0  }
0x1f: {  	s9 =	smul.u32 $0xF7A, s1;
	s8 =	simm.s32 @!p0 $0x1BF5;
	p2 =	por !p2, p0  }
0x20: {  	[sflag:s8] =	ssyncset.s32 @!p0 $0xFFFFF086;
	s6 =	sadd.s32 @!p0 s3, s7;
	s7 =	simm.s32 @!p0 $0x108  }
0x21: {  	s3 =	sadd.s32 s3, s9;
	s6 =	sadd.s32 @!p0 $0x88, s6;
	s7 =	simm.s32 @p2 $0x1082  }
0x22: {  	[simem:s7], [sflag:s8] =	dma.local @!p0 [hbm:s6], $0xF7A  }
0x23: {  	s9 =	sor.u32 $0xD0000000, s2;
	s6 =	simm.s32 $0x108;
	_ =	swait.ge @!p0 [sflag:s8], $0x0  }
0x24: {  	s3 =	sadd.s32 $0x88, s3;
	s6 =	simm.s32 @!p1 $0x1082;
	[sflag:s4] =	ssyncset.s32 $0xFFFFF086  }
0x25: {  	[simem:s6], [sflag:s4] =	dma.local [hbm:s3], $0xF7A  }
0x26: {  	[smem:$0x3F9D] =	sst s1;
	(tag) =	ssettag s2;
	_ =	strace s9  }
0x27: {  	s1 =	sld [smem:$0x3FAD]  }
0x28: {  	s2 =	sld [smem:$0x3FAE]  }
0x29: {  	s4 =	sld [smem:$0x3FB0]  }
0x2a: {  	p0 =	seq.s32 s5, $0x0;
	s5 =	sld [smem:$0x3FB1]  }
0x2b: {  	s6 =	sld [smem:$0x3FB2]  }
0x2c: {  	s7 =	sld [smem:$0x3FB3]  }
0x2d: {  	s3 =	simm.s32 $0x108;
	s8 =	sld [smem:$0x3FB4]  }
0x2e: {  	s3 =	simm.s32 @!p0 $0x1082;
	s9 =	sld [smem:$0x3FB5]  }
0x2f: {  	lr =	sadd.s32 s0, s3;
	s0 =	sld [smem:$0x3FAC]  }
0x30: {  	s3 =	sld [smem:$0x3FAF]  }
0x31: {  	[smem:$0x3FB8] =	sst s10  }
0x32: {  	s10 =	sld [smem:$0x3FB6];
	_ =	sdelay $0x3  }
0x33: {  	p0 =	seq.s32 s10, $0x1;
	s10 =	sld [smem:$0x3FB8];
	_ =	sdelay $0x3  }
0x34: {  	[smem:$0x3FB8] =	sst s10  }
0x35: {  	s10 =	sld [smem:$0x3FB7];
	_ =	sdelay $0x3  }
0x36: {  	p1 =	seq.s32 s10, $0x1;
	s10 =	sld [smem:$0x3FB8];
	_ =	sdelay $0x3  }
0x37: {  	[smem:$0x3FB8] =	sst s10  }
0x38: {  	s10 =	sld [smem:$0x3FB9]  }
0x39: {  	_ = 	snop;
	(pc) =	sbr.ind lr, $3  }
0x3a: {  	_ = 	snop  }
0x3b: {  	_ = 	snop  }
0x3c: {  	p2 =	seq.s32 s10, $0x1;
	s10 =	sld [smem:$0x3FB8]  }
0x3d: {  	_ =	shalt  }
0x3e: {  	_ =	shalt  }
0x3f: {  	_ =	shalt  }
0x40: {  	_ =	shalt  }
0x41: {  	_ =	shalt  }
0x42: {  	_ =	shalt  }
0x43: {  	_ =	shalt  }
0x44: {  	_ =	shalt  }
0x45: {  	_ =	shalt  }
0x46: {  	_ =	shalt  }
0x47: {  	_ =	shalt  }
0x48: {  	_ =	shalt  }
0x49: {  	_ =	shalt  }
0x4a: {  	_ =	shalt  }
0x4b: {  	_ =	shalt  }
0x4c: {  	_ =	shalt  }
0x4d: {  	_ =	shalt  }
0x4e: {  	_ =	shalt  }
0x4f: {  	_ =	shalt  }
0x50: {  	_ =	shalt  }
0x51: {  	_ =	shalt  }
0x52: {  	_ =	shalt  }
0x53: {  	_ =	shalt  }
0x54: {  	_ =	shalt  }
0x55: {  	_ =	shalt  }
0x56: {  	_ =	shalt  }
0x57: {  	_ =	shalt  }
0x58: {  	_ =	shalt  }
0x59: {  	_ =	shalt  }
0x5a: {  	_ =	shalt  }
0x5b: {  	_ =	shalt  }
0x5c: {  	_ =	shalt  }
0x5d: {  	_ =	shalt  }
0x5e: {  	_ =	shalt  }
0x5f: {  	_ =	shalt  }
0x60: {  	_ =	shalt  }
0x61: {  	_ =	shalt  }
0x62: {  	_ =	shalt  }
0x63: {  	_ =	shalt  }
0x64: {  	_ =	shalt  }
0x65: {  	_ =	shalt  }
0x66: {  	_ =	shalt  }
0x67: {  	_ =	shalt  }
0x68: {  	_ =	shalt  }
0x69: {  	_ =	shalt  }
0x6a: {  	_ =	shalt  }
0x6b: {  	_ =	shalt  }
0x6c: {  	_ =	shalt  }
0x6d: {  	_ =	shalt  }
0x6e: {  	_ =	shalt  }
0x6f: {  	_ =	shalt  }
0x70: {  	_ =	shalt  }
0x71: {  	_ =	shalt  }
0x72: {  	_ =	shalt  }
0x73: {  	_ =	shalt  }
0x74: {  	_ =	shalt  }
0x75: {  	_ =	shalt  }
0x76: {  	_ =	shalt  }
0x77: {  	_ =	shalt  }
0x78: {  	_ =	shalt  }
0x79: {  	_ =	shalt  }
0x7a: {  	_ =	shalt  }
0x7b: {  	_ =	shalt  }
0x7c: {  	_ =	shalt  }
0x7d: {  	_ =	shalt  }
0x7e: {  	_ =	shalt  }
0x7f: {  	_ =	shalt  }
0x80: {  	_ =	shalt  }
0x81: {  	_ =	shalt  }
0x82: {  	_ =	shalt  }
0x83: {  	_ =	shalt  }
0x84: {  	_ =	shalt  }
0x85: {  	_ =	shalt  }
0x86: {  	_ =	shalt  }
0x87: {  	_ =	shalt  }
.Lfunc_end0:
.L_simem_size_0:
called_computation.1_lowered:
.L_overlay_start_0:
0x88: {  	s2 =	sld [smem:$0x3FD9]  }
0x89: {  	s3 =	sld [smem:$0x3FFE];
	_ =	sdelay $0x1  }
0x8a: {  	s1 =	srdreg.scid  }
0x8b: {  	s0 =	sand.u32 $0x1, s1  }
0x8c: {  	s17 =	sshll.u32 s0, $0xA;
	s2 =	sadd.s32 s3, s2  }
0x8d: {  	s2 =	sadd.s32 s2, s17  }
0x8e: {  	[smem:$0x3FC4] =	sst s2  }
0x8f: {  	_ = 	snop  }
0x90: {  	s2 =	sld [smem:$0x3FD0];
	(tm) =	ssettm $0x1  }
0x91: {  	s18 =	sld [smem:$0x3FFB];
	_ =	sdelay $0x3  }
0x92: {  	_ =	strace s18  }
0x93: {  	s3 =	sld [smem:$0x3FFC];
	_ =	sdelay $0x3  }
0x94: {  	_ =	strace s3  }
0x95: {  	s3 =	sld [smem:$0x3FFD];
	_ =	sdelay $0x3  }
0x96: {  	_ =	strace s3  }
0x97: {  	_ =	strace $0x8FFFFFFF  }
0x98: {  	s19 =	sld [smem:$0x3FDB];
	_ =	sdelay $0x1  }
0x99: {  	s4 =	simm.s32 $_scs_section_size  }
0x9a: {  	s5 =	simm.s32 $_size__tile_overlayer_lowered;
	s6 =	simm.s32 $_tile_overlayer_lowered  }
0x9b: {  	s22 =	simm.s32 $0x1BFF;
	s21 =	sshll.u32 s6, $0x1;
	s3 =	sadd.s32 s4, s19  }
0x9c: {  	s7 =	simm.s32 $0x0;
	s20 =	sshll.u32 s5, $0x1;
	s5 =	sadd.s32 s21, s3  }
0x9d: {  	[timem:s7], [sflag:s22] =	dma.local [hbm:s5], s20  }
0x9e: {  	_ =	swait.ge [sflag:s22], s20  }
0x9f: {  	s4 =	ssub.s32 $0x0, s20;
	[sflag:s22] =	ssyncset.done $0x0  }
0xa0: {  	[sflag:s22] =	ssyncadd.s32 s4;
	_ =	sdelay $0x1  }
0xa1: {  	s23 =	simm.s32 $0x1B8B  }
0xa2: {  	_ =	swait.ge [sflag:s23], $0x1  }
0xa3: {  	[sflag:s23] =	ssyncset.done $0x0  }
0xa4: {  	s25 =	simm.s32 $0x1B8E;
	s24 =	sld [smem:$0x3FFE];
	[sflag:s23] =	ssyncadd.s32 $0xFFFFFFFF  }
0xa5: {  	s26 =	simm.s32 $execute0_lowered;
	[smem:$0x3FD2] =	sst s25  }
0xa6: {  	s5 =	sshll.u32 s26, $0x1;
	_ =	strace $0x80000049;
	[dreg:$0x1] =	wrdreg $0xFFFFFFFF  }
0xa7: {  	s28 =	simm.s32 $_size_execute0_lowered;
	s3 =	sadd.s32 s3, s5;
	[dreg:$0x0] =	wrdreg $0x0  }
0xa8: {  	s5 =	sshll.u32 s28, $0x1;
	[dreg:$0x2] =	wrdreg s3  }
0xa9: {  	[dreg:$0x3] =	wrdreg s5  }
0xaa: {  	[dreg:$0x4] =	wrdreg $0xC0  }
0xab: {  	_ =	task [dreg:s7], $0x5FFFF  }
0xac: {  	[dreg:$0x1] =	wrdreg $0xFFFFFFFF  }
0xad: {  	[dreg:$0x0] =	wrdreg $0x60  }
0xae: {  	[dreg:$0x2] =	wrdreg s2  }
0xaf: {  	[dreg:$0x3] =	wrdreg s24  }
0xb0: {  	[dreg:$0x4] =	wrdreg $0x66000  }
0xb1: {  	[dreg:$0x5] =	wrdreg $0x9  }
0xb2: {  	_ =	task.clear_ibuf [dreg:s7], $0x6FFFF;
	_ =	strace $0x90000049  }
0xb3: {  	s29 =	simm.s32 $0x9;
	_ =	strace $0x8000004B  }
0xb4: {  	_ =	swait.ge [sflag:s29], $0x1  }
0xb5: {  	[sflag:s29] =	ssyncadd.s32 $0xFFFFFFFF  }
0xb6: {  	_ =	strace $0x9000004B  }
0xb7: {  	_ =	sfence  }
0xb8: {  	s30 =	sld [smem:$0x0];
	_ =	sdelay $0x2  }
0xb9: {  	s31 =	sshll.u32 s1, $0xD;
	s1 =	sshrl.u32 s1, $0x2  }
0xba: {  	s3 =	sand.u32 $0x4000, s31;
	s1 =	sadd.s32 s1, s30  }
0xbb: {  	s0 =	sor.u32 s3, s0;
	s1 =	sshll.u32 s1, $0x11  }
0xbc: {  	s0 =	sor.u32 s1, s0  }
0xbd: {  	s0 =	sadd.s32 $0x8F2B, s0  }
0xbe: {  	[sflag:s0] =	ssyncadd.remote.s32 $0x1  }
0xbf: {  	_ =	sfence.sel $0xFFFF  }
0xc0: {  	[dreg:$0x0] =	wrdreg $0xFFFFFFFF;
	(pc) =	sbr.abs _section_cstart, $3  }
0xc1: {  	[dreg:$0x1] =	wrdreg $0xFFFFFFFF  }
0xc2: {  	_ =	task.clear_ibuf [dreg:s7], $0x2FFFF;
	_ =	strace $0x9FFFFFFF  }
0xc3: {  	(tm) =	ssettm $0x7FFFFFFF  }
tec
execute0_lowered:
.L_overlay_start_1:
0x0: {  	(tag) =	ssettag $0x1  }
0x1: {  	s1 =	rddreg [dreg:$0x0]  }
0x2: {  	s5 =	rddreg [dreg:$0x1]  }
0x3: {  	s0 =	srdreg.scid;
	s3 =	rddreg [dreg:$0x2]  }
0x4: {  	s2 =	rddreg [dreg:$0x3];
	s6 =	sand.u32 $0x1, s0  }
0x5: {  	s4 =	simm.s32 $0x0;
	s0 =	stileid.u32;
	s7 =	smul.u32 $0x27100, s6  }
0x6: {  	s15 =	simm.s32 $0xC8;
	s16 =	simm.s32 $0x200;
	s8 =	smul.u32 $0x2710, s0  }
0x7: {  	s17 =	simm.s32 $0x1;
	s18 =	simm.s32 $0x100;
	s28 =	smul.u32 $0x138800, s6  }
0x8: {  	[smem:$0x7FF] =	sst s4;
	s12 =	sadd.s32 $0x138800, s3;
	s9 =	smul.u32 $0x1F400, s0  }
0x9: {  	s19 =	simm.s32 $0x0;
	_ =	strace $0x8000004A;
	s29 =	smul.u32 $0x3E80, s0  }
0xa: {  	s6 =	ssub.s32 $0x2, s6;
	s30 =	smul.u32 $0x7D000, s0;
	p0 =	sgt.u32 s0, $0x9  }
0xb: {  	s11 =	sshrl.u32 s6, $0x1;
	p1 =	sne.s32 @p0 s0, $0xA;
	s14 =	sshll.u32 @!p0 s0, $0x6  }
0xc: {  	s7 =	sadd.s32 s8, s7;
	s8 =	sadd.s32 s9, s28;
	s11 =	ssub.s32 s6, s11  }
0xd: {  	s31 =	sshrl.u32 s30, $0x2;
	p1 =	por p1, !p0;
	s7 =	sshrl.u32 s7, $0x3  }
0xe: {  	s8 =	sshrl.u32 s8, $0x3;
	s13 =	sadd.s32 s31, s3;
	s10 =	sadd.s32 s7, s5  }
0xf: {  	s7 =	sadd.s32 s29, s5;
	s8 =	sadd.s32 s8, s5;
	s5 =	sadd.s32 $0x3C700, s5  }
0x10: {  	s13 =	sshrl.u32 @!p0 s13, $0x3;
	s6 =	sadd.s32 $0x15600, s7;
	s7 =	sadd.s32 $0x3C800, s8  }
0x11: {  	s8 =	smax.u32 s11, $0x1;
	s9 =	sadd.s32 $0xB800, s10;
	s10 =	sadd.s32 $0x1A00, s10  }
0x12: {  	s11 =	sshrl.u32 @!p1 s12, $0x3;
	s12 =	sor.u32 @!p0 $0x1C02, s14;
	s14 =	simm.s32 $0x2  }
.LBB2_1:
0x13: {  	s20 =	simm.s32 @!p1 $0x1E82  }
0x14: {  	[spmem:s11], [sflag:s20] =	dma.local @!p1 [hbm:s5], $0x100  }
0x15: {  	s20 =	simm.s32 @!p1 $0x2  }
0x16: {  	_ =	swait.ge @!p1 [sflag:s20], $0x100  }
0x17: {  	[sflag:s20] =	ssyncset.done @!p1 $0x0  }
0x18: {  	[sflag:s20] =	ssyncadd.s32 @!p1 $0xFFFFFF00;
	s20 =	simm.s32 @!p0 $0x2  }
0x19: {  	[spmem:s13], [sflag:s12] =	dma.local @!p0 [hbm:s6], $0x3E80  }
0x1a: {  	_ =	swait.ge @!p0 [sflag:s20], $0x3E80  }
0x1b: {  	[sflag:s20] =	ssyncset.done @!p0 $0x0  }
0x1c: {  	[sflag:s20] =	ssyncadd.s32 @!p0 $0xFFFFC180  }
0x1d: {  	s30 =	sadd.s32 $0x0, s10;
	[bflag:$0x0] =	sbarrier.arrive $0xFFFF  }
0x1e: {  	[tilespmem:s4], [sflag:$0x2] =	stream.linear.gather [hbm4b:s30+s4], $0xC8, $0x38;
	[tilespmem:$0x19F00] =	vst v63  }
0x1f: {  	_ =	swait.ge [sflag:s14], $0xC8  }
0x20: {  	[sflag:s14] =	ssyncset.done $0x0  }
0x21: {  	[sflag:s14] =	ssyncadd.s32 $0xFFFFFF38  }
0x22: {  	[tilespmem:s16], [sflag:$0x1] =	stream.indirect.gather [hbm4b:s1+s15], $0x80, s4, s15, $0xb8;
	[tilespmem:$0x19F00] =	vst v63  }
0x23: {  	_ =	swait.ge [sflag:s17], $0x6400  }
0x24: {  	[sflag:s17] =	ssyncset.done $0x0  }
0x25: {  	s31 =	sadd.s32 $0x0, s9;
	[sflag:s17] =	ssyncadd.s32 $0xFFFF9C00  }
0x26: {  	[tilespmem:s18], [sflag:$0x2] =	stream.linear.gather [hbm4b:s31+s4], $0xC8, $0x38;
	[tilespmem:$0x19F00] =	vst v63  }
0x27: {  	_ =	swait.ge [sflag:s14], $0xC8  }
0x28: {  	[sflag:s14] =	ssyncset.done $0x0  }
0x29: {  	[sflag:s14] =	ssyncadd.s32 $0xFFFFFF38  }
0x2a: {  	[spmem:s3] =	stream.indirect.scatter.add.f32 [tilespmem:s16], [sflag:$0x2], $0x80, s18, s15, $0xb8;
	[tilespmem:$0x19F00] =	vst v63  }
0x2b: {  	_ =	swait.ge [sflag:s14], $0x6400  }
0x2c: {  	s21 =	simm.s32 $0x32;
	s20 =	simm.s32 $0x19;
	[sflag:s14] =	ssyncset.done $0x0  }
.LBB2_2:
0x2d: {  	s22 =	sadd.s32 s20, s10  }
0x2e: {  	[sflag:s14] =	ssyncadd.s32 $0xFFFF9C00;
	s23 =	smov.u32 s21;
	s24 =	sadd.s32 $0x19, s21  }
0x2f: {  	[tilespmem:s4], [sflag:$0x2] =	stream.linear.gather [hbm4b:s22+s4], $0xC8, $0x38;
	[tilespmem:$0x19F00] =	vst v63  }
0x30: {  	p2 =	sne.s32 s21, $0x4C9;
	_ =	swait.ge [sflag:s14], $0xC8  }
0x31: {  	[sflag:s14] =	ssyncset.done $0x0  }
0x32: {  	[sflag:s14] =	ssyncadd.s32 $0xFFFFFF38  }
0x33: {  	[tilespmem:s16], [sflag:$0x1] =	stream.indirect.gather [hbm4b:s1+s15], $0x80, s4, s15, $0xb8;
	[tilespmem:$0x19F00] =	vst v63  }
0x34: {  	_ =	swait.ge [sflag:s17], $0x6400  }
0x35: {  	[sflag:s17] =	ssyncset.done $0x0  }
0x36: {  	s21 =	sadd.s32 s20, s9;
	s20 =	smov.u32 s23;
	[sflag:s17] =	ssyncadd.s32 $0xFFFF9C00  }
0x37: {  	[tilespmem:s18], [sflag:$0x2] =	stream.linear.gather [hbm4b:s21+s4], $0xC8, $0x38;
	[tilespmem:$0x19F00] =	vst v63  }
0x38: {  	_ =	swait.ge [sflag:s14], $0xC8  }
.Ltmp0:
0x39: {  	[sflag:s14] =	ssyncset.done $0x0;
	(pc) =	sbr.rel @p2 .LBB2_2-.Ltmp0, $4  }
0x3a: {  	[sflag:s14] =	ssyncadd.s32 $0xFFFFFF38  }
0x3b: {  	[spmem:s3] =	stream.indirect.scatter.add.f32 [tilespmem:s16], [sflag:$0x2], $0x80, s18, s15, $0xb8;
	[tilespmem:$0x19F00] =	vst v63  }
0x3c: {  	_ =	swait.ge [sflag:s14], $0x6400  }
0x3d: {  	s21 =	smov.u32 s24;
	[sflag:s14] =	ssyncset.done $0x0  }
0x3e: {  	s21 =	sadd.s32 s20, s10;
	[sflag:s14] =	ssyncadd.s32 $0xFFFF9C00  }
0x3f: {  	[tilespmem:s4], [sflag:$0x2] =	stream.linear.gather [hbm4b:s21+s4], $0xC8, $0x38;
	[tilespmem:$0x19F00] =	vst v63  }
0x40: {  	_ =	swait.ge [sflag:s14], $0xC8  }
0x41: {  	[sflag:s14] =	ssyncset.done $0x0  }
0x42: {  	[sflag:s14] =	ssyncadd.s32 $0xFFFFFF38  }
0x43: {  	[tilespmem:s16], [sflag:$0x1] =	stream.indirect.gather [hbm4b:s1+s15], $0x80, s4, s15, $0xb8;
	[tilespmem:$0x19F00] =	vst v63  }
0x44: {  	_ =	swait.ge [sflag:s17], $0x6400  }
0x45: {  	[sflag:s17] =	ssyncset.done $0x0  }
0x46: {  	s31 =	sadd.s32 s20, s9;
	[sflag:s17] =	ssyncadd.s32 $0xFFFF9C00  }
0x47: {  	[tilespmem:s18], [sflag:$0x2] =	stream.linear.gather [hbm4b:s31+s4], $0xC8, $0x38;
	[tilespmem:$0x19F00] =	vst v63  }
0x48: {  	_ =	swait.ge [sflag:s14], $0xC8  }
0x49: {  	[sflag:s14] =	ssyncset.done $0x0  }
0x4a: {  	[sflag:s14] =	ssyncadd.s32 $0xFFFFFF38  }
0x4b: {  	[spmem:s3] =	stream.indirect.scatter.add.f32 [tilespmem:s16], [sflag:$0x2], $0x80, s18, s15, $0xb8;
	[tilespmem:$0x19F00] =	vst v63  }
0x4c: {  	_ =	swait.ge [sflag:s14], $0x6400  }
0x4d: {  	s19 =	sadd.s32 $0x1, s19;
	[sflag:s14] =	ssyncset.done $0x0  }
0x4e: {  	p2 =	sne.s32 s19, s8;
	[sflag:s14] =	ssyncadd.s32 $0xFFFF9C00  }
.Ltmp1:
0x4f: {  	s20 =	simm.s32 @!p0 $0x2;
	[bflag:$0x0] =	sbarrier.arrive $0xFFFF;
	(pc) =	sbr.rel @p2 .LBB2_1-.Ltmp1, $4  }
0x50: {  	[hbm:s7], [sflag:s12] =	dma.local @!p0 [spmem:s13], $0x3E80  }
0x51: {  	_ =	swait.ge @!p0 [sflag:s20], $0x3E80  }
0x52: {  	[sflag:s20] =	ssyncset.done @!p0 $0x0  }
0x53: {  	[sflag:s20] =	ssyncadd.s32 @!p0 $0xFFFFC180  }
0x54: {  	_ =	sfence.sel $0x180000  }
0x55: {  	[bflag:$0x0] =	sbarrier.arrive $0xFFFF  }
0x56: {  	p0 =	sne.s32 s0, $0x0;
	_ =	strace $0x9000004A  }
0x57: {  	s0 =	sadd.s32 @!p0 $0x100000, s2;
	[bflag:$0x2] =	sbarrier.arrive $0xFFFF  }
0x58: {  	[sflag:s0] =	ssyncadd.tile.s32 @!p0 $0x1;
	_ =	shalt  }
.Lfunc_end2:
_tile_overlayer_lowered:
.L_overlay_start_2:
0x59: {  	(tag) =	ssettag $0x2  }
0x5a: {  	s0 =	rddreg [dreg:$0x0];
	s2 =	stileid.u32  }
0x5b: {  	s1 =	rddreg [dreg:$0x1];
	p0 =	sne.s32 s2, $0x0  }
0x5c: {  	s3 =	rddreg [dreg:$0x2];
	[bflag:$0x3] =	sbarrier.arrive $0xFFFF;
	s2 =	simm.s32 @!p0 $0x1C02  }
0x5d: {  	[timem:s3], [sflag:s2] =	dma.local @!p0 [hbm:s0], s1  }
0x5e: {  	s0 =	simm.s32 @!p0 $0x2  }
0x5f: {  	_ =	swait.ge @!p0 [sflag:s0], s1  }
0x60: {  	s1 =	ssub.s32 @!p0 $0x0, s1;
	[sflag:s0] =	ssyncset.done @!p0 $0x0  }
0x61: {  	[sflag:s0] =	ssyncadd.s32 @!p0 s1  }
0x62: {  	[bflag:$0x3] =	sbarrier.arrive $0xFFFF  }
0x63: {  	_ =	shalt  }

// kernel: kernel.14.cloned.1.call-start
scs
__scs_entry_jumppad:
0x0: {  	(pc) =	sbr.rel $0x88, $3  }
0x1: {  	(tag) =	ssettag $0x0;
	lr =	simm.s32 $0x1  }
0x2: {  	[smem:$0x3F9D] =	sst lr;
	_ =	strace $0xD0000000  }
0x3: {  	_ = 	snop  }
0x4: {  	_ = 	snop  }
0x5: {  	_ = 	snop  }
0x6: {  	_ = 	snop  }
0x7: {  	_ = 	snop  }
__scs_overlays_trampoline_lowered:
0x8: {  	[smem:$0x3FAC] =	sst s0  }
0x9: {  	[smem:$0x3FAD] =	sst s1  }
0xa: {  	[smem:$0x3FAE] =	sst s2  }
0xb: {  	[smem:$0x3FAF] =	sst s3  }
0xc: {  	[smem:$0x3FB0] =	sst s4  }
0xd: {  	[smem:$0x3FB1] =	sst s5  }
0xe: {  	[smem:$0x3FB2] =	sst s6  }
0xf: {  	[smem:$0x3FB3] =	sst s7  }
0x10: {  	[smem:$0x3FB4] =	sst s8  }
0x11: {  	[smem:$0x3FB5] =	sst s9;
	s0 =	simm.s32 @!p0 $0x0  }
0x12: {  	s1 =	sld [smem:$0x3F9B];
	s0 =	simm.s32 @p0 $0x1  }
0x13: {  	[smem:$0x3FB6] =	sst s0;
	s0 =	simm.s32 @!p1 $0x0  }
0x14: {  	s2 =	sld [smem:$0x3F9A];
	s0 =	simm.s32 @p1 $0x1  }
0x15: {  	[smem:$0x3FB7] =	sst s0;
	s0 =	simm.s32 @!p2 $0x0  }
0x16: {  	s3 =	sld [smem:$0x3FDB];
	s0 =	simm.s32 @p2 $0x1  }
0x17: {  	s4 =	simm.s32 $0x1BF5;
	[smem:$0x3FB9] =	sst s0  }
0x18: {  	s0 =	sld [smem:$0x3F9C];
	_ =	swait.ge [sflag:s4], $0x0  }
0x19: {  	s7 =	sld [smem:$0x3F9D]  }
0x1a: {  	s8 =	sadd.s32 $0xFFFFE003, lr  }
0x1b: {  	s9 =	sadd.s32 $0xFFFFFEF7, lr;
	s5 =	simm.s32 $0xFFFFFFFF;
	p2 =	slt.u32 s8, $0xFFFFF086  }
0x1c: {  	p1 =	slt.u32 s9, $0xF7A;
	s5 =	simm.s32 @!p2 $0x0  }
0x1d: {  	s5 =	simm.s32 @p1 $0x1;
	p0 =	seq.s32 s7, s2  }
0x1e: {  	s7 =	smul.u32 @!p0 $0xF7A, s2;
	p2 =	seq.s32 @!p0 s5, $0x0  }
0x1f: {  	s9 =	smul.u32 $0xF7A, s1;
	s8 =	simm.s32 @!p0 $0x1BF5;
	p2 =	por !p2, p0  }
0x20: {  	[sflag:s8] =	ssyncset.s32 @!p0 $0xFFFFF086;
	s6 =	sadd.s32 @!p0 s3, s7;
	s7 =	simm.s32 @!p0 $0x108  }
0x21: {  	s3 =	sadd.s32 s3, s9;
	s6 =	sadd.s32 @!p0 $0x88, s6;
	s7 =	simm.s32 @p2 $0x1082  }
0x22: {  	[simem:s7], [sflag:s8] =	dma.local @!p0 [hbm:s6], $0xF7A  }
0x23: {  	s9 =	sor.u32 $0xD0000000, s2;
	s6 =	simm.s32 $0x108;
	_ =	swait.ge @!p0 [sflag:s8], $0x0  }
0x24: {  	s3 =	sadd.s32 $0x88, s3;
	s6 =	simm.s32 @!p1 $0x1082;
	[sflag:s4] =	ssyncset.s32 $0xFFFFF086  }
0x25: {  	[simem:s6], [sflag:s4] =	dma.local [hbm:s3], $0xF7A  }
0x26: {  	[smem:$0x3F9D] =	sst s1;
	(tag) =	ssettag s2;
	_ =	strace s9  }
0x27: {  	s1 =	sld [smem:$0x3FAD]  }
0x28: {  	s2 =	sld [smem:$0x3FAE]  }
0x29: {  	s4 =	sld [smem:$0x3FB0]  }
0x2a: {  	p0 =	seq.s32 s5, $0x0;
	s5 =	sld [smem:$0x3FB1]  }
0x2b: {  	s6 =	sld [smem:$0x3FB2]  }
0x2c: {  	s7 =	sld [smem:$0x3FB3]  }
0x2d: {  	s3 =	simm.s32 $0x108;
	s8 =	sld [smem:$0x3FB4]  }
0x2e: {  	s3 =	simm.s32 @!p0 $0x1082;
	s9 =	sld [smem:$0x3FB5]  }
0x2f: {  	lr =	sadd.s32 s0, s3;
	s0 =	sld [smem:$0x3FAC]  }
0x30: {  	s3 =	sld [smem:$0x3FAF]  }
0x31: {  	[smem:$0x3FB8] =	sst s10  }
0x32: {  	s10 =	sld [smem:$0x3FB6];
	_ =	sdelay $0x3  }
0x33: {  	p0 =	seq.s32 s10, $0x1;
	s10 =	sld [smem:$0x3FB8];
	_ =	sdelay $0x3  }
0x34: {  	[smem:$0x3FB8] =	sst s10  }
0x35: {  	s10 =	sld [smem:$0x3FB7];
	_ =	sdelay $0x3  }
0x36: {  	p1 =	seq.s32 s10, $0x1;
	s10 =	sld [smem:$0x3FB8];
	_ =	sdelay $0x3  }
0x37: {  	[smem:$0x3FB8] =	sst s10  }
0x38: {  	s10 =	sld [smem:$0x3FB9]  }
0x39: {  	_ = 	snop;
	(pc) =	sbr.ind lr, $3  }
0x3a: {  	_ = 	snop  }
0x3b: {  	_ = 	snop  }
0x3c: {  	p2 =	seq.s32 s10, $0x1;
	s10 =	sld [smem:$0x3FB8]  }
0x3d: {  	_ =	shalt  }
0x3e: {  	_ =	shalt  }
0x3f: {  	_ =	shalt  }
0x40: {  	_ =	shalt  }
0x41: {  	_ =	shalt  }
0x42: {  	_ =	shalt  }
0x43: {  	_ =	shalt  }
0x44: {  	_ =	shalt  }
0x45: {  	_ =	shalt  }
0x46: {  	_ =	shalt  }
0x47: {  	_ =	shalt  }
0x48: {  	_ =	shalt  }
0x49: {  	_ =	shalt  }
0x4a: {  	_ =	shalt  }
0x4b: {  	_ =	shalt  }
0x4c: {  	_ =	shalt  }
0x4d: {  	_ =	shalt  }
0x4e: {  	_ =	shalt  }
0x4f: {  	_ =	shalt  }
0x50: {  	_ =	shalt  }
0x51: {  	_ =	shalt  }
0x52: {  	_ =	shalt  }
0x53: {  	_ =	shalt  }
0x54: {  	_ =	shalt  }
0x55: {  	_ =	shalt  }
0x56: {  	_ =	shalt  }
0x57: {  	_ =	shalt  }
0x58: {  	_ =	shalt  }
0x59: {  	_ =	shalt  }
0x5a: {  	_ =	shalt  }
0x5b: {  	_ =	shalt  }
0x5c: {  	_ =	shalt  }
0x5d: {  	_ =	shalt  }
0x5e: {  	_ =	shalt  }
0x5f: {  	_ =	shalt  }
0x60: {  	_ =	shalt  }
0x61: {  	_ =	shalt  }
0x62: {  	_ =	shalt  }
0x63: {  	_ =	shalt  }
0x64: {  	_ =	shalt  }
0x65: {  	_ =	shalt  }
0x66: {  	_ =	shalt  }
0x67: {  	_ =	shalt  }
0x68: {  	_ =	shalt  }
0x69: {  	_ =	shalt  }
0x6a: {  	_ =	shalt  }
0x6b: {  	_ =	shalt  }
0x6c: {  	_ =	shalt  }
0x6d: {  	_ =	shalt  }
0x6e: {  	_ =	shalt  }
0x6f: {  	_ =	shalt  }
0x70: {  	_ =	shalt  }
0x71: {  	_ =	shalt  }
0x72: {  	_ =	shalt  }
0x73: {  	_ =	shalt  }
0x74: {  	_ =	shalt  }
0x75: {  	_ =	shalt  }
0x76: {  	_ =	shalt  }
0x77: {  	_ =	shalt  }
0x78: {  	_ =	shalt  }
0x79: {  	_ =	shalt  }
0x7a: {  	_ =	shalt  }
0x7b: {  	_ =	shalt  }
0x7c: {  	_ =	shalt  }
0x7d: {  	_ =	shalt  }
0x7e: {  	_ =	shalt  }
0x7f: {  	_ =	shalt  }
0x80: {  	_ =	shalt  }
0x81: {  	_ =	shalt  }
0x82: {  	_ =	shalt  }
0x83: {  	_ =	shalt  }
0x84: {  	_ =	shalt  }
0x85: {  	_ =	shalt  }
0x86: {  	_ =	shalt  }
0x87: {  	_ =	shalt  }
.Lfunc_end0:
.L_simem_size_0:
called_computation.2_lowered:
.L_overlay_start_0:
0x88: {  	s2 =	sld [smem:$0x3FD9]  }
0x89: {  	s3 =	sld [smem:$0x3FFE];
	_ =	sdelay $0x1  }
0x8a: {  	s1 =	srdreg.scid  }
0x8b: {  	s0 =	sand.u32 $0x1, s1  }
0x8c: {  	s17 =	sshll.u32 s0, $0xA;
	s2 =	sadd.s32 s3, s2  }
0x8d: {  	s2 =	sadd.s32 s2, s17  }
0x8e: {  	[smem:$0x3FC4] =	sst s2  }
0x8f: {  	_ = 	snop  }
0x90: {  	s2 =	sld [smem:$0x3FD0];
	(tm) =	ssettm $0x1  }
0x91: {  	s18 =	sld [smem:$0x3FFB];
	_ =	sdelay $0x3  }
0x92: {  	_ =	strace s18  }
0x93: {  	s3 =	sld [smem:$0x3FFC];
	_ =	sdelay $0x3  }
0x94: {  	_ =	strace s3  }
0x95: {  	s3 =	sld [smem:$0x3FFD];
	_ =	sdelay $0x3  }
0x96: {  	_ =	strace s3  }
0x97: {  	_ =	strace $0x8FFFFFFF  }
0x98: {  	s19 =	sld [smem:$0x3FDB];
	_ =	sdelay $0x1  }
0x99: {  	s4 =	simm.s32 $_scs_section_size  }
0x9a: {  	s5 =	simm.s32 $_size__tile_overlayer_lowered;
	s6 =	simm.s32 $_tile_overlayer_lowered  }
0x9b: {  	s22 =	simm.s32 $0x1BFF;
	s21 =	sshll.u32 s6, $0x1;
	s3 =	sadd.s32 s4, s19  }
0x9c: {  	s7 =	simm.s32 $0x0;
	s20 =	sshll.u32 s5, $0x1;
	s5 =	sadd.s32 s21, s3  }
0x9d: {  	[timem:s7], [sflag:s22] =	dma.local [hbm:s5], s20  }
0x9e: {  	_ =	swait.ge [sflag:s22], s20  }
0x9f: {  	s4 =	ssub.s32 $0x0, s20;
	[sflag:s22] =	ssyncset.done $0x0  }
0xa0: {  	[sflag:s22] =	ssyncadd.s32 s4;
	_ =	sdelay $0x1  }
0xa1: {  	s23 =	simm.s32 $0x1B8B  }
0xa2: {  	_ =	swait.ge [sflag:s23], $0x1  }
0xa3: {  	[sflag:s23] =	ssyncset.done $0x0  }
0xa4: {  	s25 =	simm.s32 $0x1B8E;
	s24 =	sld [smem:$0x3FFE];
	[sflag:s23] =	ssyncadd.s32 $0xFFFFFFFF  }
0xa5: {  	s26 =	simm.s32 $execute0_lowered;
	[smem:$0x3FD2] =	sst s25  }
0xa6: {  	s5 =	sshll.u32 s26, $0x1;
	_ =	strace $0x8000004C;
	[dreg:$0x1] =	wrdreg $0xFFFFFFFF  }
0xa7: {  	s28 =	simm.s32 $_size_execute0_lowered;
	s3 =	sadd.s32 s3, s5;
	[dreg:$0x0] =	wrdreg $0x0  }
0xa8: {  	s5 =	sshll.u32 s28, $0x1;
	[dreg:$0x2] =	wrdreg s3  }
0xa9: {  	[dreg:$0x3] =	wrdreg s5  }
0xaa: {  	[dreg:$0x4] =	wrdreg $0xC0  }
0xab: {  	_ =	task [dreg:s7], $0x5FFFF  }
0xac: {  	[dreg:$0x1] =	wrdreg $0xFFFFFFFF  }
0xad: {  	[dreg:$0x0] =	wrdreg $0x60  }
0xae: {  	[dreg:$0x2] =	wrdreg s2  }
0xaf: {  	[dreg:$0x3] =	wrdreg s24  }
0xb0: {  	[dreg:$0x4] =	wrdreg $0x66000  }
0xb1: {  	[dreg:$0x5] =	wrdreg $0x9  }
0xb2: {  	_ =	task.clear_ibuf [dreg:s7], $0x6FFFF;
	_ =	strace $0x9000004C  }
0xb3: {  	s29 =	simm.s32 $0x9;
	_ =	strace $0x8000004E  }
0xb4: {  	_ =	swait.ge [sflag:s29], $0x1  }
0xb5: {  	[sflag:s29] =	ssyncadd.s32 $0xFFFFFFFF  }
0xb6: {  	_ =	strace $0x9000004E  }
0xb7: {  	_ =	sfence  }
0xb8: {  	s30 =	sld [smem:$0x0];
	_ =	sdelay $0x2  }
0xb9: {  	s31 =	sshll.u32 s1, $0xD;
	s1 =	sshrl.u32 s1, $0x2  }
0xba: {  	s3 =	sand.u32 $0x4000, s31;
	s1 =	sadd.s32 s1, s30  }
0xbb: {  	s0 =	sor.u32 s3, s0;
	s1 =	sshll.u32 s1, $0x11  }
0xbc: {  	s0 =	sor.u32 s1, s0  }
0xbd: {  	s0 =	sadd.s32 $0x8F2B, s0  }
0xbe: {  	[sflag:s0] =	ssyncadd.remote.s32 $0x1  }
0xbf: {  	_ =	sfence.sel $0xFFFF  }
0xc0: {  	[dreg:$0x0] =	wrdreg $0xFFFFFFFF;
	(pc) =	sbr.abs _section_cstart, $3  }
0xc1: {  	[dreg:$0x1] =	wrdreg $0xFFFFFFFF  }
0xc2: {  	_ =	task.clear_ibuf [dreg:s7], $0x2FFFF;
	_ =	strace $0x9FFFFFFF  }
0xc3: {  	(tm) =	ssettm $0x7FFFFFFF  }
tec
execute0_lowered:
.L_overlay_start_1:
0x0: {  	(tag) =	ssettag $0x1  }
0x1: {  	s1 =	rddreg [dreg:$0x0]  }
0x2: {  	s5 =	rddreg [dreg:$0x1]  }
0x3: {  	s0 =	srdreg.scid;
	s3 =	rddreg [dreg:$0x2]  }
0x4: {  	s2 =	rddreg [dreg:$0x3];
	s6 =	sand.u32 $0x1, s0  }
0x5: {  	s4 =	simm.s32 $0x0;
	s0 =	stileid.u32;
	s7 =	smul.u32 $0x27100, s6  }
0x6: {  	s15 =	simm.s32 $0xC8;
	s16 =	simm.s32 $0x200;
	s8 =	smul.u32 $0x2710, s0  }
0x7: {  	s17 =	simm.s32 $0x1;
	s18 =	simm.s32 $0x100;
	s28 =	smul.u32 $0x138800, s6  }
0x8: {  	[smem:$0x7FF] =	sst s4;
	s12 =	sadd.s32 $0x138800, s3;
	s9 =	smul.u32 $0x1F400, s0  }
0x9: {  	s19 =	simm.s32 $0x0;
	_ =	strace $0x8000004D;
	s29 =	smul.u32 $0x3E80, s0  }
0xa: {  	s6 =	ssub.s32 $0x2, s6;
	s30 =	smul.u32 $0x7D000, s0;
	p0 =	sgt.u32 s0, $0x9  }
0xb: {  	s11 =	sshrl.u32 s6, $0x1;
	p1 =	sne.s32 @p0 s0, $0xA;
	s14 =	sshll.u32 @!p0 s0, $0x6  }
0xc: {  	s7 =	sadd.s32 s8, s7;
	s8 =	sadd.s32 s9, s28;
	s11 =	ssub.s32 s6, s11  }
0xd: {  	s31 =	sshrl.u32 s30, $0x2;
	p1 =	por p1, !p0;
	s7 =	sshrl.u32 s7, $0x3  }
0xe: {  	s8 =	sshrl.u32 s8, $0x3;
	s13 =	sadd.s32 s31, s3;
	s10 =	sadd.s32 s7, s5  }
0xf: {  	s7 =	sadd.s32 s29, s5;
	s8 =	sadd.s32 s8, s5;
	s5 =	sadd.s32 $0x3C700, s5  }
0x10: {  	s13 =	sshrl.u32 @!p0 s13, $0x3;
	s6 =	sadd.s32 $0x15600, s7;
	s7 =	sadd.s32 $0x3C800, s8  }
0x11: {  	s8 =	smax.u32 s11, $0x1;
	s9 =	sadd.s32 $0xB800, s10;
	s10 =	sadd.s32 $0x1A00, s10  }
0x12: {  	s11 =	sshrl.u32 @!p1 s12, $0x3;
	s12 =	sor.u32 @!p0 $0x1C02, s14;
	s14 =	simm.s32 $0x2  }
.LBB2_1:
0x13: {  	s20 =	simm.s32 @!p1 $0x1E82  }
0x14: {  	[spmem:s11], [sflag:s20] =	dma.local @!p1 [hbm:s5], $0x100  }
0x15: {  	s20 =	simm.s32 @!p1 $0x2  }
0x16: {  	_ =	swait.ge @!p1 [sflag:s20], $0x100  }
0x17: {  	[sflag:s20] =	ssyncset.done @!p1 $0x0  }
0x18: {  	[sflag:s20] =	ssyncadd.s32 @!p1 $0xFFFFFF00;
	s20 =	simm.s32 @!p0 $0x2  }
0x19: {  	[spmem:s13], [sflag:s12] =	dma.local @!p0 [hbm:s6], $0x3E80  }
0x1a: {  	_ =	swait.ge @!p0 [sflag:s20], $0x3E80  }
0x1b: {  	[sflag:s20] =	ssyncset.done @!p0 $0x0  }
0x1c: {  	[sflag:s20] =	ssyncadd.s32 @!p0 $0xFFFFC180  }
0x1d: {  	s30 =	sadd.s32 $0x0, s10;
	[bflag:$0x0] =	sbarrier.arrive $0xFFFF  }
0x1e: {  	[tilespmem:s4], [sflag:$0x2] =	stream.linear.gather [hbm4b:s30+s4], $0xC8, $0x38;
	[tilespmem:$0x19F00] =	vst v63  }
0x1f: {  	_ =	swait.ge [sflag:s14], $0xC8  }
0x20: {  	[sflag:s14] =	ssyncset.done $0x0  }
0x21: {  	[sflag:s14] =	ssyncadd.s32 $0xFFFFFF38  }
0x22: {  	[tilespmem:s16], [sflag:$0x1] =	stream.indirect.gather [hbm4b:s1+s15], $0x80, s4, s15, $0xb8;
	[tilespmem:$0x19F00] =	vst v63  }
0x23: {  	_ =	swait.ge [sflag:s17], $0x6400  }
0x24: {  	[sflag:s17] =	ssyncset.done $0x0  }
0x25: {  	s31 =	sadd.s32 $0x0, s9;
	[sflag:s17] =	ssyncadd.s32 $0xFFFF9C00  }
0x26: {  	[tilespmem:s18], [sflag:$0x2] =	stream.linear.gather [hbm4b:s31+s4], $0xC8, $0x38;
	[tilespmem:$0x19F00] =	vst v63  }
0x27: {  	_ =	swait.ge [sflag:s14], $0xC8  }
0x28: {  	[sflag:s14] =	ssyncset.done $0x0  }
0x29: {  	[sflag:s14] =	ssyncadd.s32 $0xFFFFFF38  }
0x2a: {  	[spmem:s3] =	stream.indirect.scatter.add.f32 [tilespmem:s16], [sflag:$0x2], $0x80, s18, s15, $0xb8;
	[tilespmem:$0x19F00] =	vst v63  }
0x2b: {  	_ =	swait.ge [sflag:s14], $0x6400  }
0x2c: {  	s21 =	simm.s32 $0x32;
	s20 =	simm.s32 $0x19;
	[sflag:s14] =	ssyncset.done $0x0  }
.LBB2_2:
0x2d: {  	s22 =	sadd.s32 s20, s10  }
0x2e: {  	[sflag:s14] =	ssyncadd.s32 $0xFFFF9C00;
	s23 =	smov.u32 s21;
	s24 =	sadd.s32 $0x19, s21  }
0x2f: {  	[tilespmem:s4], [sflag:$0x2] =	stream.linear.gather [hbm4b:s22+s4], $0xC8, $0x38;
	[tilespmem:$0x19F00] =	vst v63  }
0x30: {  	p2 =	sne.s32 s21, $0x4C9;
	_ =	swait.ge [sflag:s14], $0xC8  }
0x31: {  	[sflag:s14] =	ssyncset.done $0x0  }
0x32: {  	[sflag:s14] =	ssyncadd.s32 $0xFFFFFF38  }
0x33: {  	[tilespmem:s16], [sflag:$0x1] =	stream.indirect.gather [hbm4b:s1+s15], $0x80, s4, s15, $0xb8;
	[tilespmem:$0x19F00] =	vst v63  }
0x34: {  	_ =	swait.ge [sflag:s17], $0x6400  }
0x35: {  	[sflag:s17] =	ssyncset.done $0x0  }
0x36: {  	s21 =	sadd.s32 s20, s9;
	s20 =	smov.u32 s23;
	[sflag:s17] =	ssyncadd.s32 $0xFFFF9C00  }
0x37: {  	[tilespmem:s18], [sflag:$0x2] =	stream.linear.gather [hbm4b:s21+s4], $0xC8, $0x38;
	[tilespmem:$0x19F00] =	vst v63  }
0x38: {  	_ =	swait.ge [sflag:s14], $0xC8  }
.Ltmp0:
0x39: {  	[sflag:s14] =	ssyncset.done $0x0;
	(pc) =	sbr.rel @p2 .LBB2_2-.Ltmp0, $4  }
0x3a: {  	[sflag:s14] =	ssyncadd.s32 $0xFFFFFF38  }
0x3b: {  	[spmem:s3] =	stream.indirect.scatter.add.f32 [tilespmem:s16], [sflag:$0x2], $0x80, s18, s15, $0xb8;
	[tilespmem:$0x19F00] =	vst v63  }
0x3c: {  	_ =	swait.ge [sflag:s14], $0x6400  }
0x3d: {  	s21 =	smov.u32 s24;
	[sflag:s14] =	ssyncset.done $0x0  }
0x3e: {  	s21 =	sadd.s32 s20, s10;
	[sflag:s14] =	ssyncadd.s32 $0xFFFF9C00  }
0x3f: {  	[tilespmem:s4], [sflag:$0x2] =	stream.linear.gather [hbm4b:s21+s4], $0xC8, $0x38;
	[tilespmem:$0x19F00] =	vst v63  }
0x40: {  	_ =	swait.ge [sflag:s14], $0xC8  }
0x41: {  	[sflag:s14] =	ssyncset.done $0x0  }
0x42: {  	[sflag:s14] =	ssyncadd.s32 $0xFFFFFF38  }
0x43: {  	[tilespmem:s16], [sflag:$0x1] =	stream.indirect.gather [hbm4b:s1+s15], $0x80, s4, s15, $0xb8;
	[tilespmem:$0x19F00] =	vst v63  }
0x44: {  	_ =	swait.ge [sflag:s17], $0x6400  }
0x45: {  	[sflag:s17] =	ssyncset.done $0x0  }
0x46: {  	s31 =	sadd.s32 s20, s9;
	[sflag:s17] =	ssyncadd.s32 $0xFFFF9C00  }
0x47: {  	[tilespmem:s18], [sflag:$0x2] =	stream.linear.gather [hbm4b:s31+s4], $0xC8, $0x38;
	[tilespmem:$0x19F00] =	vst v63  }
0x48: {  	_ =	swait.ge [sflag:s14], $0xC8  }
0x49: {  	[sflag:s14] =	ssyncset.done $0x0  }
0x4a: {  	[sflag:s14] =	ssyncadd.s32 $0xFFFFFF38  }
0x4b: {  	[spmem:s3] =	stream.indirect.scatter.add.f32 [tilespmem:s16], [sflag:$0x2], $0x80, s18, s15, $0xb8;
	[tilespmem:$0x19F00] =	vst v63  }
0x4c: {  	_ =	swait.ge [sflag:s14], $0x6400  }
0x4d: {  	s19 =	sadd.s32 $0x1, s19;
	[sflag:s14] =	ssyncset.done $0x0  }
0x4e: {  	p2 =	sne.s32 s19, s8;
	[sflag:s14] =	ssyncadd.s32 $0xFFFF9C00  }
.Ltmp1:
0x4f: {  	s20 =	simm.s32 @!p0 $0x2;
	[bflag:$0x0] =	sbarrier.arrive $0xFFFF;
	(pc) =	sbr.rel @p2 .LBB2_1-.Ltmp1, $4  }
0x50: {  	[hbm:s7], [sflag:s12] =	dma.local @!p0 [spmem:s13], $0x3E80  }
0x51: {  	_ =	swait.ge @!p0 [sflag:s20], $0x3E80  }
0x52: {  	[sflag:s20] =	ssyncset.done @!p0 $0x0  }
0x53: {  	[sflag:s20] =	ssyncadd.s32 @!p0 $0xFFFFC180  }
0x54: {  	_ =	sfence.sel $0x180000  }
0x55: {  	[bflag:$0x0] =	sbarrier.arrive $0xFFFF  }
0x56: {  	p0 =	sne.s32 s0, $0x0;
	_ =	strace $0x9000004D  }
0x57: {  	s0 =	sadd.s32 @!p0 $0x100000, s2;
	[bflag:$0x2] =	sbarrier.arrive $0xFFFF  }
0x58: {  	[sflag:s0] =	ssyncadd.tile.s32 @!p0 $0x1;
	_ =	shalt  }
.Lfunc_end2:
_tile_overlayer_lowered:
.L_overlay_start_2:
0x59: {  	(tag) =	ssettag $0x2  }
0x5a: {  	s0 =	rddreg [dreg:$0x0];
	s2 =	stileid.u32  }
0x5b: {  	s1 =	rddreg [dreg:$0x1];
	p0 =	sne.s32 s2, $0x0  }
0x5c: {  	s3 =	rddreg [dreg:$0x2];
	[bflag:$0x3] =	sbarrier.arrive $0xFFFF;
	s2 =	simm.s32 @!p0 $0x1C02  }
0x5d: {  	[timem:s3], [sflag:s2] =	dma.local @!p0 [hbm:s0], s1  }
0x5e: {  	s0 =	simm.s32 @!p0 $0x2  }
0x5f: {  	_ =	swait.ge @!p0 [sflag:s0], s1  }
0x60: {  	s1 =	ssub.s32 @!p0 $0x0, s1;
	[sflag:s0] =	ssyncset.done @!p0 $0x0  }
0x61: {  	[sflag:s0] =	ssyncadd.s32 @!p0 s1  }
0x62: {  	[bflag:$0x3] =	sbarrier.arrive $0xFFFF  }
0x63: {  	_ =	shalt  }

// kernel: kernel.8.cloned.1.call-start
scs
__scs_entry_jumppad:
0x0: {  	(pc) =	sbr.rel $0x88, $3  }
0x1: {  	(tag) =	ssettag $0x0;
	lr =	simm.s32 $0x1  }
0x2: {  	[smem:$0x3F9D] =	sst lr;
	_ =	strace $0xD0000000  }
0x3: {  	_ = 	snop  }
0x4: {  	_ = 	snop  }
0x5: {  	_ = 	snop  }
0x6: {  	_ = 	snop  }
0x7: {  	_ = 	snop  }
__scs_overlays_trampoline_lowered:
0x8: {  	[smem:$0x3FAC] =	sst s0  }
0x9: {  	[smem:$0x3FAD] =	sst s1  }
0xa: {  	[smem:$0x3FAE] =	sst s2  }
0xb: {  	[smem:$0x3FAF] =	sst s3  }
0xc: {  	[smem:$0x3FB0] =	sst s4  }
0xd: {  	[smem:$0x3FB1] =	sst s5  }
0xe: {  	[smem:$0x3FB2] =	sst s6  }
0xf: {  	[smem:$0x3FB3] =	sst s7  }
0x10: {  	[smem:$0x3FB4] =	sst s8  }
0x11: {  	[smem:$0x3FB5] =	sst s9;
	s0 =	simm.s32 @!p0 $0x0  }
0x12: {  	s1 =	sld [smem:$0x3F9B];
	s0 =	simm.s32 @p0 $0x1  }
0x13: {  	[smem:$0x3FB6] =	sst s0;
	s0 =	simm.s32 @!p1 $0x0  }
0x14: {  	s2 =	sld [smem:$0x3F9A];
	s0 =	simm.s32 @p1 $0x1  }
0x15: {  	[smem:$0x3FB7] =	sst s0;
	s0 =	simm.s32 @!p2 $0x0  }
0x16: {  	s3 =	sld [smem:$0x3FDB];
	s0 =	simm.s32 @p2 $0x1  }
0x17: {  	s4 =	simm.s32 $0x1BF5;
	[smem:$0x3FB9] =	sst s0  }
0x18: {  	s0 =	sld [smem:$0x3F9C];
	_ =	swait.ge [sflag:s4], $0x0  }
0x19: {  	s7 =	sld [smem:$0x3F9D]  }
0x1a: {  	s8 =	sadd.s32 $0xFFFFE003, lr  }
0x1b: {  	s9 =	sadd.s32 $0xFFFFFEF7, lr;
	s5 =	simm.s32 $0xFFFFFFFF;
	p2 =	slt.u32 s8, $0xFFFFF086  }
0x1c: {  	p1 =	slt.u32 s9, $0xF7A;
	s5 =	simm.s32 @!p2 $0x0  }
0x1d: {  	s5 =	simm.s32 @p1 $0x1;
	p0 =	seq.s32 s7, s2  }
0x1e: {  	s7 =	smul.u32 @!p0 $0xF7A, s2;
	p2 =	seq.s32 @!p0 s5, $0x0  }
0x1f: {  	s9 =	smul.u32 $0xF7A, s1;
	s8 =	simm.s32 @!p0 $0x1BF5;
	p2 =	por !p2, p0  }
0x20: {  	[sflag:s8] =	ssyncset.s32 @!p0 $0xFFFFF086;
	s6 =	sadd.s32 @!p0 s3, s7;
	s7 =	simm.s32 @!p0 $0x108  }
0x21: {  	s3 =	sadd.s32 s3, s9;
	s6 =	sadd.s32 @!p0 $0x88, s6;
	s7 =	simm.s32 @p2 $0x1082  }
0x22: {  	[simem:s7], [sflag:s8] =	dma.local @!p0 [hbm:s6], $0xF7A  }
0x23: {  	s9 =	sor.u32 $0xD0000000, s2;
	s6 =	simm.s32 $0x108;
	_ =	swait.ge @!p0 [sflag:s8], $0x0  }
0x24: {  	s3 =	sadd.s32 $0x88, s3;
	s6 =	simm.s32 @!p1 $0x1082;
	[sflag:s4] =	ssyncset.s32 $0xFFFFF086  }
0x25: {  	[simem:s6], [sflag:s4] =	dma.local [hbm:s3], $0xF7A  }
0x26: {  	[smem:$0x3F9D] =	sst s1;
	(tag) =	ssettag s2;
	_ =	strace s9  }
0x27: {  	s1 =	sld [smem:$0x3FAD]  }
0x28: {  	s2 =	sld [smem:$0x3FAE]  }
0x29: {  	s4 =	sld [smem:$0x3FB0]  }
0x2a: {  	p0 =	seq.s32 s5, $0x0;
	s5 =	sld [smem:$0x3FB1]  }
0x2b: {  	s6 =	sld [smem:$0x3FB2]  }
0x2c: {  	s7 =	sld [smem:$0x3FB3]  }
0x2d: {  	s3 =	simm.s32 $0x108;
	s8 =	sld [smem:$0x3FB4]  }
0x2e: {  	s3 =	simm.s32 @!p0 $0x1082;
	s9 =	sld [smem:$0x3FB5]  }
0x2f: {  	lr =	sadd.s32 s0, s3;
	s0 =	sld [smem:$0x3FAC]  }
0x30: {  	s3 =	sld [smem:$0x3FAF]  }
0x31: {  	[smem:$0x3FB8] =	sst s10  }
0x32: {  	s10 =	sld [smem:$0x3FB6];
	_ =	sdelay $0x3  }
0x33: {  	p0 =	seq.s32 s10, $0x1;
	s10 =	sld [smem:$0x3FB8];
	_ =	sdelay $0x3  }
0x34: {  	[smem:$0x3FB8] =	sst s10  }
0x35: {  	s10 =	sld [smem:$0x3FB7];
	_ =	sdelay $0x3  }
0x36: {  	p1 =	seq.s32 s10, $0x1;
	s10 =	sld [smem:$0x3FB8];
	_ =	sdelay $0x3  }
0x37: {  	[smem:$0x3FB8] =	sst s10  }
0x38: {  	s10 =	sld [smem:$0x3FB9]  }
0x39: {  	_ = 	snop;
	(pc) =	sbr.ind lr, $3  }
0x3a: {  	_ = 	snop  }
0x3b: {  	_ = 	snop  }
0x3c: {  	p2 =	seq.s32 s10, $0x1;
	s10 =	sld [smem:$0x3FB8]  }
0x3d: {  	_ =	shalt  }
0x3e: {  	_ =	shalt  }
0x3f: {  	_ =	shalt  }
0x40: {  	_ =	shalt  }
0x41: {  	_ =	shalt  }
0x42: {  	_ =	shalt  }
0x43: {  	_ =	shalt  }
0x44: {  	_ =	shalt  }
0x45: {  	_ =	shalt  }
0x46: {  	_ =	shalt  }
0x47: {  	_ =	shalt  }
0x48: {  	_ =	shalt  }
0x49: {  	_ =	shalt  }
0x4a: {  	_ =	shalt  }
0x4b: {  	_ =	shalt  }
0x4c: {  	_ =	shalt  }
0x4d: {  	_ =	shalt  }
0x4e: {  	_ =	shalt  }
0x4f: {  	_ =	shalt  }
0x50: {  	_ =	shalt  }
0x51: {  	_ =	shalt  }
0x52: {  	_ =	shalt  }
0x53: {  	_ =	shalt  }
0x54: {  	_ =	shalt  }
0x55: {  	_ =	shalt  }
0x56: {  	_ =	shalt  }
0x57: {  	_ =	shalt  }
0x58: {  	_ =	shalt  }
0x59: {  	_ =	shalt  }
0x5a: {  	_ =	shalt  }
0x5b: {  	_ =	shalt  }
0x5c: {  	_ =	shalt  }
0x5d: {  	_ =	shalt  }
0x5e: {  	_ =	shalt  }
0x5f: {  	_ =	shalt  }
0x60: {  	_ =	shalt  }
0x61: {  	_ =	shalt  }
0x62: {  	_ =	shalt  }
0x63: {  	_ =	shalt  }
0x64: {  	_ =	shalt  }
0x65: {  	_ =	shalt  }
0x66: {  	_ =	shalt  }
0x67: {  	_ =	shalt  }
0x68: {  	_ =	shalt  }
0x69: {  	_ =	shalt  }
0x6a: {  	_ =	shalt  }
0x6b: {  	_ =	shalt  }
0x6c: {  	_ =	shalt  }
0x6d: {  	_ =	shalt  }
0x6e: {  	_ =	shalt  }
0x6f: {  	_ =	shalt  }
0x70: {  	_ =	shalt  }
0x71: {  	_ =	shalt  }
0x72: {  	_ =	shalt  }
0x73: {  	_ =	shalt  }
0x74: {  	_ =	shalt  }
0x75: {  	_ =	shalt  }
0x76: {  	_ =	shalt  }
0x77: {  	_ =	shalt  }
0x78: {  	_ =	shalt  }
0x79: {  	_ =	shalt  }
0x7a: {  	_ =	shalt  }
0x7b: {  	_ =	shalt  }
0x7c: {  	_ =	shalt  }
0x7d: {  	_ =	shalt  }
0x7e: {  	_ =	shalt  }
0x7f: {  	_ =	shalt  }
0x80: {  	_ =	shalt  }
0x81: {  	_ =	shalt  }
0x82: {  	_ =	shalt  }
0x83: {  	_ =	shalt  }
0x84: {  	_ =	shalt  }
0x85: {  	_ =	shalt  }
0x86: {  	_ =	shalt  }
0x87: {  	_ =	shalt  }
.Lfunc_end0:
.L_simem_size_0:
called_computation_lowered:
.L_overlay_start_0:
0x88: {  	s2 =	sld [smem:$0x3FD9]  }
0x89: {  	s3 =	sld [smem:$0x3FFE];
	_ =	sdelay $0x1  }
0x8a: {  	s1 =	srdreg.scid  }
0x8b: {  	s0 =	sand.u32 $0x1, s1  }
0x8c: {  	s17 =	sshll.u32 s0, $0xA;
	s2 =	sadd.s32 s3, s2  }
0x8d: {  	s2 =	sadd.s32 s2, s17  }
0x8e: {  	[smem:$0x3FC4] =	sst s2  }
0x8f: {  	_ = 	snop  }
0x90: {  	s2 =	sld [smem:$0x3FD0];
	(tm) =	ssettm $0x1  }
0x91: {  	s18 =	sld [smem:$0x3FFB];
	_ =	sdelay $0x3  }
0x92: {  	_ =	strace s18  }
0x93: {  	s3 =	sld [smem:$0x3FFC];
	_ =	sdelay $0x3  }
0x94: {  	_ =	strace s3  }
0x95: {  	s3 =	sld [smem:$0x3FFD];
	_ =	sdelay $0x3  }
0x96: {  	_ =	strace s3  }
0x97: {  	_ =	strace $0x8FFFFFFF  }
0x98: {  	s19 =	sld [smem:$0x3FDB];
	_ =	sdelay $0x1  }
0x99: {  	s4 =	simm.s32 $_scs_section_size  }
0x9a: {  	s5 =	simm.s32 $_size__tile_overlayer_lowered;
	s6 =	simm.s32 $_tile_overlayer_lowered  }
0x9b: {  	s22 =	simm.s32 $0x1BFF;
	s21 =	sshll.u32 s6, $0x1;
	s3 =	sadd.s32 s4, s19  }
0x9c: {  	s7 =	simm.s32 $0x0;
	s20 =	sshll.u32 s5, $0x1;
	s5 =	sadd.s32 s21, s3  }
0x9d: {  	[timem:s7], [sflag:s22] =	dma.local [hbm:s5], s20  }
0x9e: {  	_ =	swait.ge [sflag:s22], s20  }
0x9f: {  	s4 =	ssub.s32 $0x0, s20;
	[sflag:s22] =	ssyncset.done $0x0  }
0xa0: {  	[sflag:s22] =	ssyncadd.s32 s4;
	_ =	sdelay $0x1  }
0xa1: {  	s23 =	simm.s32 $0x1B8B  }
0xa2: {  	_ =	swait.ge [sflag:s23], $0x1  }
0xa3: {  	[sflag:s23] =	ssyncset.done $0x0  }
0xa4: {  	s25 =	simm.s32 $0x1B8E;
	s24 =	sld [smem:$0x3FFE];
	[sflag:s23] =	ssyncadd.s32 $0xFFFFFFFF  }
0xa5: {  	s26 =	simm.s32 $execute0_lowered;
	[smem:$0x3FD2] =	sst s25  }
0xa6: {  	s5 =	sshll.u32 s26, $0x1;
	_ =	strace $0x80000046;
	[dreg:$0x1] =	wrdreg $0xFFFFFFFF  }
0xa7: {  	s28 =	simm.s32 $_size_execute0_lowered;
	s3 =	sadd.s32 s3, s5;
	[dreg:$0x0] =	wrdreg $0x0  }
0xa8: {  	s5 =	sshll.u32 s28, $0x1;
	[dreg:$0x2] =	wrdreg s3  }
0xa9: {  	[dreg:$0x3] =	wrdreg s5  }
0xaa: {  	[dreg:$0x4] =	wrdreg $0xC0  }
0xab: {  	_ =	task [dreg:s7], $0x5FFFF  }
0xac: {  	[dreg:$0x1] =	wrdreg $0xFFFFFFFF  }
0xad: {  	[dreg:$0x0] =	wrdreg $0x60  }
0xae: {  	[dreg:$0x2] =	wrdreg s24  }
0xaf: {  	[dreg:$0x3] =	wrdreg s2  }
0xb0: {  	[dreg:$0x4] =	wrdreg $0x66000  }
0xb1: {  	[dreg:$0x5] =	wrdreg $0x9  }
0xb2: {  	_ =	task.clear_ibuf [dreg:s7], $0x6FFFF;
	_ =	strace $0x90000046  }
0xb3: {  	s29 =	simm.s32 $0x9;
	_ =	strace $0x80000048  }
0xb4: {  	_ =	swait.ge [sflag:s29], $0x1  }
0xb5: {  	[sflag:s29] =	ssyncadd.s32 $0xFFFFFFFF  }
0xb6: {  	_ =	strace $0x90000048  }
0xb7: {  	_ =	sfence  }
0xb8: {  	s30 =	sld [smem:$0x0];
	_ =	sdelay $0x2  }
0xb9: {  	s31 =	sshll.u32 s1, $0xD;
	s1 =	sshrl.u32 s1, $0x2  }
0xba: {  	s3 =	sand.u32 $0x4000, s31;
	s1 =	sadd.s32 s1, s30  }
0xbb: {  	s0 =	sor.u32 s3, s0;
	s1 =	sshll.u32 s1, $0x11  }
0xbc: {  	s0 =	sor.u32 s1, s0  }
0xbd: {  	s0 =	sadd.s32 $0x8F2B, s0  }
0xbe: {  	[sflag:s0] =	ssyncadd.remote.s32 $0x1  }
0xbf: {  	_ =	sfence.sel $0xFFFF  }
0xc0: {  	[dreg:$0x0] =	wrdreg $0xFFFFFFFF;
	(pc) =	sbr.abs _section_cstart, $3  }
0xc1: {  	[dreg:$0x1] =	wrdreg $0xFFFFFFFF  }
0xc2: {  	_ =	task.clear_ibuf [dreg:s7], $0x2FFFF;
	_ =	strace $0x9FFFFFFF  }
0xc3: {  	(tm) =	ssettm $0x7FFFFFFF  }
tec
execute0_lowered:
.L_overlay_start_1:
0x0: {  	(tag) =	ssettag $0x1  }
0x1: {  	s29 =	rddreg [dreg:$0x0]  }
0x2: {  	s1 =	rddreg [dreg:$0x1]  }
0x3: {  	s0 =	srdreg.scid;
	s2 =	rddreg [dreg:$0x2];
	s3 =	simm.s32 $0x0  }
0x4: {  	s30 =	sand.u32 $0x1, s0;
	[dreg:$0x4] =	wrdreg s1;
	s0 =	stileid.u32  }
0x5: {  	[smem:$0x7FF] =	sst s3;
	s9 =	smul.u32 $0x3E80, s0  }
0x6: {  	s31 =	sadd.s32 $0xB800, s29;
	s8 =	sshll.u32 s30, $0x4;
	s5 =	smul.u32 $0x7D000, s0  }
0x7: {  	s7 =	sadd.s32 $0x3C700, s29;
	_ =	strace $0x80000047;
	s1 =	sor.u32 s0, s8  }
0x8: {  	s28 =	smul.u32 $0x2710, s1;
	s1 =	sadd.s32 s9, s29;
	s5 =	sshrl.u32 s5, $0x2  }
0x9: {  	[dreg:$0x6] =	wrdreg s7;
	s5 =	sadd.s32 s5, s2;
	s1 =	sadd.s32 $0x15600, s1  }
0xa: {  	s4 =	sadd.s32 $0xC8, s28;
	s6 =	sshrl.u32 s28, $0x3;
	[dreg:$0x7] =	wrdreg s5  }
0xb: {  	s10 =	sadd.s32 $0x258, s28;
	[dreg:$0x8] =	wrdreg s1;
	s4 =	sshrl.u32 s4, $0x3  }
0xc: {  	s13 =	sadd.s32 $0x3E8, s28;
	s5 =	sshrl.u32 s10, $0x3;
	s4 =	sadd.s32 s31, s4  }
0xd: {  	s12 =	sadd.s32 s31, s5;
	s5 =	sshrl.u32 s13, $0x3;
	[dreg:$0x5] =	wrdreg s4  }
0xe: {  	s4 =	sadd.s32 s31, s6;
	[dreg:$0xa] =	wrdreg s12;
	s15 =	sadd.s32 s31, s5  }
0xf: {  	s11 =	sadd.s32 $0x32, s4;
	[dreg:$0xc] =	wrdreg s15  }
0x10: {  	[tilespmem:s3], [sflag:$0x1] =	stream.linear.gather [hbm4b:s4+s3], $0xC8, $0x38;
	[tilespmem:$0x19F00] =	vst v63  }
0x11: {  	s16 =	sadd.s32 $0x578, s28;
	s14 =	sadd.s32 $0x64, s4;
	[dreg:$0x9] =	wrdreg s11  }
0x12: {  	s5 =	sshrl.u32 s16, $0x3;
	s17 =	sadd.s32 $0x96, s4;
	[dreg:$0xb] =	wrdreg s14  }
0x13: {  	s18 =	sadd.s32 s31, s5;
	[dreg:$0xd] =	wrdreg s17  }
0x14: {  	s20 =	sadd.s32 $0xC8, s4;
	[dreg:$0xe] =	wrdreg s18  }
0x15: {  	p0 =	sgt.u32 s0, $0x9;
	s23 =	sadd.s32 $0xFA, s4;
	[dreg:$0xf] =	wrdreg s20  }
0x16: {  	s19 =	sadd.s32 $0x708, s28;
	s26 =	sadd.s32 $0x12C, s4;
	[dreg:$0x11] =	wrdreg s23  }
0x17: {  	s5 =	sshrl.u32 s19, $0x3;
	s8 =	sadd.s32 $0x15E, s4;
	[dreg:$0x13] =	wrdreg s26  }
0x18: {  	p1 =	sne.s32 @p0 s0, $0xA;
	s21 =	sadd.s32 s31, s5;
	[dreg:$0x15] =	wrdreg s8  }
0x19: {  	s22 =	sadd.s32 $0x898, s28;
	s11 =	sadd.s32 $0x190, s4;
	[dreg:$0x10] =	wrdreg s21  }
0x1a: {  	s25 =	sadd.s32 $0xA28, s28;
	s14 =	sadd.s32 $0x1C2, s4;
	[dreg:$0x17] =	wrdreg s11  }
0x1b: {  	s7 =	sadd.s32 $0xBB8, s28;
	s17 =	sadd.s32 $0x1F4, s4;
	[dreg:$0x19] =	wrdreg s14  }
0x1c: {  	s10 =	sadd.s32 $0xD48, s28;
	s20 =	sadd.s32 $0x226, s4;
	[dreg:$0x1b] =	wrdreg s17  }
0x1d: {  	s13 =	sadd.s32 $0xED8, s28;
	s23 =	sadd.s32 $0x258, s4;
	[dreg:$0x1d] =	wrdreg s20  }
0x1e: {  	s5 =	sshrl.u32 s22, $0x3;
	s26 =	sadd.s32 $0x28A, s4;
	[dreg:$0x1f] =	wrdreg s23  }
0x1f: {  	s24 =	sadd.s32 s31, s5;
	s5 =	sshrl.u32 s25, $0x3;
	[smem:$0x7F2] =	sst s26  }
0x20: {  	s16 =	sadd.s32 $0x1068, s28;
	[dreg:$0x12] =	wrdreg s24;
	s6 =	sadd.s32 s31, s5  }
0x21: {  	s5 =	sshrl.u32 s7, $0x3;
	s7 =	sadd.s32 $0x2BC, s4;
	[dreg:$0x14] =	wrdreg s6  }
0x22: {  	s19 =	sadd.s32 $0x11F8, s28;
	s9 =	sadd.s32 s31, s5;
	[smem:$0x7F4] =	sst s7  }
0x23: {  	s5 =	sshrl.u32 s10, $0x3;
	s10 =	sadd.s32 $0x2EE, s4;
	[dreg:$0x16] =	wrdreg s9  }
0x24: {  	s22 =	sadd.s32 $0x1388, s28;
	s12 =	sadd.s32 s31, s5;
	[smem:$0x7F6] =	sst s10  }
0x25: {  	s5 =	sshrl.u32 s13, $0x3;
	s13 =	sadd.s32 $0x320, s4;
	[dreg:$0x18] =	wrdreg s12  }
0x26: {  	s25 =	sadd.s32 $0x1518, s28;
	s15 =	sadd.s32 s31, s5;
	[smem:$0x7F8] =	sst s13  }
0x27: {  	s5 =	sshrl.u32 s16, $0x3;
	s16 =	sadd.s32 $0x352, s4;
	[dreg:$0x1a] =	wrdreg s15  }
0x28: {  	s6 =	sadd.s32 $0x16A8, s28;
	s18 =	sadd.s32 s31, s5;
	[smem:$0x7FA] =	sst s16  }
0x29: {  	s5 =	sshrl.u32 s19, $0x3;
	s19 =	sadd.s32 $0x384, s4;
	[dreg:$0x1c] =	wrdreg s18  }
0x2a: {  	s21 =	sadd.s32 s31, s5;
	s5 =	sshrl.u32 s22, $0x3;
	[smem:$0x7FC] =	sst s19  }
0x2b: {  	[dreg:$0x1e] =	wrdreg s21;
	s24 =	sadd.s32 s31, s5;
	s5 =	sshrl.u32 s25, $0x3  }
0x2c: {  	s9 =	sadd.s32 $0x1838, s28;
	s21 =	rddreg [dreg:$0x5];
	s5 =	sadd.s32 s31, s5  }
0x2d: {  	s12 =	sadd.s32 $0x19C8, s28;
	[smem:$0x7F3] =	sst s5;
	s5 =	sshrl.u32 s6, $0x3  }
0x2e: {  	s15 =	sadd.s32 $0x1B58, s28;
	[smem:$0x7F1] =	sst s24;
	s8 =	sadd.s32 s31, s5  }
0x2f: {  	s18 =	sadd.s32 $0x1CE8, s28;
	s5 =	sshrl.u32 s9, $0x3;
	[smem:$0x7F5] =	sst s8  }
0x30: {  	s11 =	sadd.s32 s31, s5;
	s5 =	sshrl.u32 s12, $0x3;
	s8 =	rddreg [dreg:$0x4]  }
0x31: {  	[smem:$0x7F7] =	sst s11;
	s14 =	sadd.s32 s31, s5;
	s5 =	sshrl.u32 s15, $0x3  }
0x32: {  	[smem:$0x7F9] =	sst s14;
	s17 =	sadd.s32 s31, s5;
	s5 =	sshrl.u32 s18, $0x3  }
0x33: {  	[smem:$0x7FB] =	sst s17;
	s20 =	sadd.s32 s31, s5;
	s5 =	simm.s32 $0x100  }
0x34: {  	[tilespmem:s5], [sflag:$0x2] =	stream.linear.gather [hbm4b:s21+s3], $0xC8, $0x38;
	[tilespmem:$0x19F00] =	vst v63  }
0x35: {  	s7 =	simm.s32 $0x3;
	s6 =	simm.s32 $0x200;
	[smem:$0x7FD] =	sst s20  }
0x36: {  	[tilespmem:s6], [sflag:$0x3] =	stream.linear.gather [hbm4b:s8+s3], $0x6400, $0x38;
	[tilespmem:$0x19F00] =	vst v63  }
0x37: {  	p1 =	por p1, !p0;
	_ =	swait.ge [sflag:s7], $0x6400  }
0x38: {  	s1 =	sadd.s32 $0x138800, s2;
	s9 =	simm.s32 @!p1 $0x1E83;
	[sflag:s7] =	ssyncset.done $0x0  }
0x39: {  	s8 =	sshrl.u32 @!p1 s1, $0x3;
	s11 =	rddreg [dreg:$0x6];
	[sflag:s7] =	ssyncadd.s32 $0xFFFF9C00  }
0x3a: {  	[spmem:s8], [sflag:s9] =	dma.local @!p1 [hbm:s11], $0x100  }
0x3b: {  	s10 =	simm.s32 @!p1 $0x3;
	s11 =	sshll.u32 @!p0 s0, $0x6  }
0x3c: {  	_ =	swait.ge @!p1 [sflag:s10], $0x100;
	s12 =	sor.u32 @!p0 $0x1C03, s11  }
0x3d: {  	s11 =	simm.s32 @!p0 $0x3;
	s1 =	rddreg [dreg:$0x7];
	[sflag:s10] =	ssyncset.done @!p1 $0x0  }
0x3e: {  	s13 =	rddreg [dreg:$0x8];
	[sflag:s10] =	ssyncadd.s32 @!p1 $0xFFFFFF00;
	s1 =	sshrl.u32 @!p0 s1, $0x3  }
0x3f: {  	[spmem:s1], [sflag:s12] =	dma.local @!p0 [hbm:s13], $0x3E80  }
0x40: {  	_ =	swait.ge @!p0 [sflag:s11], $0x3E80  }
0x41: {  	[sflag:s11] =	ssyncset.done @!p0 $0x0  }
0x42: {  	[sflag:s11] =	ssyncadd.s32 @!p0 $0xFFFFC180  }
0x43: {  	s13 =	simm.s32 $0x1;
	[bflag:$0x0] =	sbarrier.arrive $0xFFFF  }
0x44: {  	_ =	swait.ge [sflag:s13], $0xC8  }
0x45: {  	[sflag:s13] =	ssyncset.done $0x0  }
0x46: {  	s14 =	simm.s32 $0xC8;
	[sflag:s13] =	ssyncadd.s32 $0xFFFFFF38  }
0x47: {  	[spmem:s2] =	stream.indirect.scatter.add.f32 [tilespmem:s6], [sflag:$0x3], $0x80, s3, s14, $0xb8;
	[tilespmem:$0x19F00] =	vst v63  }
0x48: {  	_ =	swait.ge [sflag:s7], $0x6400  }
0x49: {  	[sflag:s7] =	ssyncset.done $0x0  }
0x4a: {  	s15 =	simm.s32 $0x2;
	s16 =	rddreg [dreg:$0x9];
	[sflag:s7] =	ssyncadd.s32 $0xFFFF9C00  }
0x4b: {  	[tilespmem:s3], [sflag:$0x1] =	stream.linear.gather [hbm4b:s16+s3], $0xC8, $0x38;
	[tilespmem:$0x19F00] =	vst v63  }
0x4c: {  	_ =	swait.ge [sflag:s15], $0xC8  }
0x4d: {  	[sflag:s15] =	ssyncset.done $0x0  }
0x4e: {  	[sflag:s15] =	ssyncadd.s32 $0xFFFFFF38  }
0x4f: {  	[spmem:s2] =	stream.indirect.scatter.add.f32 [tilespmem:s6], [sflag:$0x3], $0x80, s5, s14, $0xb8;
	[tilespmem:$0x19F00] =	vst v63  }
0x50: {  	_ =	swait.ge [sflag:s7], $0x6400  }
0x51: {  	[sflag:s7] =	ssyncset.done $0x0  }
0x52: {  	s22 =	rddreg [dreg:$0xa];
	[sflag:s7] =	ssyncadd.s32 $0xFFFF9C00  }
0x53: {  	[tilespmem:s5], [sflag:$0x2] =	stream.linear.gather [hbm4b:s22+s3], $0xC8, $0x38;
	[tilespmem:$0x19F00] =	vst v63  }
0x54: {  	_ =	swait.ge [sflag:s13], $0xC8  }
0x55: {  	[sflag:s13] =	ssyncset.done $0x0  }
0x56: {  	[sflag:s13] =	ssyncadd.s32 $0xFFFFFF38  }
0x57: {  	[spmem:s2] =	stream.indirect.scatter.add.f32 [tilespmem:s6], [sflag:$0x3], $0x80, s3, s14, $0xb8;
	[tilespmem:$0x19F00] =	vst v63  }
0x58: {  	_ =	swait.ge [sflag:s7], $0x6400  }
0x59: {  	[sflag:s7] =	ssyncset.done $0x0  }
0x5a: {  	s23 =	rddreg [dreg:$0xb];
	[sflag:s7] =	ssyncadd.s32 $0xFFFF9C00  }
0x5b: {  	[tilespmem:s3], [sflag:$0x1] =	stream.linear.gather [hbm4b:s23+s3], $0xC8, $0x38;
	[tilespmem:$0x19F00] =	vst v63  }
0x5c: {  	_ =	swait.ge [sflag:s15], $0xC8  }
0x5d: {  	[sflag:s15] =	ssyncset.done $0x0  }
0x5e: {  	[sflag:s15] =	ssyncadd.s32 $0xFFFFFF38  }
0x5f: {  	[spmem:s2] =	stream.indirect.scatter.add.f32 [tilespmem:s6], [sflag:$0x3], $0x80, s5, s14, $0xb8;
	[tilespmem:$0x19F00] =	vst v63  }
0x60: {  	_ =	swait.ge [sflag:s7], $0x6400  }
0x61: {  	[sflag:s7] =	ssyncset.done $0x0  }
0x62: {  	s24 =	rddreg [dreg:$0xc];
	[sflag:s7] =	ssyncadd.s32 $0xFFFF9C00  }
0x63: {  	[tilespmem:s5], [sflag:$0x2] =	stream.linear.gather [hbm4b:s24+s3], $0xC8, $0x38;
	[tilespmem:$0x19F00] =	vst v63  }
0x64: {  	_ =	swait.ge [sflag:s13], $0xC8  }
0x65: {  	[sflag:s13] =	ssyncset.done $0x0  }
0x66: {  	[sflag:s13] =	ssyncadd.s32 $0xFFFFFF38  }
0x67: {  	[spmem:s2] =	stream.indirect.scatter.add.f32 [tilespmem:s6], [sflag:$0x3], $0x80, s3, s14, $0xb8;
	[tilespmem:$0x19F00] =	vst v63  }
0x68: {  	_ =	swait.ge [sflag:s7], $0x6400  }
0x69: {  	[sflag:s7] =	ssyncset.done $0x0  }
0x6a: {  	s25 =	rddreg [dreg:$0xd];
	[sflag:s7] =	ssyncadd.s32 $0xFFFF9C00  }
0x6b: {  	[tilespmem:s3], [sflag:$0x1] =	stream.linear.gather [hbm4b:s25+s3], $0xC8, $0x38;
	[tilespmem:$0x19F00] =	vst v63  }
0x6c: {  	_ =	swait.ge [sflag:s15], $0xC8  }
0x6d: {  	[sflag:s15] =	ssyncset.done $0x0  }
0x6e: {  	[sflag:s15] =	ssyncadd.s32 $0xFFFFFF38  }
0x6f: {  	[spmem:s2] =	stream.indirect.scatter.add.f32 [tilespmem:s6], [sflag:$0x3], $0x80, s5, s14, $0xb8;
	[tilespmem:$0x19F00] =	vst v63  }
0x70: {  	_ =	swait.ge [sflag:s7], $0x6400  }
0x71: {  	[sflag:s7] =	ssyncset.done $0x0  }
0x72: {  	s26 =	rddreg [dreg:$0xe];
	[sflag:s7] =	ssyncadd.s32 $0xFFFF9C00  }
0x73: {  	[tilespmem:s5], [sflag:$0x2] =	stream.linear.gather [hbm4b:s26+s3], $0xC8, $0x38;
	[tilespmem:$0x19F00] =	vst v63  }
0x74: {  	_ =	swait.ge [sflag:s13], $0xC8  }
0x75: {  	[sflag:s13] =	ssyncset.done $0x0  }
0x76: {  	[sflag:s13] =	ssyncadd.s32 $0xFFFFFF38  }
0x77: {  	[spmem:s2] =	stream.indirect.scatter.add.f32 [tilespmem:s6], [sflag:$0x3], $0x80, s3, s14, $0xb8;
	[tilespmem:$0x19F00] =	vst v63  }
0x78: {  	_ =	swait.ge [sflag:s7], $0x6400  }
0x79: {  	[sflag:s7] =	ssyncset.done $0x0  }
0x7a: {  	s17 =	rddreg [dreg:$0xf];
	[sflag:s7] =	ssyncadd.s32 $0xFFFF9C00  }
0x7b: {  	[tilespmem:s3], [sflag:$0x1] =	stream.linear.gather [hbm4b:s17+s3], $0xC8, $0x38;
	[tilespmem:$0x19F00] =	vst v63  }
0x7c: {  	_ =	swait.ge [sflag:s15], $0xC8  }
0x7d: {  	[sflag:s15] =	ssyncset.done $0x0  }
0x7e: {  	[sflag:s15] =	ssyncadd.s32 $0xFFFFFF38  }
0x7f: {  	[spmem:s2] =	stream.indirect.scatter.add.f32 [tilespmem:s6], [sflag:$0x3], $0x80, s5, s14, $0xb8;
	[tilespmem:$0x19F00] =	vst v63  }
0x80: {  	_ =	swait.ge [sflag:s7], $0x6400  }
0x81: {  	[sflag:s7] =	ssyncset.done $0x0  }
0x82: {  	s18 =	rddreg [dreg:$0x10];
	[sflag:s7] =	ssyncadd.s32 $0xFFFF9C00  }
0x83: {  	[tilespmem:s5], [sflag:$0x2] =	stream.linear.gather [hbm4b:s18+s3], $0xC8, $0x38;
	[tilespmem:$0x19F00] =	vst v63  }
0x84: {  	_ =	swait.ge [sflag:s13], $0xC8  }
0x85: {  	[sflag:s13] =	ssyncset.done $0x0  }
0x86: {  	[sflag:s13] =	ssyncadd.s32 $0xFFFFFF38  }
0x87: {  	[spmem:s2] =	stream.indirect.scatter.add.f32 [tilespmem:s6], [sflag:$0x3], $0x80, s3, s14, $0xb8;
	[tilespmem:$0x19F00] =	vst v63  }
0x88: {  	_ =	swait.ge [sflag:s7], $0x6400  }
0x89: {  	[sflag:s7] =	ssyncset.done $0x0  }
0x8a: {  	s19 =	rddreg [dreg:$0x11];
	[sflag:s7] =	ssyncadd.s32 $0xFFFF9C00  }
0x8b: {  	[tilespmem:s3], [sflag:$0x1] =	stream.linear.gather [hbm4b:s19+s3], $0xC8, $0x38;
	[tilespmem:$0x19F00] =	vst v63  }
0x8c: {  	_ =	swait.ge [sflag:s15], $0xC8  }
0x8d: {  	[sflag:s15] =	ssyncset.done $0x0  }
0x8e: {  	[sflag:s15] =	ssyncadd.s32 $0xFFFFFF38  }
0x8f: {  	[spmem:s2] =	stream.indirect.scatter.add.f32 [tilespmem:s6], [sflag:$0x3], $0x80, s5, s14, $0xb8;
	[tilespmem:$0x19F00] =	vst v63  }
0x90: {  	_ =	swait.ge [sflag:s7], $0x6400  }
0x91: {  	[sflag:s7] =	ssyncset.done $0x0  }
0x92: {  	s20 =	rddreg [dreg:$0x12];
	[sflag:s7] =	ssyncadd.s32 $0xFFFF9C00  }
0x93: {  	[tilespmem:s5], [sflag:$0x2] =	stream.linear.gather [hbm4b:s20+s3], $0xC8, $0x38;
	[tilespmem:$0x19F00] =	vst v63  }
0x94: {  	_ =	swait.ge [sflag:s13], $0xC8  }
0x95: {  	[sflag:s13] =	ssyncset.done $0x0  }
0x96: {  	[sflag:s13] =	ssyncadd.s32 $0xFFFFFF38  }
0x97: {  	[spmem:s2] =	stream.indirect.scatter.add.f32 [tilespmem:s6], [sflag:$0x3], $0x80, s3, s14, $0xb8;
	[tilespmem:$0x19F00] =	vst v63  }
0x98: {  	_ =	swait.ge [sflag:s7], $0x6400  }
0x99: {  	[sflag:s7] =	ssyncset.done $0x0  }
0x9a: {  	s21 =	rddreg [dreg:$0x13];
	[sflag:s7] =	ssyncadd.s32 $0xFFFF9C00  }
0x9b: {  	[tilespmem:s3], [sflag:$0x1] =	stream.linear.gather [hbm4b:s21+s3], $0xC8, $0x38;
	[tilespmem:$0x19F00] =	vst v63  }
0x9c: {  	_ =	swait.ge [sflag:s15], $0xC8  }
0x9d: {  	[sflag:s15] =	ssyncset.done $0x0  }
0x9e: {  	[sflag:s15] =	ssyncadd.s32 $0xFFFFFF38  }
0x9f: {  	[spmem:s2] =	stream.indirect.scatter.add.f32 [tilespmem:s6], [sflag:$0x3], $0x80, s5, s14, $0xb8;
	[tilespmem:$0x19F00] =	vst v63  }
0xa0: {  	_ =	swait.ge [sflag:s7], $0x6400  }
0xa1: {  	[sflag:s7] =	ssyncset.done $0x0  }
0xa2: {  	s22 =	rddreg [dreg:$0x14];
	[sflag:s7] =	ssyncadd.s32 $0xFFFF9C00  }
0xa3: {  	[tilespmem:s5], [sflag:$0x2] =	stream.linear.gather [hbm4b:s22+s3], $0xC8, $0x38;
	[tilespmem:$0x19F00] =	vst v63  }
0xa4: {  	_ =	swait.ge [sflag:s13], $0xC8  }
0xa5: {  	[sflag:s13] =	ssyncset.done $0x0  }
0xa6: {  	[sflag:s13] =	ssyncadd.s32 $0xFFFFFF38  }
0xa7: {  	[spmem:s2] =	stream.indirect.scatter.add.f32 [tilespmem:s6], [sflag:$0x3], $0x80, s3, s14, $0xb8;
	[tilespmem:$0x19F00] =	vst v63  }
0xa8: {  	_ =	swait.ge [sflag:s7], $0x6400  }
0xa9: {  	[sflag:s7] =	ssyncset.done $0x0  }
0xaa: {  	s23 =	rddreg [dreg:$0x15];
	[sflag:s7] =	ssyncadd.s32 $0xFFFF9C00  }
0xab: {  	[tilespmem:s3], [sflag:$0x1] =	stream.linear.gather [hbm4b:s23+s3], $0xC8, $0x38;
	[tilespmem:$0x19F00] =	vst v63  }
0xac: {  	_ =	swait.ge [sflag:s15], $0xC8  }
0xad: {  	[sflag:s15] =	ssyncset.done $0x0  }
0xae: {  	[sflag:s15] =	ssyncadd.s32 $0xFFFFFF38  }
0xaf: {  	[spmem:s2] =	stream.indirect.scatter.add.f32 [tilespmem:s6], [sflag:$0x3], $0x80, s5, s14, $0xb8;
	[tilespmem:$0x19F00] =	vst v63  }
0xb0: {  	_ =	swait.ge [sflag:s7], $0x6400  }
0xb1: {  	[sflag:s7] =	ssyncset.done $0x0  }
0xb2: {  	s24 =	rddreg [dreg:$0x16];
	[sflag:s7] =	ssyncadd.s32 $0xFFFF9C00  }
0xb3: {  	[tilespmem:s5], [sflag:$0x2] =	stream.linear.gather [hbm4b:s24+s3], $0xC8, $0x38;
	[tilespmem:$0x19F00] =	vst v63  }
0xb4: {  	_ =	swait.ge [sflag:s13], $0xC8  }
0xb5: {  	[sflag:s13] =	ssyncset.done $0x0  }
0xb6: {  	[sflag:s13] =	ssyncadd.s32 $0xFFFFFF38  }
0xb7: {  	[spmem:s2] =	stream.indirect.scatter.add.f32 [tilespmem:s6], [sflag:$0x3], $0x80, s3, s14, $0xb8;
	[tilespmem:$0x19F00] =	vst v63  }
0xb8: {  	_ =	swait.ge [sflag:s7], $0x6400  }
0xb9: {  	[sflag:s7] =	ssyncset.done $0x0  }
0xba: {  	s25 =	rddreg [dreg:$0x17];
	[sflag:s7] =	ssyncadd.s32 $0xFFFF9C00  }
0xbb: {  	[tilespmem:s3], [sflag:$0x1] =	stream.linear.gather [hbm4b:s25+s3], $0xC8, $0x38;
	[tilespmem:$0x19F00] =	vst v63  }
0xbc: {  	_ =	swait.ge [sflag:s15], $0xC8  }
0xbd: {  	[sflag:s15] =	ssyncset.done $0x0  }
0xbe: {  	[sflag:s15] =	ssyncadd.s32 $0xFFFFFF38  }
0xbf: {  	[spmem:s2] =	stream.indirect.scatter.add.f32 [tilespmem:s6], [sflag:$0x3], $0x80, s5, s14, $0xb8;
	[tilespmem:$0x19F00] =	vst v63  }
0xc0: {  	_ =	swait.ge [sflag:s7], $0x6400  }
0xc1: {  	[sflag:s7] =	ssyncset.done $0x0  }
0xc2: {  	s26 =	rddreg [dreg:$0x18];
	[sflag:s7] =	ssyncadd.s32 $0xFFFF9C00  }
0xc3: {  	[tilespmem:s5], [sflag:$0x2] =	stream.linear.gather [hbm4b:s26+s3], $0xC8, $0x38;
	[tilespmem:$0x19F00] =	vst v63  }
0xc4: {  	_ =	swait.ge [sflag:s13], $0xC8  }
0xc5: {  	[sflag:s13] =	ssyncset.done $0x0  }
0xc6: {  	[sflag:s13] =	ssyncadd.s32 $0xFFFFFF38  }
0xc7: {  	[spmem:s2] =	stream.indirect.scatter.add.f32 [tilespmem:s6], [sflag:$0x3], $0x80, s3, s14, $0xb8;
	[tilespmem:$0x19F00] =	vst v63  }
0xc8: {  	_ =	swait.ge [sflag:s7], $0x6400  }
0xc9: {  	[sflag:s7] =	ssyncset.done $0x0  }
0xca: {  	s17 =	rddreg [dreg:$0x19];
	[sflag:s7] =	ssyncadd.s32 $0xFFFF9C00  }
0xcb: {  	[tilespmem:s3], [sflag:$0x1] =	stream.linear.gather [hbm4b:s17+s3], $0xC8, $0x38;
	[tilespmem:$0x19F00] =	vst v63  }
0xcc: {  	_ =	swait.ge [sflag:s15], $0xC8  }
0xcd: {  	[sflag:s15] =	ssyncset.done $0x0  }
0xce: {  	[sflag:s15] =	ssyncadd.s32 $0xFFFFFF38  }
0xcf: {  	[spmem:s2] =	stream.indirect.scatter.add.f32 [tilespmem:s6], [sflag:$0x3], $0x80, s5, s14, $0xb8;
	[tilespmem:$0x19F00] =	vst v63  }
0xd0: {  	_ =	swait.ge [sflag:s7], $0x6400  }
0xd1: {  	[sflag:s7] =	ssyncset.done $0x0  }
0xd2: {  	s18 =	rddreg [dreg:$0x1a];
	[sflag:s7] =	ssyncadd.s32 $0xFFFF9C00  }
0xd3: {  	[tilespmem:s5], [sflag:$0x2] =	stream.linear.gather [hbm4b:s18+s3], $0xC8, $0x38;
	[tilespmem:$0x19F00] =	vst v63  }
0xd4: {  	_ =	swait.ge [sflag:s13], $0xC8  }
0xd5: {  	[sflag:s13] =	ssyncset.done $0x0  }
0xd6: {  	[sflag:s13] =	ssyncadd.s32 $0xFFFFFF38  }
0xd7: {  	[spmem:s2] =	stream.indirect.scatter.add.f32 [tilespmem:s6], [sflag:$0x3], $0x80, s3, s14, $0xb8;
	[tilespmem:$0x19F00] =	vst v63  }
0xd8: {  	_ =	swait.ge [sflag:s7], $0x6400  }
0xd9: {  	[sflag:s7] =	ssyncset.done $0x0  }
0xda: {  	s19 =	rddreg [dreg:$0x1b];
	[sflag:s7] =	ssyncadd.s32 $0xFFFF9C00  }
0xdb: {  	[tilespmem:s3], [sflag:$0x1] =	stream.linear.gather [hbm4b:s19+s3], $0xC8, $0x38;
	[tilespmem:$0x19F00] =	vst v63  }
0xdc: {  	_ =	swait.ge [sflag:s15], $0xC8  }
0xdd: {  	[sflag:s15] =	ssyncset.done $0x0  }
0xde: {  	[sflag:s15] =	ssyncadd.s32 $0xFFFFFF38  }
0xdf: {  	[spmem:s2] =	stream.indirect.scatter.add.f32 [tilespmem:s6], [sflag:$0x3], $0x80, s5, s14, $0xb8;
	[tilespmem:$0x19F00] =	vst v63  }
0xe0: {  	_ =	swait.ge [sflag:s7], $0x6400  }
0xe1: {  	[sflag:s7] =	ssyncset.done $0x0  }
0xe2: {  	s20 =	rddreg [dreg:$0x1c];
	[sflag:s7] =	ssyncadd.s32 $0xFFFF9C00  }
0xe3: {  	[tilespmem:s5], [sflag:$0x2] =	stream.linear.gather [hbm4b:s20+s3], $0xC8, $0x38;
	[tilespmem:$0x19F00] =	vst v63  }
0xe4: {  	_ =	swait.ge [sflag:s13], $0xC8  }
0xe5: {  	[sflag:s13] =	ssyncset.done $0x0  }
0xe6: {  	[sflag:s13] =	ssyncadd.s32 $0xFFFFFF38  }
0xe7: {  	[spmem:s2] =	stream.indirect.scatter.add.f32 [tilespmem:s6], [sflag:$0x3], $0x80, s3, s14, $0xb8;
	[tilespmem:$0x19F00] =	vst v63  }
0xe8: {  	_ =	swait.ge [sflag:s7], $0x6400  }
0xe9: {  	[sflag:s7] =	ssyncset.done $0x0  }
0xea: {  	s21 =	rddreg [dreg:$0x1d];
	[sflag:s7] =	ssyncadd.s32 $0xFFFF9C00  }
0xeb: {  	[tilespmem:s3], [sflag:$0x1] =	stream.linear.gather [hbm4b:s21+s3], $0xC8, $0x38;
	[tilespmem:$0x19F00] =	vst v63  }
0xec: {  	_ =	swait.ge [sflag:s15], $0xC8  }
0xed: {  	[sflag:s15] =	ssyncset.done $0x0  }
0xee: {  	[sflag:s15] =	ssyncadd.s32 $0xFFFFFF38  }
0xef: {  	[spmem:s2] =	stream.indirect.scatter.add.f32 [tilespmem:s6], [sflag:$0x3], $0x80, s5, s14, $0xb8;
	[tilespmem:$0x19F00] =	vst v63  }
0xf0: {  	_ =	swait.ge [sflag:s7], $0x6400  }
0xf1: {  	[sflag:s7] =	ssyncset.done $0x0  }
0xf2: {  	s22 =	rddreg [dreg:$0x1e];
	[sflag:s7] =	ssyncadd.s32 $0xFFFF9C00  }
0xf3: {  	[tilespmem:s5], [sflag:$0x2] =	stream.linear.gather [hbm4b:s22+s3], $0xC8, $0x38;
	[tilespmem:$0x19F00] =	vst v63  }
0xf4: {  	_ =	swait.ge [sflag:s13], $0xC8  }
0xf5: {  	[sflag:s13] =	ssyncset.done $0x0  }
0xf6: {  	[sflag:s13] =	ssyncadd.s32 $0xFFFFFF38  }
0xf7: {  	[spmem:s2] =	stream.indirect.scatter.add.f32 [tilespmem:s6], [sflag:$0x3], $0x80, s3, s14, $0xb8;
	[tilespmem:$0x19F00] =	vst v63  }
0xf8: {  	_ =	swait.ge [sflag:s7], $0x6400  }
0xf9: {  	[sflag:s7] =	ssyncset.done $0x0  }
0xfa: {  	s23 =	rddreg [dreg:$0x1f];
	[sflag:s7] =	ssyncadd.s32 $0xFFFF9C00  }
0xfb: {  	[tilespmem:s3], [sflag:$0x1] =	stream.linear.gather [hbm4b:s23+s3], $0xC8, $0x38;
	[tilespmem:$0x19F00] =	vst v63  }
0xfc: {  	_ =	swait.ge [sflag:s15], $0xC8  }
0xfd: {  	[sflag:s15] =	ssyncset.done $0x0  }
0xfe: {  	[sflag:s15] =	ssyncadd.s32 $0xFFFFFF38  }
0xff: {  	[spmem:s2] =	stream.indirect.scatter.add.f32 [tilespmem:s6], [sflag:$0x3], $0x80, s5, s14, $0xb8;
	[tilespmem:$0x19F00] =	vst v63  }
0x100: {  	_ =	swait.ge [sflag:s7], $0x6400  }
0x101: {  	s24 =	sld [smem:$0x7F1]  }
0x102: {  	[sflag:s7] =	ssyncset.done $0x0  }
0x103: {  	[sflag:s7] =	ssyncadd.s32 $0xFFFF9C00  }
0x104: {  	[tilespmem:s5], [sflag:$0x2] =	stream.linear.gather [hbm4b:s24+s3], $0xC8, $0x38;
	[tilespmem:$0x19F00] =	vst v63  }
0x105: {  	_ =	swait.ge [sflag:s13], $0xC8  }
0x106: {  	[sflag:s13] =	ssyncset.done $0x0  }
0x107: {  	[sflag:s13] =	ssyncadd.s32 $0xFFFFFF38  }
0x108: {  	[spmem:s2] =	stream.indirect.scatter.add.f32 [tilespmem:s6], [sflag:$0x3], $0x80, s3, s14, $0xb8;
	[tilespmem:$0x19F00] =	vst v63  }
0x109: {  	_ =	swait.ge [sflag:s7], $0x6400  }
0x10a: {  	s25 =	sld [smem:$0x7F2]  }
0x10b: {  	[sflag:s7] =	ssyncset.done $0x0  }
0x10c: {  	[sflag:s7] =	ssyncadd.s32 $0xFFFF9C00  }
0x10d: {  	[tilespmem:s3], [sflag:$0x1] =	stream.linear.gather [hbm4b:s25+s3], $0xC8, $0x38;
	[tilespmem:$0x19F00] =	vst v63  }
0x10e: {  	_ =	swait.ge [sflag:s15], $0xC8  }
0x10f: {  	[sflag:s15] =	ssyncset.done $0x0  }
0x110: {  	[sflag:s15] =	ssyncadd.s32 $0xFFFFFF38  }
0x111: {  	[spmem:s2] =	stream.indirect.scatter.add.f32 [tilespmem:s6], [sflag:$0x3], $0x80, s5, s14, $0xb8;
	[tilespmem:$0x19F00] =	vst v63  }
0x112: {  	_ =	swait.ge [sflag:s7], $0x6400  }
0x113: {  	s26 =	sld [smem:$0x7F3]  }
0x114: {  	[sflag:s7] =	ssyncset.done $0x0  }
0x115: {  	[sflag:s7] =	ssyncadd.s32 $0xFFFF9C00  }
0x116: {  	[tilespmem:s5], [sflag:$0x2] =	stream.linear.gather [hbm4b:s26+s3], $0xC8, $0x38;
	[tilespmem:$0x19F00] =	vst v63  }
0x117: {  	_ =	swait.ge [sflag:s13], $0xC8  }
0x118: {  	[sflag:s13] =	ssyncset.done $0x0  }
0x119: {  	[sflag:s13] =	ssyncadd.s32 $0xFFFFFF38  }
0x11a: {  	[spmem:s2] =	stream.indirect.scatter.add.f32 [tilespmem:s6], [sflag:$0x3], $0x80, s3, s14, $0xb8;
	[tilespmem:$0x19F00] =	vst v63  }
0x11b: {  	_ =	swait.ge [sflag:s7], $0x6400  }
0x11c: {  	s17 =	sld [smem:$0x7F4]  }
0x11d: {  	[sflag:s7] =	ssyncset.done $0x0  }
0x11e: {  	[sflag:s7] =	ssyncadd.s32 $0xFFFF9C00  }
0x11f: {  	[tilespmem:s3], [sflag:$0x1] =	stream.linear.gather [hbm4b:s17+s3], $0xC8, $0x38;
	[tilespmem:$0x19F00] =	vst v63  }
0x120: {  	_ =	swait.ge [sflag:s15], $0xC8  }
0x121: {  	[sflag:s15] =	ssyncset.done $0x0  }
0x122: {  	[sflag:s15] =	ssyncadd.s32 $0xFFFFFF38  }
0x123: {  	[spmem:s2] =	stream.indirect.scatter.add.f32 [tilespmem:s6], [sflag:$0x3], $0x80, s5, s14, $0xb8;
	[tilespmem:$0x19F00] =	vst v63  }
0x124: {  	_ =	swait.ge [sflag:s7], $0x6400  }
0x125: {  	s18 =	sld [smem:$0x7F5]  }
0x126: {  	[sflag:s7] =	ssyncset.done $0x0  }
0x127: {  	[sflag:s7] =	ssyncadd.s32 $0xFFFF9C00  }
0x128: {  	[tilespmem:s5], [sflag:$0x2] =	stream.linear.gather [hbm4b:s18+s3], $0xC8, $0x38;
	[tilespmem:$0x19F00] =	vst v63  }
0x129: {  	_ =	swait.ge [sflag:s13], $0xC8  }
0x12a: {  	[sflag:s13] =	ssyncset.done $0x0  }
0x12b: {  	[sflag:s13] =	ssyncadd.s32 $0xFFFFFF38  }
0x12c: {  	[spmem:s2] =	stream.indirect.scatter.add.f32 [tilespmem:s6], [sflag:$0x3], $0x80, s3, s14, $0xb8;
	[tilespmem:$0x19F00] =	vst v63  }
0x12d: {  	_ =	swait.ge [sflag:s7], $0x6400  }
0x12e: {  	s19 =	sld [smem:$0x7F6]  }
0x12f: {  	[sflag:s7] =	ssyncset.done $0x0  }
0x130: {  	[sflag:s7] =	ssyncadd.s32 $0xFFFF9C00  }
0x131: {  	[tilespmem:s3], [sflag:$0x1] =	stream.linear.gather [hbm4b:s19+s3], $0xC8, $0x38;
	[tilespmem:$0x19F00] =	vst v63  }
0x132: {  	_ =	swait.ge [sflag:s15], $0xC8  }
0x133: {  	[sflag:s15] =	ssyncset.done $0x0  }
0x134: {  	[sflag:s15] =	ssyncadd.s32 $0xFFFFFF38  }
0x135: {  	[spmem:s2] =	stream.indirect.scatter.add.f32 [tilespmem:s6], [sflag:$0x3], $0x80, s5, s14, $0xb8;
	[tilespmem:$0x19F00] =	vst v63  }
0x136: {  	_ =	swait.ge [sflag:s7], $0x6400  }
0x137: {  	s20 =	sld [smem:$0x7F7]  }
0x138: {  	[sflag:s7] =	ssyncset.done $0x0  }
0x139: {  	[sflag:s7] =	ssyncadd.s32 $0xFFFF9C00  }
0x13a: {  	[tilespmem:s5], [sflag:$0x2] =	stream.linear.gather [hbm4b:s20+s3], $0xC8, $0x38;
	[tilespmem:$0x19F00] =	vst v63  }
0x13b: {  	_ =	swait.ge [sflag:s13], $0xC8  }
0x13c: {  	[sflag:s13] =	ssyncset.done $0x0  }
0x13d: {  	[sflag:s13] =	ssyncadd.s32 $0xFFFFFF38  }
0x13e: {  	[spmem:s2] =	stream.indirect.scatter.add.f32 [tilespmem:s6], [sflag:$0x3], $0x80, s3, s14, $0xb8;
	[tilespmem:$0x19F00] =	vst v63  }
0x13f: {  	_ =	swait.ge [sflag:s7], $0x6400  }
0x140: {  	s21 =	sld [smem:$0x7F8]  }
0x141: {  	[sflag:s7] =	ssyncset.done $0x0  }
0x142: {  	[sflag:s7] =	ssyncadd.s32 $0xFFFF9C00  }
0x143: {  	[tilespmem:s3], [sflag:$0x1] =	stream.linear.gather [hbm4b:s21+s3], $0xC8, $0x38;
	[tilespmem:$0x19F00] =	vst v63  }
0x144: {  	_ =	swait.ge [sflag:s15], $0xC8  }
0x145: {  	[sflag:s15] =	ssyncset.done $0x0  }
0x146: {  	[sflag:s15] =	ssyncadd.s32 $0xFFFFFF38  }
0x147: {  	[spmem:s2] =	stream.indirect.scatter.add.f32 [tilespmem:s6], [sflag:$0x3], $0x80, s5, s14, $0xb8;
	[tilespmem:$0x19F00] =	vst v63  }
0x148: {  	_ =	swait.ge [sflag:s7], $0x6400  }
0x149: {  	s22 =	sld [smem:$0x7F9]  }
0x14a: {  	[sflag:s7] =	ssyncset.done $0x0  }
0x14b: {  	[sflag:s7] =	ssyncadd.s32 $0xFFFF9C00  }
0x14c: {  	[tilespmem:s5], [sflag:$0x2] =	stream.linear.gather [hbm4b:s22+s3], $0xC8, $0x38;
	[tilespmem:$0x19F00] =	vst v63  }
0x14d: {  	_ =	swait.ge [sflag:s13], $0xC8  }
0x14e: {  	[sflag:s13] =	ssyncset.done $0x0  }
0x14f: {  	[sflag:s13] =	ssyncadd.s32 $0xFFFFFF38  }
0x150: {  	[spmem:s2] =	stream.indirect.scatter.add.f32 [tilespmem:s6], [sflag:$0x3], $0x80, s3, s14, $0xb8;
	[tilespmem:$0x19F00] =	vst v63  }
0x151: {  	_ =	swait.ge [sflag:s7], $0x6400  }
0x152: {  	s23 =	sld [smem:$0x7FA]  }
0x153: {  	[sflag:s7] =	ssyncset.done $0x0  }
0x154: {  	[sflag:s7] =	ssyncadd.s32 $0xFFFF9C00  }
0x155: {  	[tilespmem:s3], [sflag:$0x1] =	stream.linear.gather [hbm4b:s23+s3], $0xC8, $0x38;
	[tilespmem:$0x19F00] =	vst v63  }
0x156: {  	_ =	swait.ge [sflag:s15], $0xC8  }
0x157: {  	[sflag:s15] =	ssyncset.done $0x0  }
0x158: {  	[sflag:s15] =	ssyncadd.s32 $0xFFFFFF38  }
0x159: {  	[spmem:s2] =	stream.indirect.scatter.add.f32 [tilespmem:s6], [sflag:$0x3], $0x80, s5, s14, $0xb8;
	[tilespmem:$0x19F00] =	vst v63  }
0x15a: {  	_ =	swait.ge [sflag:s7], $0x6400  }
0x15b: {  	s24 =	sld [smem:$0x7FB]  }
0x15c: {  	[sflag:s7] =	ssyncset.done $0x0  }
0x15d: {  	[sflag:s7] =	ssyncadd.s32 $0xFFFF9C00  }
0x15e: {  	[tilespmem:s5], [sflag:$0x2] =	stream.linear.gather [hbm4b:s24+s3], $0xC8, $0x38;
	[tilespmem:$0x19F00] =	vst v63  }
0x15f: {  	_ =	swait.ge [sflag:s13], $0xC8  }
0x160: {  	[sflag:s13] =	ssyncset.done $0x0  }
0x161: {  	[sflag:s13] =	ssyncadd.s32 $0xFFFFFF38  }
0x162: {  	[spmem:s2] =	stream.indirect.scatter.add.f32 [tilespmem:s6], [sflag:$0x3], $0x80, s3, s14, $0xb8;
	[tilespmem:$0x19F00] =	vst v63  }
0x163: {  	_ =	swait.ge [sflag:s7], $0x6400  }
0x164: {  	s25 =	sld [smem:$0x7FC]  }
0x165: {  	[sflag:s7] =	ssyncset.done $0x0  }
0x166: {  	[sflag:s7] =	ssyncadd.s32 $0xFFFF9C00  }
0x167: {  	[tilespmem:s3], [sflag:$0x1] =	stream.linear.gather [hbm4b:s25+s3], $0xC8, $0x38;
	[tilespmem:$0x19F00] =	vst v63  }
0x168: {  	_ =	swait.ge [sflag:s15], $0xC8  }
0x169: {  	[sflag:s15] =	ssyncset.done $0x0  }
0x16a: {  	[sflag:s15] =	ssyncadd.s32 $0xFFFFFF38  }
0x16b: {  	[spmem:s2] =	stream.indirect.scatter.add.f32 [tilespmem:s6], [sflag:$0x3], $0x80, s5, s14, $0xb8;
	[tilespmem:$0x19F00] =	vst v63  }
0x16c: {  	_ =	swait.ge [sflag:s7], $0x6400  }
0x16d: {  	s26 =	sld [smem:$0x7FD]  }
0x16e: {  	[sflag:s7] =	ssyncset.done $0x0  }
0x16f: {  	[sflag:s7] =	ssyncadd.s32 $0xFFFF9C00  }
0x170: {  	[tilespmem:s5], [sflag:$0x2] =	stream.linear.gather [hbm4b:s26+s3], $0xC8, $0x38;
	[tilespmem:$0x19F00] =	vst v63  }
0x171: {  	_ =	swait.ge [sflag:s13], $0xC8  }
0x172: {  	[sflag:s13] =	ssyncset.done $0x0  }
0x173: {  	[sflag:s13] =	ssyncadd.s32 $0xFFFFFF38  }
0x174: {  	[spmem:s2] =	stream.indirect.scatter.add.f32 [tilespmem:s6], [sflag:$0x3], $0x80, s3, s14, $0xb8;
	[tilespmem:$0x19F00] =	vst v63  }
0x175: {  	_ =	swait.ge [sflag:s7], $0x6400  }
0x176: {  	[sflag:s7] =	ssyncset.done $0x0  }
0x177: {  	s16 =	sadd.s32 $0x3B6, s4;
	[sflag:s7] =	ssyncadd.s32 $0xFFFF9C00  }
0x178: {  	[tilespmem:s3], [sflag:$0x1] =	stream.linear.gather [hbm4b:s16+s3], $0xC8, $0x38;
	[tilespmem:$0x19F00] =	vst v63  }
0x179: {  	_ =	swait.ge [sflag:s15], $0xC8  }
0x17a: {  	[sflag:s15] =	ssyncset.done $0x0  }
0x17b: {  	[sflag:s15] =	ssyncadd.s32 $0xFFFFFF38  }
0x17c: {  	[spmem:s2] =	stream.indirect.scatter.add.f32 [tilespmem:s6], [sflag:$0x3], $0x80, s5, s14, $0xb8;
	[tilespmem:$0x19F00] =	vst v63  }
0x17d: {  	s17 =	sadd.s32 $0x1E78, s28;
	_ =	swait.ge [sflag:s7], $0x6400  }
0x17e: {  	s17 =	sshrl.u32 s17, $0x3;
	[sflag:s7] =	ssyncset.done $0x0  }
0x17f: {  	s17 =	sadd.s32 s31, s17;
	[sflag:s7] =	ssyncadd.s32 $0xFFFF9C00  }
0x180: {  	[tilespmem:s5], [sflag:$0x2] =	stream.linear.gather [hbm4b:s17+s3], $0xC8, $0x38;
	[tilespmem:$0x19F00] =	vst v63  }
0x181: {  	_ =	swait.ge [sflag:s13], $0xC8  }
0x182: {  	[sflag:s13] =	ssyncset.done $0x0  }
0x183: {  	[sflag:s13] =	ssyncadd.s32 $0xFFFFFF38  }
0x184: {  	[spmem:s2] =	stream.indirect.scatter.add.f32 [tilespmem:s6], [sflag:$0x3], $0x80, s3, s14, $0xb8;
	[tilespmem:$0x19F00] =	vst v63  }
0x185: {  	_ =	swait.ge [sflag:s7], $0x6400  }
0x186: {  	[sflag:s7] =	ssyncset.done $0x0  }
0x187: {  	s18 =	sadd.s32 $0x3E8, s4;
	[sflag:s7] =	ssyncadd.s32 $0xFFFF9C00  }
0x188: {  	[tilespmem:s3], [sflag:$0x1] =	stream.linear.gather [hbm4b:s18+s3], $0xC8, $0x38;
	[tilespmem:$0x19F00] =	vst v63  }
0x189: {  	_ =	swait.ge [sflag:s15], $0xC8  }
0x18a: {  	[sflag:s15] =	ssyncset.done $0x0  }
0x18b: {  	[sflag:s15] =	ssyncadd.s32 $0xFFFFFF38  }
0x18c: {  	[spmem:s2] =	stream.indirect.scatter.add.f32 [tilespmem:s6], [sflag:$0x3], $0x80, s5, s14, $0xb8;
	[tilespmem:$0x19F00] =	vst v63  }
0x18d: {  	s19 =	sadd.s32 $0x2008, s28;
	_ =	swait.ge [sflag:s7], $0x6400  }
0x18e: {  	s19 =	sshrl.u32 s19, $0x3;
	[sflag:s7] =	ssyncset.done $0x0  }
0x18f: {  	s19 =	sadd.s32 s31, s19;
	[sflag:s7] =	ssyncadd.s32 $0xFFFF9C00  }
0x190: {  	[tilespmem:s5], [sflag:$0x2] =	stream.linear.gather [hbm4b:s19+s3], $0xC8, $0x38;
	[tilespmem:$0x19F00] =	vst v63  }
0x191: {  	_ =	swait.ge [sflag:s13], $0xC8  }
0x192: {  	[sflag:s13] =	ssyncset.done $0x0  }
0x193: {  	[sflag:s13] =	ssyncadd.s32 $0xFFFFFF38  }
0x194: {  	[spmem:s2] =	stream.indirect.scatter.add.f32 [tilespmem:s6], [sflag:$0x3], $0x80, s3, s14, $0xb8;
	[tilespmem:$0x19F00] =	vst v63  }
0x195: {  	_ =	swait.ge [sflag:s7], $0x6400  }
0x196: {  	[sflag:s7] =	ssyncset.done $0x0  }
0x197: {  	s20 =	sadd.s32 $0x41A, s4;
	[sflag:s7] =	ssyncadd.s32 $0xFFFF9C00  }
0x198: {  	[tilespmem:s3], [sflag:$0x1] =	stream.linear.gather [hbm4b:s20+s3], $0xC8, $0x38;
	[tilespmem:$0x19F00] =	vst v63  }
0x199: {  	_ =	swait.ge [sflag:s15], $0xC8  }
0x19a: {  	[sflag:s15] =	ssyncset.done $0x0  }
0x19b: {  	[sflag:s15] =	ssyncadd.s32 $0xFFFFFF38  }
0x19c: {  	[spmem:s2] =	stream.indirect.scatter.add.f32 [tilespmem:s6], [sflag:$0x3], $0x80, s5, s14, $0xb8;
	[tilespmem:$0x19F00] =	vst v63  }
0x19d: {  	s21 =	sadd.s32 $0x2198, s28;
	_ =	swait.ge [sflag:s7], $0x6400  }
0x19e: {  	s21 =	sshrl.u32 s21, $0x3;
	[sflag:s7] =	ssyncset.done $0x0  }
0x19f: {  	s21 =	sadd.s32 s31, s21;
	[sflag:s7] =	ssyncadd.s32 $0xFFFF9C00  }
0x1a0: {  	[tilespmem:s5], [sflag:$0x2] =	stream.linear.gather [hbm4b:s21+s3], $0xC8, $0x38;
	[tilespmem:$0x19F00] =	vst v63  }
0x1a1: {  	_ =	swait.ge [sflag:s13], $0xC8  }
0x1a2: {  	[sflag:s13] =	ssyncset.done $0x0  }
0x1a3: {  	[sflag:s13] =	ssyncadd.s32 $0xFFFFFF38  }
0x1a4: {  	[spmem:s2] =	stream.indirect.scatter.add.f32 [tilespmem:s6], [sflag:$0x3], $0x80, s3, s14, $0xb8;
	[tilespmem:$0x19F00] =	vst v63  }
0x1a5: {  	_ =	swait.ge [sflag:s7], $0x6400  }
0x1a6: {  	[sflag:s7] =	ssyncset.done $0x0  }
0x1a7: {  	s22 =	sadd.s32 $0x44C, s4;
	[sflag:s7] =	ssyncadd.s32 $0xFFFF9C00  }
0x1a8: {  	[tilespmem:s3], [sflag:$0x1] =	stream.linear.gather [hbm4b:s22+s3], $0xC8, $0x38;
	[tilespmem:$0x19F00] =	vst v63  }
0x1a9: {  	_ =	swait.ge [sflag:s15], $0xC8  }
0x1aa: {  	[sflag:s15] =	ssyncset.done $0x0  }
0x1ab: {  	[sflag:s15] =	ssyncadd.s32 $0xFFFFFF38  }
0x1ac: {  	[spmem:s2] =	stream.indirect.scatter.add.f32 [tilespmem:s6], [sflag:$0x3], $0x80, s5, s14, $0xb8;
	[tilespmem:$0x19F00] =	vst v63  }
0x1ad: {  	s23 =	sadd.s32 $0x2328, s28;
	_ =	swait.ge [sflag:s7], $0x6400  }
0x1ae: {  	s23 =	sshrl.u32 s23, $0x3;
	[sflag:s7] =	ssyncset.done $0x0  }
0x1af: {  	s23 =	sadd.s32 s31, s23;
	[sflag:s7] =	ssyncadd.s32 $0xFFFF9C00  }
0x1b0: {  	[tilespmem:s5], [sflag:$0x2] =	stream.linear.gather [hbm4b:s23+s3], $0xC8, $0x38;
	[tilespmem:$0x19F00] =	vst v63  }
0x1b1: {  	_ =	swait.ge [sflag:s13], $0xC8  }
0x1b2: {  	[sflag:s13] =	ssyncset.done $0x0  }
0x1b3: {  	[sflag:s13] =	ssyncadd.s32 $0xFFFFFF38  }
0x1b4: {  	[spmem:s2] =	stream.indirect.scatter.add.f32 [tilespmem:s6], [sflag:$0x3], $0x80, s3, s14, $0xb8;
	[tilespmem:$0x19F00] =	vst v63  }
0x1b5: {  	_ =	swait.ge [sflag:s7], $0x6400  }
0x1b6: {  	[sflag:s7] =	ssyncset.done $0x0  }
0x1b7: {  	s24 =	sadd.s32 $0x47E, s4;
	[sflag:s7] =	ssyncadd.s32 $0xFFFF9C00  }
0x1b8: {  	[tilespmem:s3], [sflag:$0x1] =	stream.linear.gather [hbm4b:s24+s3], $0xC8, $0x38;
	[tilespmem:$0x19F00] =	vst v63  }
0x1b9: {  	_ =	swait.ge [sflag:s15], $0xC8  }
0x1ba: {  	[sflag:s15] =	ssyncset.done $0x0  }
0x1bb: {  	[sflag:s15] =	ssyncadd.s32 $0xFFFFFF38  }
0x1bc: {  	[spmem:s2] =	stream.indirect.scatter.add.f32 [tilespmem:s6], [sflag:$0x3], $0x80, s5, s14, $0xb8;
	[tilespmem:$0x19F00] =	vst v63  }
0x1bd: {  	s25 =	sadd.s32 $0x24B8, s28;
	_ =	swait.ge [sflag:s7], $0x6400  }
0x1be: {  	s25 =	sshrl.u32 s25, $0x3;
	[sflag:s7] =	ssyncset.done $0x0  }
0x1bf: {  	s25 =	sadd.s32 s31, s25;
	[sflag:s7] =	ssyncadd.s32 $0xFFFF9C00  }
0x1c0: {  	[tilespmem:s5], [sflag:$0x2] =	stream.linear.gather [hbm4b:s25+s3], $0xC8, $0x38;
	[tilespmem:$0x19F00] =	vst v63  }
0x1c1: {  	_ =	swait.ge [sflag:s13], $0xC8  }
0x1c2: {  	[sflag:s13] =	ssyncset.done $0x0  }
0x1c3: {  	[sflag:s13] =	ssyncadd.s32 $0xFFFFFF38  }
0x1c4: {  	[spmem:s2] =	stream.indirect.scatter.add.f32 [tilespmem:s6], [sflag:$0x3], $0x80, s3, s14, $0xb8;
	[tilespmem:$0x19F00] =	vst v63  }
0x1c5: {  	_ =	swait.ge [sflag:s7], $0x6400  }
0x1c6: {  	[sflag:s7] =	ssyncset.done $0x0  }
0x1c7: {  	s26 =	sadd.s32 $0x4B0, s4;
	[sflag:s7] =	ssyncadd.s32 $0xFFFF9C00  }
0x1c8: {  	[tilespmem:s3], [sflag:$0x1] =	stream.linear.gather [hbm4b:s26+s3], $0xC8, $0x38;
	[tilespmem:$0x19F00] =	vst v63  }
0x1c9: {  	_ =	swait.ge [sflag:s15], $0xC8  }
0x1ca: {  	[sflag:s15] =	ssyncset.done $0x0  }
0x1cb: {  	[sflag:s15] =	ssyncadd.s32 $0xFFFFFF38  }
0x1cc: {  	[spmem:s2] =	stream.indirect.scatter.add.f32 [tilespmem:s6], [sflag:$0x3], $0x80, s5, s14, $0xb8;
	[tilespmem:$0x19F00] =	vst v63  }
0x1cd: {  	s28 =	sadd.s32 $0x2648, s28;
	_ =	swait.ge [sflag:s7], $0x6400  }
0x1ce: {  	s28 =	sshrl.u32 s28, $0x3;
	[sflag:s7] =	ssyncset.done $0x0  }
0x1cf: {  	s28 =	sadd.s32 s31, s28;
	[sflag:s7] =	ssyncadd.s32 $0xFFFF9C00  }
0x1d0: {  	[tilespmem:s5], [sflag:$0x2] =	stream.linear.gather [hbm4b:s28+s3], $0xC8, $0x38;
	[tilespmem:$0x19F00] =	vst v63  }
0x1d1: {  	_ =	swait.ge [sflag:s13], $0xC8  }
0x1d2: {  	s0 =	smul.u32 $0x1F400, s0;
	[sflag:s13] =	ssyncset.done $0x0  }
0x1d3: {  	s31 =	smul.u32 $0x138800, s30;
	[sflag:s13] =	ssyncadd.s32 $0xFFFFFF38  }
0x1d4: {  	[spmem:s2] =	stream.indirect.scatter.add.f32 [tilespmem:s6], [sflag:$0x3], $0x80, s3, s14, $0xb8;
	[tilespmem:$0x19F00] =	vst v63  }
0x1d5: {  	_ =	swait.ge [sflag:s7], $0x6400  }
0x1d6: {  	s0 =	sadd.s32 s0, s31;
	[sflag:s7] =	ssyncset.done $0x0  }
0x1d7: {  	s30 =	ssub.s32 $0x2, s30;
	s0 =	sshrl.u32 s0, $0x3;
	[sflag:s7] =	ssyncadd.s32 $0xFFFF9C00  }
0x1d8: {  	s0 =	sadd.s32 s0, s29;
	s29 =	sshrl.u32 s30, $0x1;
	_ =	swait.ge [sflag:s15], $0xC8  }
0x1d9: {  	s30 =	ssub.s32 s30, s29;
	[sflag:s15] =	ssyncset.done $0x0  }
0x1da: {  	s31 =	smax.u32 s30, $0x1;
	[sflag:s15] =	ssyncadd.s32 $0xFFFFFF38  }
0x1db: {  	[spmem:s2] =	stream.indirect.scatter.add.f32 [tilespmem:s6], [sflag:$0x3], $0x80, s5, s14, $0xb8;
	[tilespmem:$0x19F00] =	vst v63  }
0x1dc: {  	s30 =	sadd.s32 $0xFFFFFFFF, s31;
	_ =	swait.ge [sflag:s7], $0x6400  }
0x1dd: {  	p2 =	sne.s32 s30, $0x0;
	[sflag:s7] =	ssyncset.done $0x0  }
.Ltmp0:
0x1de: {  	[sflag:s7] =	ssyncadd.s32 $0xFFFF9C00;
	(pc) =	sbr.rel @!p2 .LBB2_2-.Ltmp0, $4  }
0x1df: {  	s29 =	sadd.s32 $0x3C800, s0;
	[bflag:$0x0] =	sbarrier.arrive $0xFFFF  }
0x1e0: {  	[hbm:s29], [sflag:s12] =	dma.local @!p0 [spmem:s1], $0x3E80  }
0x1e1: {  	_ =	swait.ge @!p0 [sflag:s11], $0x3E80  }
0x1e2: {  	[sflag:s11] =	ssyncset.done @!p0 $0x0  }
.LBB2_1:
0x1e3: {  	[sflag:s11] =	ssyncadd.s32 @!p0 $0xFFFFC180  }
0x1e4: {  	[tilespmem:s3], [sflag:$0x1] =	stream.linear.gather [hbm4b:s4+s3], $0xC8, $0x38;
	[tilespmem:$0x19F00] =	vst v63  }
0x1e5: {  	s0 =	rddreg [dreg:$0x5]  }
0x1e6: {  	[tilespmem:s5], [sflag:$0x2] =	stream.linear.gather [hbm4b:s0+s3], $0xC8, $0x38;
	[tilespmem:$0x19F00] =	vst v63  }
0x1e7: {  	s1 =	rddreg [dreg:$0x4]  }
0x1e8: {  	[tilespmem:s6], [sflag:$0x3] =	stream.linear.gather [hbm4b:s1+s3], $0x6400, $0x38;
	[tilespmem:$0x19F00] =	vst v63  }
0x1e9: {  	_ =	swait.ge [sflag:s7], $0x6400  }
0x1ea: {  	[sflag:s7] =	ssyncset.done $0x0  }
0x1eb: {  	s0 =	rddreg [dreg:$0x6];
	[sflag:s7] =	ssyncadd.s32 $0xFFFF9C00  }
0x1ec: {  	[spmem:s8], [sflag:s9] =	dma.local @!p1 [hbm:s0], $0x100  }
0x1ed: {  	_ =	swait.ge @!p1 [sflag:s10], $0x100  }
0x1ee: {  	[sflag:s10] =	ssyncset.done @!p1 $0x0;
	s0 =	rddreg [dreg:$0x7]  }
0x1ef: {  	s1 =	rddreg [dreg:$0x8];
	[sflag:s10] =	ssyncadd.s32 @!p1 $0xFFFFFF00;
	s31 =	sshrl.u32 @!p0 s0, $0x3  }
0x1f0: {  	[spmem:s31], [sflag:s12] =	dma.local @!p0 [hbm:s1], $0x3E80  }
0x1f1: {  	_ =	swait.ge @!p0 [sflag:s11], $0x3E80  }
0x1f2: {  	[sflag:s11] =	ssyncset.done @!p0 $0x0  }
0x1f3: {  	[sflag:s11] =	ssyncadd.s32 @!p0 $0xFFFFC180  }
0x1f4: {  	[bflag:$0x0] =	sbarrier.arrive $0xFFFF  }
0x1f5: {  	_ =	swait.ge [sflag:s13], $0xC8  }
0x1f6: {  	[sflag:s13] =	ssyncset.done $0x0  }
0x1f7: {  	[sflag:s13] =	ssyncadd.s32 $0xFFFFFF38  }
0x1f8: {  	[spmem:s2] =	stream.indirect.scatter.add.f32 [tilespmem:s6], [sflag:$0x3], $0x80, s3, s14, $0xb8;
	[tilespmem:$0x19F00] =	vst v63  }
0x1f9: {  	_ =	swait.ge [sflag:s7], $0x6400  }
0x1fa: {  	[sflag:s7] =	ssyncset.done $0x0  }
0x1fb: {  	s1 =	rddreg [dreg:$0x9];
	[sflag:s7] =	ssyncadd.s32 $0xFFFF9C00  }
0x1fc: {  	[tilespmem:s3], [sflag:$0x1] =	stream.linear.gather [hbm4b:s1+s3], $0xC8, $0x38;
	[tilespmem:$0x19F00] =	vst v63  }
0x1fd: {  	_ =	swait.ge [sflag:s15], $0xC8  }
0x1fe: {  	[sflag:s15] =	ssyncset.done $0x0  }
0x1ff: {  	[sflag:s15] =	ssyncadd.s32 $0xFFFFFF38  }
0x200: {  	[spmem:s2] =	stream.indirect.scatter.add.f32 [tilespmem:s6], [sflag:$0x3], $0x80, s5, s14, $0xb8;
	[tilespmem:$0x19F00] =	vst v63  }
0x201: {  	_ =	swait.ge [sflag:s7], $0x6400  }
0x202: {  	[sflag:s7] =	ssyncset.done $0x0  }
0x203: {  	s1 =	rddreg [dreg:$0xa];
	[sflag:s7] =	ssyncadd.s32 $0xFFFF9C00  }
0x204: {  	[tilespmem:s5], [sflag:$0x2] =	stream.linear.gather [hbm4b:s1+s3], $0xC8, $0x38;
	[tilespmem:$0x19F00] =	vst v63  }
0x205: {  	_ =	swait.ge [sflag:s13], $0xC8  }
0x206: {  	[sflag:s13] =	ssyncset.done $0x0  }
0x207: {  	[sflag:s13] =	ssyncadd.s32 $0xFFFFFF38  }
0x208: {  	[spmem:s2] =	stream.indirect.scatter.add.f32 [tilespmem:s6], [sflag:$0x3], $0x80, s3, s14, $0xb8;
	[tilespmem:$0x19F00] =	vst v63  }
0x209: {  	_ =	swait.ge [sflag:s7], $0x6400  }
0x20a: {  	[sflag:s7] =	ssyncset.done $0x0  }
0x20b: {  	s1 =	rddreg [dreg:$0xb];
	[sflag:s7] =	ssyncadd.s32 $0xFFFF9C00  }
0x20c: {  	[tilespmem:s3], [sflag:$0x1] =	stream.linear.gather [hbm4b:s1+s3], $0xC8, $0x38;
	[tilespmem:$0x19F00] =	vst v63  }
0x20d: {  	_ =	swait.ge [sflag:s15], $0xC8  }
0x20e: {  	[sflag:s15] =	ssyncset.done $0x0  }
0x20f: {  	[sflag:s15] =	ssyncadd.s32 $0xFFFFFF38  }
0x210: {  	[spmem:s2] =	stream.indirect.scatter.add.f32 [tilespmem:s6], [sflag:$0x3], $0x80, s5, s14, $0xb8;
	[tilespmem:$0x19F00] =	vst v63  }
0x211: {  	_ =	swait.ge [sflag:s7], $0x6400  }
0x212: {  	[sflag:s7] =	ssyncset.done $0x0  }
0x213: {  	s1 =	rddreg [dreg:$0xc];
	[sflag:s7] =	ssyncadd.s32 $0xFFFF9C00  }
0x214: {  	[tilespmem:s5], [sflag:$0x2] =	stream.linear.gather [hbm4b:s1+s3], $0xC8, $0x38;
	[tilespmem:$0x19F00] =	vst v63  }
0x215: {  	_ =	swait.ge [sflag:s13], $0xC8  }
0x216: {  	[sflag:s13] =	ssyncset.done $0x0  }
0x217: {  	[sflag:s13] =	ssyncadd.s32 $0xFFFFFF38  }
0x218: {  	[spmem:s2] =	stream.indirect.scatter.add.f32 [tilespmem:s6], [sflag:$0x3], $0x80, s3, s14, $0xb8;
	[tilespmem:$0x19F00] =	vst v63  }
0x219: {  	_ =	swait.ge [sflag:s7], $0x6400  }
0x21a: {  	[sflag:s7] =	ssyncset.done $0x0  }
0x21b: {  	s1 =	rddreg [dreg:$0xd];
	[sflag:s7] =	ssyncadd.s32 $0xFFFF9C00  }
0x21c: {  	[tilespmem:s3], [sflag:$0x1] =	stream.linear.gather [hbm4b:s1+s3], $0xC8, $0x38;
	[tilespmem:$0x19F00] =	vst v63  }
0x21d: {  	_ =	swait.ge [sflag:s15], $0xC8  }
0x21e: {  	[sflag:s15] =	ssyncset.done $0x0  }
0x21f: {  	[sflag:s15] =	ssyncadd.s32 $0xFFFFFF38  }
0x220: {  	[spmem:s2] =	stream.indirect.scatter.add.f32 [tilespmem:s6], [sflag:$0x3], $0x80, s5, s14, $0xb8;
	[tilespmem:$0x19F00] =	vst v63  }
0x221: {  	_ =	swait.ge [sflag:s7], $0x6400  }
0x222: {  	[sflag:s7] =	ssyncset.done $0x0  }
0x223: {  	s1 =	rddreg [dreg:$0xe];
	[sflag:s7] =	ssyncadd.s32 $0xFFFF9C00  }
0x224: {  	[tilespmem:s5], [sflag:$0x2] =	stream.linear.gather [hbm4b:s1+s3], $0xC8, $0x38;
	[tilespmem:$0x19F00] =	vst v63  }
0x225: {  	_ =	swait.ge [sflag:s13], $0xC8  }
0x226: {  	[sflag:s13] =	ssyncset.done $0x0  }
0x227: {  	[sflag:s13] =	ssyncadd.s32 $0xFFFFFF38  }
0x228: {  	[spmem:s2] =	stream.indirect.scatter.add.f32 [tilespmem:s6], [sflag:$0x3], $0x80, s3, s14, $0xb8;
	[tilespmem:$0x19F00] =	vst v63  }
0x229: {  	_ =	swait.ge [sflag:s7], $0x6400  }
0x22a: {  	[sflag:s7] =	ssyncset.done $0x0  }
0x22b: {  	s1 =	rddreg [dreg:$0xf];
	[sflag:s7] =	ssyncadd.s32 $0xFFFF9C00  }
0x22c: {  	[tilespmem:s3], [sflag:$0x1] =	stream.linear.gather [hbm4b:s1+s3], $0xC8, $0x38;
	[tilespmem:$0x19F00] =	vst v63  }
0x22d: {  	_ =	swait.ge [sflag:s15], $0xC8  }
0x22e: {  	[sflag:s15] =	ssyncset.done $0x0  }
0x22f: {  	[sflag:s15] =	ssyncadd.s32 $0xFFFFFF38  }
0x230: {  	[spmem:s2] =	stream.indirect.scatter.add.f32 [tilespmem:s6], [sflag:$0x3], $0x80, s5, s14, $0xb8;
	[tilespmem:$0x19F00] =	vst v63  }
0x231: {  	_ =	swait.ge [sflag:s7], $0x6400  }
0x232: {  	[sflag:s7] =	ssyncset.done $0x0  }
0x233: {  	s1 =	rddreg [dreg:$0x10];
	[sflag:s7] =	ssyncadd.s32 $0xFFFF9C00  }
0x234: {  	[tilespmem:s5], [sflag:$0x2] =	stream.linear.gather [hbm4b:s1+s3], $0xC8, $0x38;
	[tilespmem:$0x19F00] =	vst v63  }
0x235: {  	_ =	swait.ge [sflag:s13], $0xC8  }
0x236: {  	[sflag:s13] =	ssyncset.done $0x0  }
0x237: {  	[sflag:s13] =	ssyncadd.s32 $0xFFFFFF38  }
0x238: {  	[spmem:s2] =	stream.indirect.scatter.add.f32 [tilespmem:s6], [sflag:$0x3], $0x80, s3, s14, $0xb8;
	[tilespmem:$0x19F00] =	vst v63  }
0x239: {  	_ =	swait.ge [sflag:s7], $0x6400  }
0x23a: {  	[sflag:s7] =	ssyncset.done $0x0  }
0x23b: {  	s1 =	rddreg [dreg:$0x11];
	[sflag:s7] =	ssyncadd.s32 $0xFFFF9C00  }
0x23c: {  	[tilespmem:s3], [sflag:$0x1] =	stream.linear.gather [hbm4b:s1+s3], $0xC8, $0x38;
	[tilespmem:$0x19F00] =	vst v63  }
0x23d: {  	_ =	swait.ge [sflag:s15], $0xC8  }
0x23e: {  	[sflag:s15] =	ssyncset.done $0x0  }
0x23f: {  	[sflag:s15] =	ssyncadd.s32 $0xFFFFFF38  }
0x240: {  	[spmem:s2] =	stream.indirect.scatter.add.f32 [tilespmem:s6], [sflag:$0x3], $0x80, s5, s14, $0xb8;
	[tilespmem:$0x19F00] =	vst v63  }
0x241: {  	_ =	swait.ge [sflag:s7], $0x6400  }
0x242: {  	[sflag:s7] =	ssyncset.done $0x0  }
0x243: {  	s1 =	rddreg [dreg:$0x12];
	[sflag:s7] =	ssyncadd.s32 $0xFFFF9C00  }
0x244: {  	[tilespmem:s5], [sflag:$0x2] =	stream.linear.gather [hbm4b:s1+s3], $0xC8, $0x38;
	[tilespmem:$0x19F00] =	vst v63  }
0x245: {  	_ =	swait.ge [sflag:s13], $0xC8  }
0x246: {  	[sflag:s13] =	ssyncset.done $0x0  }
0x247: {  	[sflag:s13] =	ssyncadd.s32 $0xFFFFFF38  }
0x248: {  	[spmem:s2] =	stream.indirect.scatter.add.f32 [tilespmem:s6], [sflag:$0x3], $0x80, s3, s14, $0xb8;
	[tilespmem:$0x19F00] =	vst v63  }
0x249: {  	_ =	swait.ge [sflag:s7], $0x6400  }
0x24a: {  	[sflag:s7] =	ssyncset.done $0x0  }
0x24b: {  	s1 =	rddreg [dreg:$0x13];
	[sflag:s7] =	ssyncadd.s32 $0xFFFF9C00  }
0x24c: {  	[tilespmem:s3], [sflag:$0x1] =	stream.linear.gather [hbm4b:s1+s3], $0xC8, $0x38;
	[tilespmem:$0x19F00] =	vst v63  }
0x24d: {  	_ =	swait.ge [sflag:s15], $0xC8  }
0x24e: {  	[sflag:s15] =	ssyncset.done $0x0  }
0x24f: {  	[sflag:s15] =	ssyncadd.s32 $0xFFFFFF38  }
0x250: {  	[spmem:s2] =	stream.indirect.scatter.add.f32 [tilespmem:s6], [sflag:$0x3], $0x80, s5, s14, $0xb8;
	[tilespmem:$0x19F00] =	vst v63  }
0x251: {  	_ =	swait.ge [sflag:s7], $0x6400  }
0x252: {  	[sflag:s7] =	ssyncset.done $0x0  }
0x253: {  	s1 =	rddreg [dreg:$0x14];
	[sflag:s7] =	ssyncadd.s32 $0xFFFF9C00  }
0x254: {  	[tilespmem:s5], [sflag:$0x2] =	stream.linear.gather [hbm4b:s1+s3], $0xC8, $0x38;
	[tilespmem:$0x19F00] =	vst v63  }
0x255: {  	_ =	swait.ge [sflag:s13], $0xC8  }
0x256: {  	[sflag:s13] =	ssyncset.done $0x0  }
0x257: {  	[sflag:s13] =	ssyncadd.s32 $0xFFFFFF38  }
0x258: {  	[spmem:s2] =	stream.indirect.scatter.add.f32 [tilespmem:s6], [sflag:$0x3], $0x80, s3, s14, $0xb8;
	[tilespmem:$0x19F00] =	vst v63  }
0x259: {  	_ =	swait.ge [sflag:s7], $0x6400  }
0x25a: {  	[sflag:s7] =	ssyncset.done $0x0  }
0x25b: {  	s1 =	rddreg [dreg:$0x15];
	[sflag:s7] =	ssyncadd.s32 $0xFFFF9C00  }
0x25c: {  	[tilespmem:s3], [sflag:$0x1] =	stream.linear.gather [hbm4b:s1+s3], $0xC8, $0x38;
	[tilespmem:$0x19F00] =	vst v63  }
0x25d: {  	_ =	swait.ge [sflag:s15], $0xC8  }
0x25e: {  	[sflag:s15] =	ssyncset.done $0x0  }
0x25f: {  	[sflag:s15] =	ssyncadd.s32 $0xFFFFFF38  }
0x260: {  	[spmem:s2] =	stream.indirect.scatter.add.f32 [tilespmem:s6], [sflag:$0x3], $0x80, s5, s14, $0xb8;
	[tilespmem:$0x19F00] =	vst v63  }
0x261: {  	_ =	swait.ge [sflag:s7], $0x6400  }
0x262: {  	[sflag:s7] =	ssyncset.done $0x0  }
0x263: {  	s1 =	rddreg [dreg:$0x16];
	[sflag:s7] =	ssyncadd.s32 $0xFFFF9C00  }
0x264: {  	[tilespmem:s5], [sflag:$0x2] =	stream.linear.gather [hbm4b:s1+s3], $0xC8, $0x38;
	[tilespmem:$0x19F00] =	vst v63  }
0x265: {  	_ =	swait.ge [sflag:s13], $0xC8  }
0x266: {  	[sflag:s13] =	ssyncset.done $0x0  }
0x267: {  	[sflag:s13] =	ssyncadd.s32 $0xFFFFFF38  }
0x268: {  	[spmem:s2] =	stream.indirect.scatter.add.f32 [tilespmem:s6], [sflag:$0x3], $0x80, s3, s14, $0xb8;
	[tilespmem:$0x19F00] =	vst v63  }
0x269: {  	_ =	swait.ge [sflag:s7], $0x6400  }
0x26a: {  	[sflag:s7] =	ssyncset.done $0x0  }
0x26b: {  	s1 =	rddreg [dreg:$0x17];
	[sflag:s7] =	ssyncadd.s32 $0xFFFF9C00  }
0x26c: {  	[tilespmem:s3], [sflag:$0x1] =	stream.linear.gather [hbm4b:s1+s3], $0xC8, $0x38;
	[tilespmem:$0x19F00] =	vst v63  }
0x26d: {  	_ =	swait.ge [sflag:s15], $0xC8  }
0x26e: {  	[sflag:s15] =	ssyncset.done $0x0  }
0x26f: {  	[sflag:s15] =	ssyncadd.s32 $0xFFFFFF38  }
0x270: {  	[spmem:s2] =	stream.indirect.scatter.add.f32 [tilespmem:s6], [sflag:$0x3], $0x80, s5, s14, $0xb8;
	[tilespmem:$0x19F00] =	vst v63  }
0x271: {  	_ =	swait.ge [sflag:s7], $0x6400  }
0x272: {  	[sflag:s7] =	ssyncset.done $0x0  }
0x273: {  	s1 =	rddreg [dreg:$0x18];
	[sflag:s7] =	ssyncadd.s32 $0xFFFF9C00  }
0x274: {  	[tilespmem:s5], [sflag:$0x2] =	stream.linear.gather [hbm4b:s1+s3], $0xC8, $0x38;
	[tilespmem:$0x19F00] =	vst v63  }
0x275: {  	_ =	swait.ge [sflag:s13], $0xC8  }
0x276: {  	[sflag:s13] =	ssyncset.done $0x0  }
0x277: {  	[sflag:s13] =	ssyncadd.s32 $0xFFFFFF38  }
0x278: {  	[spmem:s2] =	stream.indirect.scatter.add.f32 [tilespmem:s6], [sflag:$0x3], $0x80, s3, s14, $0xb8;
	[tilespmem:$0x19F00] =	vst v63  }
0x279: {  	_ =	swait.ge [sflag:s7], $0x6400  }
0x27a: {  	[sflag:s7] =	ssyncset.done $0x0  }
0x27b: {  	s1 =	rddreg [dreg:$0x19];
	[sflag:s7] =	ssyncadd.s32 $0xFFFF9C00  }
0x27c: {  	[tilespmem:s3], [sflag:$0x1] =	stream.linear.gather [hbm4b:s1+s3], $0xC8, $0x38;
	[tilespmem:$0x19F00] =	vst v63  }
0x27d: {  	_ =	swait.ge [sflag:s15], $0xC8  }
0x27e: {  	[sflag:s15] =	ssyncset.done $0x0  }
0x27f: {  	[sflag:s15] =	ssyncadd.s32 $0xFFFFFF38  }
0x280: {  	[spmem:s2] =	stream.indirect.scatter.add.f32 [tilespmem:s6], [sflag:$0x3], $0x80, s5, s14, $0xb8;
	[tilespmem:$0x19F00] =	vst v63  }
0x281: {  	_ =	swait.ge [sflag:s7], $0x6400  }
0x282: {  	[sflag:s7] =	ssyncset.done $0x0  }
0x283: {  	s1 =	rddreg [dreg:$0x1a];
	[sflag:s7] =	ssyncadd.s32 $0xFFFF9C00  }
0x284: {  	[tilespmem:s5], [sflag:$0x2] =	stream.linear.gather [hbm4b:s1+s3], $0xC8, $0x38;
	[tilespmem:$0x19F00] =	vst v63  }
0x285: {  	_ =	swait.ge [sflag:s13], $0xC8  }
0x286: {  	[sflag:s13] =	ssyncset.done $0x0  }
0x287: {  	[sflag:s13] =	ssyncadd.s32 $0xFFFFFF38  }
0x288: {  	[spmem:s2] =	stream.indirect.scatter.add.f32 [tilespmem:s6], [sflag:$0x3], $0x80, s3, s14, $0xb8;
	[tilespmem:$0x19F00] =	vst v63  }
0x289: {  	_ =	swait.ge [sflag:s7], $0x6400  }
0x28a: {  	[sflag:s7] =	ssyncset.done $0x0  }
0x28b: {  	s1 =	rddreg [dreg:$0x1b];
	[sflag:s7] =	ssyncadd.s32 $0xFFFF9C00  }
0x28c: {  	[tilespmem:s3], [sflag:$0x1] =	stream.linear.gather [hbm4b:s1+s3], $0xC8, $0x38;
	[tilespmem:$0x19F00] =	vst v63  }
0x28d: {  	_ =	swait.ge [sflag:s15], $0xC8  }
0x28e: {  	[sflag:s15] =	ssyncset.done $0x0  }
0x28f: {  	[sflag:s15] =	ssyncadd.s32 $0xFFFFFF38  }
0x290: {  	[spmem:s2] =	stream.indirect.scatter.add.f32 [tilespmem:s6], [sflag:$0x3], $0x80, s5, s14, $0xb8;
	[tilespmem:$0x19F00] =	vst v63  }
0x291: {  	_ =	swait.ge [sflag:s7], $0x6400  }
0x292: {  	[sflag:s7] =	ssyncset.done $0x0  }
0x293: {  	s1 =	rddreg [dreg:$0x1c];
	[sflag:s7] =	ssyncadd.s32 $0xFFFF9C00  }
0x294: {  	[tilespmem:s5], [sflag:$0x2] =	stream.linear.gather [hbm4b:s1+s3], $0xC8, $0x38;
	[tilespmem:$0x19F00] =	vst v63  }
0x295: {  	_ =	swait.ge [sflag:s13], $0xC8  }
0x296: {  	[sflag:s13] =	ssyncset.done $0x0  }
0x297: {  	[sflag:s13] =	ssyncadd.s32 $0xFFFFFF38  }
0x298: {  	[spmem:s2] =	stream.indirect.scatter.add.f32 [tilespmem:s6], [sflag:$0x3], $0x80, s3, s14, $0xb8;
	[tilespmem:$0x19F00] =	vst v63  }
0x299: {  	_ =	swait.ge [sflag:s7], $0x6400  }
0x29a: {  	[sflag:s7] =	ssyncset.done $0x0  }
0x29b: {  	s1 =	rddreg [dreg:$0x1d];
	[sflag:s7] =	ssyncadd.s32 $0xFFFF9C00  }
0x29c: {  	[tilespmem:s3], [sflag:$0x1] =	stream.linear.gather [hbm4b:s1+s3], $0xC8, $0x38;
	[tilespmem:$0x19F00] =	vst v63  }
0x29d: {  	_ =	swait.ge [sflag:s15], $0xC8  }
0x29e: {  	[sflag:s15] =	ssyncset.done $0x0  }
0x29f: {  	[sflag:s15] =	ssyncadd.s32 $0xFFFFFF38  }
0x2a0: {  	[spmem:s2] =	stream.indirect.scatter.add.f32 [tilespmem:s6], [sflag:$0x3], $0x80, s5, s14, $0xb8;
	[tilespmem:$0x19F00] =	vst v63  }
0x2a1: {  	_ =	swait.ge [sflag:s7], $0x6400  }
0x2a2: {  	[sflag:s7] =	ssyncset.done $0x0  }
0x2a3: {  	s1 =	rddreg [dreg:$0x1e];
	[sflag:s7] =	ssyncadd.s32 $0xFFFF9C00  }
0x2a4: {  	[tilespmem:s5], [sflag:$0x2] =	stream.linear.gather [hbm4b:s1+s3], $0xC8, $0x38;
	[tilespmem:$0x19F00] =	vst v63  }
0x2a5: {  	_ =	swait.ge [sflag:s13], $0xC8  }
0x2a6: {  	[sflag:s13] =	ssyncset.done $0x0  }
0x2a7: {  	[sflag:s13] =	ssyncadd.s32 $0xFFFFFF38  }
0x2a8: {  	[spmem:s2] =	stream.indirect.scatter.add.f32 [tilespmem:s6], [sflag:$0x3], $0x80, s3, s14, $0xb8;
	[tilespmem:$0x19F00] =	vst v63  }
0x2a9: {  	_ =	swait.ge [sflag:s7], $0x6400  }
0x2aa: {  	[sflag:s7] =	ssyncset.done $0x0  }
0x2ab: {  	s1 =	rddreg [dreg:$0x1f];
	[sflag:s7] =	ssyncadd.s32 $0xFFFF9C00  }
0x2ac: {  	[tilespmem:s3], [sflag:$0x1] =	stream.linear.gather [hbm4b:s1+s3], $0xC8, $0x38;
	[tilespmem:$0x19F00] =	vst v63  }
0x2ad: {  	_ =	swait.ge [sflag:s15], $0xC8  }
0x2ae: {  	[sflag:s15] =	ssyncset.done $0x0  }
0x2af: {  	[sflag:s15] =	ssyncadd.s32 $0xFFFFFF38  }
0x2b0: {  	[spmem:s2] =	stream.indirect.scatter.add.f32 [tilespmem:s6], [sflag:$0x3], $0x80, s5, s14, $0xb8;
	[tilespmem:$0x19F00] =	vst v63  }
0x2b1: {  	_ =	swait.ge [sflag:s7], $0x6400  }
0x2b2: {  	s1 =	sld [smem:$0x7F1]  }
0x2b3: {  	[sflag:s7] =	ssyncset.done $0x0  }
0x2b4: {  	[sflag:s7] =	ssyncadd.s32 $0xFFFF9C00  }
0x2b5: {  	[tilespmem:s5], [sflag:$0x2] =	stream.linear.gather [hbm4b:s1+s3], $0xC8, $0x38;
	[tilespmem:$0x19F00] =	vst v63  }
0x2b6: {  	_ =	swait.ge [sflag:s13], $0xC8  }
0x2b7: {  	[sflag:s13] =	ssyncset.done $0x0  }
0x2b8: {  	[sflag:s13] =	ssyncadd.s32 $0xFFFFFF38  }
0x2b9: {  	[spmem:s2] =	stream.indirect.scatter.add.f32 [tilespmem:s6], [sflag:$0x3], $0x80, s3, s14, $0xb8;
	[tilespmem:$0x19F00] =	vst v63  }
0x2ba: {  	_ =	swait.ge [sflag:s7], $0x6400  }
0x2bb: {  	s1 =	sld [smem:$0x7F2]  }
0x2bc: {  	[sflag:s7] =	ssyncset.done $0x0  }
0x2bd: {  	[sflag:s7] =	ssyncadd.s32 $0xFFFF9C00  }
0x2be: {  	[tilespmem:s3], [sflag:$0x1] =	stream.linear.gather [hbm4b:s1+s3], $0xC8, $0x38;
	[tilespmem:$0x19F00] =	vst v63  }
0x2bf: {  	_ =	swait.ge [sflag:s15], $0xC8  }
0x2c0: {  	[sflag:s15] =	ssyncset.done $0x0  }
0x2c1: {  	[sflag:s15] =	ssyncadd.s32 $0xFFFFFF38  }
0x2c2: {  	[spmem:s2] =	stream.indirect.scatter.add.f32 [tilespmem:s6], [sflag:$0x3], $0x80, s5, s14, $0xb8;
	[tilespmem:$0x19F00] =	vst v63  }
0x2c3: {  	_ =	swait.ge [sflag:s7], $0x6400  }
0x2c4: {  	s1 =	sld [smem:$0x7F3]  }
0x2c5: {  	[sflag:s7] =	ssyncset.done $0x0  }
0x2c6: {  	[sflag:s7] =	ssyncadd.s32 $0xFFFF9C00  }
0x2c7: {  	[tilespmem:s5], [sflag:$0x2] =	stream.linear.gather [hbm4b:s1+s3], $0xC8, $0x38;
	[tilespmem:$0x19F00] =	vst v63  }
0x2c8: {  	_ =	swait.ge [sflag:s13], $0xC8  }
0x2c9: {  	[sflag:s13] =	ssyncset.done $0x0  }
0x2ca: {  	[sflag:s13] =	ssyncadd.s32 $0xFFFFFF38  }
0x2cb: {  	[spmem:s2] =	stream.indirect.scatter.add.f32 [tilespmem:s6], [sflag:$0x3], $0x80, s3, s14, $0xb8;
	[tilespmem:$0x19F00] =	vst v63  }
0x2cc: {  	_ =	swait.ge [sflag:s7], $0x6400  }
0x2cd: {  	s1 =	sld [smem:$0x7F4]  }
0x2ce: {  	[sflag:s7] =	ssyncset.done $0x0  }
0x2cf: {  	[sflag:s7] =	ssyncadd.s32 $0xFFFF9C00  }
0x2d0: {  	[tilespmem:s3], [sflag:$0x1] =	stream.linear.gather [hbm4b:s1+s3], $0xC8, $0x38;
	[tilespmem:$0x19F00] =	vst v63  }
0x2d1: {  	_ =	swait.ge [sflag:s15], $0xC8  }
0x2d2: {  	[sflag:s15] =	ssyncset.done $0x0  }
0x2d3: {  	[sflag:s15] =	ssyncadd.s32 $0xFFFFFF38  }
0x2d4: {  	[spmem:s2] =	stream.indirect.scatter.add.f32 [tilespmem:s6], [sflag:$0x3], $0x80, s5, s14, $0xb8;
	[tilespmem:$0x19F00] =	vst v63  }
0x2d5: {  	_ =	swait.ge [sflag:s7], $0x6400  }
0x2d6: {  	s1 =	sld [smem:$0x7F5]  }
0x2d7: {  	[sflag:s7] =	ssyncset.done $0x0  }
0x2d8: {  	[sflag:s7] =	ssyncadd.s32 $0xFFFF9C00  }
0x2d9: {  	[tilespmem:s5], [sflag:$0x2] =	stream.linear.gather [hbm4b:s1+s3], $0xC8, $0x38;
	[tilespmem:$0x19F00] =	vst v63  }
0x2da: {  	_ =	swait.ge [sflag:s13], $0xC8  }
0x2db: {  	[sflag:s13] =	ssyncset.done $0x0  }
0x2dc: {  	[sflag:s13] =	ssyncadd.s32 $0xFFFFFF38  }
0x2dd: {  	[spmem:s2] =	stream.indirect.scatter.add.f32 [tilespmem:s6], [sflag:$0x3], $0x80, s3, s14, $0xb8;
	[tilespmem:$0x19F00] =	vst v63  }
0x2de: {  	_ =	swait.ge [sflag:s7], $0x6400  }
0x2df: {  	s1 =	sld [smem:$0x7F6]  }
0x2e0: {  	[sflag:s7] =	ssyncset.done $0x0  }
0x2e1: {  	[sflag:s7] =	ssyncadd.s32 $0xFFFF9C00  }
0x2e2: {  	[tilespmem:s3], [sflag:$0x1] =	stream.linear.gather [hbm4b:s1+s3], $0xC8, $0x38;
	[tilespmem:$0x19F00] =	vst v63  }
0x2e3: {  	_ =	swait.ge [sflag:s15], $0xC8  }
0x2e4: {  	[sflag:s15] =	ssyncset.done $0x0  }
0x2e5: {  	[sflag:s15] =	ssyncadd.s32 $0xFFFFFF38  }
0x2e6: {  	[spmem:s2] =	stream.indirect.scatter.add.f32 [tilespmem:s6], [sflag:$0x3], $0x80, s5, s14, $0xb8;
	[tilespmem:$0x19F00] =	vst v63  }
0x2e7: {  	_ =	swait.ge [sflag:s7], $0x6400  }
0x2e8: {  	s1 =	sld [smem:$0x7F7]  }
0x2e9: {  	[sflag:s7] =	ssyncset.done $0x0  }
0x2ea: {  	[sflag:s7] =	ssyncadd.s32 $0xFFFF9C00  }
0x2eb: {  	[tilespmem:s5], [sflag:$0x2] =	stream.linear.gather [hbm4b:s1+s3], $0xC8, $0x38;
	[tilespmem:$0x19F00] =	vst v63  }
0x2ec: {  	_ =	swait.ge [sflag:s13], $0xC8  }
0x2ed: {  	[sflag:s13] =	ssyncset.done $0x0  }
0x2ee: {  	[sflag:s13] =	ssyncadd.s32 $0xFFFFFF38  }
0x2ef: {  	[spmem:s2] =	stream.indirect.scatter.add.f32 [tilespmem:s6], [sflag:$0x3], $0x80, s3, s14, $0xb8;
	[tilespmem:$0x19F00] =	vst v63  }
0x2f0: {  	_ =	swait.ge [sflag:s7], $0x6400  }
0x2f1: {  	s1 =	sld [smem:$0x7F8]  }
0x2f2: {  	[sflag:s7] =	ssyncset.done $0x0  }
0x2f3: {  	[sflag:s7] =	ssyncadd.s32 $0xFFFF9C00  }
0x2f4: {  	[tilespmem:s3], [sflag:$0x1] =	stream.linear.gather [hbm4b:s1+s3], $0xC8, $0x38;
	[tilespmem:$0x19F00] =	vst v63  }
0x2f5: {  	_ =	swait.ge [sflag:s15], $0xC8  }
0x2f6: {  	[sflag:s15] =	ssyncset.done $0x0  }
0x2f7: {  	[sflag:s15] =	ssyncadd.s32 $0xFFFFFF38  }
0x2f8: {  	[spmem:s2] =	stream.indirect.scatter.add.f32 [tilespmem:s6], [sflag:$0x3], $0x80, s5, s14, $0xb8;
	[tilespmem:$0x19F00] =	vst v63  }
0x2f9: {  	_ =	swait.ge [sflag:s7], $0x6400  }
0x2fa: {  	s1 =	sld [smem:$0x7F9]  }
0x2fb: {  	[sflag:s7] =	ssyncset.done $0x0  }
0x2fc: {  	[sflag:s7] =	ssyncadd.s32 $0xFFFF9C00  }
0x2fd: {  	[tilespmem:s5], [sflag:$0x2] =	stream.linear.gather [hbm4b:s1+s3], $0xC8, $0x38;
	[tilespmem:$0x19F00] =	vst v63  }
0x2fe: {  	_ =	swait.ge [sflag:s13], $0xC8  }
0x2ff: {  	[sflag:s13] =	ssyncset.done $0x0  }
0x300: {  	[sflag:s13] =	ssyncadd.s32 $0xFFFFFF38  }
0x301: {  	[spmem:s2] =	stream.indirect.scatter.add.f32 [tilespmem:s6], [sflag:$0x3], $0x80, s3, s14, $0xb8;
	[tilespmem:$0x19F00] =	vst v63  }
0x302: {  	_ =	swait.ge [sflag:s7], $0x6400  }
0x303: {  	s1 =	sld [smem:$0x7FA]  }
0x304: {  	[sflag:s7] =	ssyncset.done $0x0  }
0x305: {  	[sflag:s7] =	ssyncadd.s32 $0xFFFF9C00  }
0x306: {  	[tilespmem:s3], [sflag:$0x1] =	stream.linear.gather [hbm4b:s1+s3], $0xC8, $0x38;
	[tilespmem:$0x19F00] =	vst v63  }
0x307: {  	_ =	swait.ge [sflag:s15], $0xC8  }
0x308: {  	[sflag:s15] =	ssyncset.done $0x0  }
0x309: {  	[sflag:s15] =	ssyncadd.s32 $0xFFFFFF38  }
0x30a: {  	[spmem:s2] =	stream.indirect.scatter.add.f32 [tilespmem:s6], [sflag:$0x3], $0x80, s5, s14, $0xb8;
	[tilespmem:$0x19F00] =	vst v63  }
0x30b: {  	_ =	swait.ge [sflag:s7], $0x6400  }
0x30c: {  	s1 =	sld [smem:$0x7FB]  }
0x30d: {  	[sflag:s7] =	ssyncset.done $0x0  }
0x30e: {  	[sflag:s7] =	ssyncadd.s32 $0xFFFF9C00  }
0x30f: {  	[tilespmem:s5], [sflag:$0x2] =	stream.linear.gather [hbm4b:s1+s3], $0xC8, $0x38;
	[tilespmem:$0x19F00] =	vst v63  }
0x310: {  	_ =	swait.ge [sflag:s13], $0xC8  }
0x311: {  	[sflag:s13] =	ssyncset.done $0x0  }
0x312: {  	[sflag:s13] =	ssyncadd.s32 $0xFFFFFF38  }
0x313: {  	[spmem:s2] =	stream.indirect.scatter.add.f32 [tilespmem:s6], [sflag:$0x3], $0x80, s3, s14, $0xb8;
	[tilespmem:$0x19F00] =	vst v63  }
0x314: {  	_ =	swait.ge [sflag:s7], $0x6400  }
0x315: {  	s1 =	sld [smem:$0x7FC]  }
0x316: {  	[sflag:s7] =	ssyncset.done $0x0  }
0x317: {  	[sflag:s7] =	ssyncadd.s32 $0xFFFF9C00  }
0x318: {  	[tilespmem:s3], [sflag:$0x1] =	stream.linear.gather [hbm4b:s1+s3], $0xC8, $0x38;
	[tilespmem:$0x19F00] =	vst v63  }
0x319: {  	_ =	swait.ge [sflag:s15], $0xC8  }
0x31a: {  	[sflag:s15] =	ssyncset.done $0x0  }
0x31b: {  	[sflag:s15] =	ssyncadd.s32 $0xFFFFFF38  }
0x31c: {  	[spmem:s2] =	stream.indirect.scatter.add.f32 [tilespmem:s6], [sflag:$0x3], $0x80, s5, s14, $0xb8;
	[tilespmem:$0x19F00] =	vst v63  }
0x31d: {  	_ =	swait.ge [sflag:s7], $0x6400  }
0x31e: {  	s1 =	sld [smem:$0x7FD]  }
0x31f: {  	[sflag:s7] =	ssyncset.done $0x0  }
0x320: {  	[sflag:s7] =	ssyncadd.s32 $0xFFFF9C00  }
0x321: {  	[tilespmem:s5], [sflag:$0x2] =	stream.linear.gather [hbm4b:s1+s3], $0xC8, $0x38;
	[tilespmem:$0x19F00] =	vst v63  }
0x322: {  	_ =	swait.ge [sflag:s13], $0xC8  }
0x323: {  	[sflag:s13] =	ssyncset.done $0x0  }
0x324: {  	[sflag:s13] =	ssyncadd.s32 $0xFFFFFF38  }
0x325: {  	[spmem:s2] =	stream.indirect.scatter.add.f32 [tilespmem:s6], [sflag:$0x3], $0x80, s3, s14, $0xb8;
	[tilespmem:$0x19F00] =	vst v63  }
0x326: {  	_ =	swait.ge [sflag:s7], $0x6400  }
0x327: {  	[sflag:s7] =	ssyncset.done $0x0  }
0x328: {  	[sflag:s7] =	ssyncadd.s32 $0xFFFF9C00  }
0x329: {  	[tilespmem:s3], [sflag:$0x1] =	stream.linear.gather [hbm4b:s16+s3], $0xC8, $0x38;
	[tilespmem:$0x19F00] =	vst v63  }
0x32a: {  	_ =	swait.ge [sflag:s15], $0xC8  }
0x32b: {  	[sflag:s15] =	ssyncset.done $0x0  }
0x32c: {  	[sflag:s15] =	ssyncadd.s32 $0xFFFFFF38  }
0x32d: {  	[spmem:s2] =	stream.indirect.scatter.add.f32 [tilespmem:s6], [sflag:$0x3], $0x80, s5, s14, $0xb8;
	[tilespmem:$0x19F00] =	vst v63  }
0x32e: {  	_ =	swait.ge [sflag:s7], $0x6400  }
0x32f: {  	[sflag:s7] =	ssyncset.done $0x0  }
0x330: {  	[sflag:s7] =	ssyncadd.s32 $0xFFFF9C00  }
0x331: {  	[tilespmem:s5], [sflag:$0x2] =	stream.linear.gather [hbm4b:s17+s3], $0xC8, $0x38;
	[tilespmem:$0x19F00] =	vst v63  }
0x332: {  	_ =	swait.ge [sflag:s13], $0xC8  }
0x333: {  	[sflag:s13] =	ssyncset.done $0x0  }
0x334: {  	[sflag:s13] =	ssyncadd.s32 $0xFFFFFF38  }
0x335: {  	[spmem:s2] =	stream.indirect.scatter.add.f32 [tilespmem:s6], [sflag:$0x3], $0x80, s3, s14, $0xb8;
	[tilespmem:$0x19F00] =	vst v63  }
0x336: {  	_ =	swait.ge [sflag:s7], $0x6400  }
0x337: {  	[sflag:s7] =	ssyncset.done $0x0  }
0x338: {  	[sflag:s7] =	ssyncadd.s32 $0xFFFF9C00  }
0x339: {  	[tilespmem:s3], [sflag:$0x1] =	stream.linear.gather [hbm4b:s18+s3], $0xC8, $0x38;
	[tilespmem:$0x19F00] =	vst v63  }
0x33a: {  	_ =	swait.ge [sflag:s15], $0xC8  }
0x33b: {  	[sflag:s15] =	ssyncset.done $0x0  }
0x33c: {  	[sflag:s15] =	ssyncadd.s32 $0xFFFFFF38  }
0x33d: {  	[spmem:s2] =	stream.indirect.scatter.add.f32 [tilespmem:s6], [sflag:$0x3], $0x80, s5, s14, $0xb8;
	[tilespmem:$0x19F00] =	vst v63  }
0x33e: {  	_ =	swait.ge [sflag:s7], $0x6400  }
0x33f: {  	[sflag:s7] =	ssyncset.done $0x0  }
0x340: {  	[sflag:s7] =	ssyncadd.s32 $0xFFFF9C00  }
0x341: {  	[tilespmem:s5], [sflag:$0x2] =	stream.linear.gather [hbm4b:s19+s3], $0xC8, $0x38;
	[tilespmem:$0x19F00] =	vst v63  }
0x342: {  	_ =	swait.ge [sflag:s13], $0xC8  }
0x343: {  	[sflag:s13] =	ssyncset.done $0x0  }
0x344: {  	[sflag:s13] =	ssyncadd.s32 $0xFFFFFF38  }
0x345: {  	[spmem:s2] =	stream.indirect.scatter.add.f32 [tilespmem:s6], [sflag:$0x3], $0x80, s3, s14, $0xb8;
	[tilespmem:$0x19F00] =	vst v63  }
0x346: {  	_ =	swait.ge [sflag:s7], $0x6400  }
0x347: {  	[sflag:s7] =	ssyncset.done $0x0  }
0x348: {  	[sflag:s7] =	ssyncadd.s32 $0xFFFF9C00  }
0x349: {  	[tilespmem:s3], [sflag:$0x1] =	stream.linear.gather [hbm4b:s20+s3], $0xC8, $0x38;
	[tilespmem:$0x19F00] =	vst v63  }
0x34a: {  	_ =	swait.ge [sflag:s15], $0xC8  }
0x34b: {  	[sflag:s15] =	ssyncset.done $0x0  }
0x34c: {  	[sflag:s15] =	ssyncadd.s32 $0xFFFFFF38  }
0x34d: {  	[spmem:s2] =	stream.indirect.scatter.add.f32 [tilespmem:s6], [sflag:$0x3], $0x80, s5, s14, $0xb8;
	[tilespmem:$0x19F00] =	vst v63  }
0x34e: {  	_ =	swait.ge [sflag:s7], $0x6400  }
0x34f: {  	[sflag:s7] =	ssyncset.done $0x0  }
0x350: {  	[sflag:s7] =	ssyncadd.s32 $0xFFFF9C00  }
0x351: {  	[tilespmem:s5], [sflag:$0x2] =	stream.linear.gather [hbm4b:s21+s3], $0xC8, $0x38;
	[tilespmem:$0x19F00] =	vst v63  }
0x352: {  	_ =	swait.ge [sflag:s13], $0xC8  }
0x353: {  	[sflag:s13] =	ssyncset.done $0x0  }
0x354: {  	[sflag:s13] =	ssyncadd.s32 $0xFFFFFF38  }
0x355: {  	[spmem:s2] =	stream.indirect.scatter.add.f32 [tilespmem:s6], [sflag:$0x3], $0x80, s3, s14, $0xb8;
	[tilespmem:$0x19F00] =	vst v63  }
0x356: {  	_ =	swait.ge [sflag:s7], $0x6400  }
0x357: {  	[sflag:s7] =	ssyncset.done $0x0  }
0x358: {  	[sflag:s7] =	ssyncadd.s32 $0xFFFF9C00  }
0x359: {  	[tilespmem:s3], [sflag:$0x1] =	stream.linear.gather [hbm4b:s22+s3], $0xC8, $0x38;
	[tilespmem:$0x19F00] =	vst v63  }
0x35a: {  	_ =	swait.ge [sflag:s15], $0xC8  }
0x35b: {  	[sflag:s15] =	ssyncset.done $0x0  }
0x35c: {  	[sflag:s15] =	ssyncadd.s32 $0xFFFFFF38  }
0x35d: {  	[spmem:s2] =	stream.indirect.scatter.add.f32 [tilespmem:s6], [sflag:$0x3], $0x80, s5, s14, $0xb8;
	[tilespmem:$0x19F00] =	vst v63  }
0x35e: {  	_ =	swait.ge [sflag:s7], $0x6400  }
0x35f: {  	[sflag:s7] =	ssyncset.done $0x0  }
0x360: {  	[sflag:s7] =	ssyncadd.s32 $0xFFFF9C00  }
0x361: {  	[tilespmem:s5], [sflag:$0x2] =	stream.linear.gather [hbm4b:s23+s3], $0xC8, $0x38;
	[tilespmem:$0x19F00] =	vst v63  }
0x362: {  	_ =	swait.ge [sflag:s13], $0xC8  }
0x363: {  	[sflag:s13] =	ssyncset.done $0x0  }
0x364: {  	[sflag:s13] =	ssyncadd.s32 $0xFFFFFF38  }
0x365: {  	[spmem:s2] =	stream.indirect.scatter.add.f32 [tilespmem:s6], [sflag:$0x3], $0x80, s3, s14, $0xb8;
	[tilespmem:$0x19F00] =	vst v63  }
0x366: {  	_ =	swait.ge [sflag:s7], $0x6400  }
0x367: {  	[sflag:s7] =	ssyncset.done $0x0  }
0x368: {  	[sflag:s7] =	ssyncadd.s32 $0xFFFF9C00  }
0x369: {  	[tilespmem:s3], [sflag:$0x1] =	stream.linear.gather [hbm4b:s24+s3], $0xC8, $0x38;
	[tilespmem:$0x19F00] =	vst v63  }
0x36a: {  	_ =	swait.ge [sflag:s15], $0xC8  }
0x36b: {  	[sflag:s15] =	ssyncset.done $0x0  }
0x36c: {  	[sflag:s15] =	ssyncadd.s32 $0xFFFFFF38  }
0x36d: {  	[spmem:s2] =	stream.indirect.scatter.add.f32 [tilespmem:s6], [sflag:$0x3], $0x80, s5, s14, $0xb8;
	[tilespmem:$0x19F00] =	vst v63  }
0x36e: {  	_ =	swait.ge [sflag:s7], $0x6400  }
0x36f: {  	[sflag:s7] =	ssyncset.done $0x0  }
0x370: {  	[sflag:s7] =	ssyncadd.s32 $0xFFFF9C00  }
0x371: {  	[tilespmem:s5], [sflag:$0x2] =	stream.linear.gather [hbm4b:s25+s3], $0xC8, $0x38;
	[tilespmem:$0x19F00] =	vst v63  }
0x372: {  	_ =	swait.ge [sflag:s13], $0xC8  }
0x373: {  	[sflag:s13] =	ssyncset.done $0x0  }
0x374: {  	[sflag:s13] =	ssyncadd.s32 $0xFFFFFF38  }
0x375: {  	[spmem:s2] =	stream.indirect.scatter.add.f32 [tilespmem:s6], [sflag:$0x3], $0x80, s3, s14, $0xb8;
	[tilespmem:$0x19F00] =	vst v63  }
0x376: {  	_ =	swait.ge [sflag:s7], $0x6400  }
0x377: {  	[sflag:s7] =	ssyncset.done $0x0  }
0x378: {  	[sflag:s7] =	ssyncadd.s32 $0xFFFF9C00  }
0x379: {  	[tilespmem:s3], [sflag:$0x1] =	stream.linear.gather [hbm4b:s26+s3], $0xC8, $0x38;
	[tilespmem:$0x19F00] =	vst v63  }
0x37a: {  	_ =	swait.ge [sflag:s15], $0xC8  }
0x37b: {  	[sflag:s15] =	ssyncset.done $0x0  }
0x37c: {  	[sflag:s15] =	ssyncadd.s32 $0xFFFFFF38  }
0x37d: {  	[spmem:s2] =	stream.indirect.scatter.add.f32 [tilespmem:s6], [sflag:$0x3], $0x80, s5, s14, $0xb8;
	[tilespmem:$0x19F00] =	vst v63  }
0x37e: {  	_ =	swait.ge [sflag:s7], $0x6400  }
0x37f: {  	[sflag:s7] =	ssyncset.done $0x0  }
0x380: {  	[sflag:s7] =	ssyncadd.s32 $0xFFFF9C00  }
0x381: {  	[tilespmem:s5], [sflag:$0x2] =	stream.linear.gather [hbm4b:s28+s3], $0xC8, $0x38;
	[tilespmem:$0x19F00] =	vst v63  }
0x382: {  	_ =	swait.ge [sflag:s13], $0xC8  }
0x383: {  	[sflag:s13] =	ssyncset.done $0x0  }
0x384: {  	[sflag:s13] =	ssyncadd.s32 $0xFFFFFF38  }
0x385: {  	[spmem:s2] =	stream.indirect.scatter.add.f32 [tilespmem:s6], [sflag:$0x3], $0x80, s3, s14, $0xb8;
	[tilespmem:$0x19F00] =	vst v63  }
0x386: {  	_ =	swait.ge [sflag:s7], $0x6400  }
0x387: {  	[sflag:s7] =	ssyncset.done $0x0  }
0x388: {  	[sflag:s7] =	ssyncadd.s32 $0xFFFF9C00  }
0x389: {  	_ =	swait.ge [sflag:s15], $0xC8  }
0x38a: {  	[sflag:s15] =	ssyncset.done $0x0  }
0x38b: {  	[sflag:s15] =	ssyncadd.s32 $0xFFFFFF38  }
0x38c: {  	[spmem:s2] =	stream.indirect.scatter.add.f32 [tilespmem:s6], [sflag:$0x3], $0x80, s5, s14, $0xb8;
	[tilespmem:$0x19F00] =	vst v63  }
0x38d: {  	s30 =	sadd.s32 $0xFFFFFFFF, s30;
	_ =	swait.ge [sflag:s7], $0x6400  }
0x38e: {  	p2 =	sne.s32 s30, $0x0;
	[sflag:s7] =	ssyncset.done $0x0  }
.Ltmp1:
0x38f: {  	[sflag:s7] =	ssyncadd.s32 $0xFFFF9C00;
	(pc) =	sbr.rel @p2 .LBB2_1-.Ltmp1, $4  }
0x390: {  	[bflag:$0x0] =	sbarrier.arrive $0xFFFF  }
0x391: {  	[hbm:s29], [sflag:s12] =	dma.local @!p0 [spmem:s31], $0x3E80  }
0x392: {  	_ =	swait.ge @!p0 [sflag:s11], $0x3E80  }
0x393: {  	[sflag:s11] =	ssyncset.done @!p0 $0x0  }
.LBB2_2:
0x394: {  	[sflag:s11] =	ssyncadd.s32 @!p0 $0xFFFFC180  }
0x395: {  	_ =	sfence.sel $0x180000  }
0x396: {  	[bflag:$0x0] =	sbarrier.arrive $0xFFFF  }
0x397: {  	_ =	strace $0x90000047  }
0x398: {  	s0 =	stileid.u32;
	[bflag:$0x2] =	sbarrier.arrive $0xFFFF  }
0x399: {  	p0 =	sne.s32 s0, $0x0;
	s0 =	rddreg [dreg:$0x3]  }
0x39a: {  	s0 =	sadd.s32 @!p0 $0x100000, s0  }
0x39b: {  	[sflag:s0] =	ssyncadd.tile.s32 @!p0 $0x1;
	_ =	shalt  }
.Lfunc_end2:
_tile_overlayer_lowered:
.L_overlay_start_2:
0x39c: {  	(tag) =	ssettag $0x2  }
0x39d: {  	s0 =	rddreg [dreg:$0x0];
	s2 =	stileid.u32  }
0x39e: {  	s1 =	rddreg [dreg:$0x1];
	p0 =	sne.s32 s2, $0x0  }
0x39f: {  	s3 =	rddreg [dreg:$0x2];
	[bflag:$0x3] =	sbarrier.arrive $0xFFFF;
	s2 =	simm.s32 @!p0 $0x1C03  }
0x3a0: {  	[timem:s3], [sflag:s2] =	dma.local @!p0 [hbm:s0], s1  }
0x3a1: {  	s0 =	simm.s32 @!p0 $0x3  }
0x3a2: {  	_ =	swait.ge @!p0 [sflag:s0], s1  }
0x3a3: {  	s1 =	ssub.s32 @!p0 $0x0, s1;
	[sflag:s0] =	ssyncset.done @!p0 $0x0  }
0x3a4: {  	[sflag:s0] =	ssyncadd.s32 @!p0 s1  }
0x3a5: {  	[bflag:$0x3] =	sbarrier.arrive $0xFFFF  }
0x3a6: {  	_ =	shalt  }

</sc_bundles>
